<compile_context>
chip_gen: v7x
topology: tpu7x:2x2x1
jax: 0.10.2.dev20260603
libtpu: 0.0.44.dev20260713+nightly
codegen_flags: <defaults>
</compile_context>

<pallas_src>
import functools

import jax
import jax.numpy as jnp
from jax import lax
from jax.experimental import pallas as pl
from jax.experimental.pallas import tpu as pltpu
from jax.experimental.pallas import tpu_sc as plsc

_B = 16384
_F = 26
_V = 100000
_D = 16
_DEEP_IN = _F * _D
_H1 = 64
_H2 = 32

_NC = 2
_NS = 16
_NW = _NC * _NS
_NPAD = 32
_NIDX = _B * _NPAD
_NPW = _NIDX // _NW
_RPW = _NPW // 128
_RPG = 16
_GROUPS = _RPW // _RPG
_IPG = _RPG * 128


_TW = 512
_CPF = (_V - 160) // _TW
_VMAIN = _CPF * _TW
_NCH = _F * _CPF
_TAIL = _V - _VMAIN
_TAILSZ = _TAIL * _D
_NBUF = 4


def _sc_transpose_body(tab_hbm, tail_hbm, out_hbm,
                       in_v0, in_v1, in_v2, in_v3,
                       out_v0, out_v1, out_v2, out_v3, tail_v,
                       sin0, sin1, sin2, sin3,
                       sout0, sout1, sout2, sout3):
    w = lax.axis_index("s") * _NC + lax.axis_index("c")
    iota = lax.iota(jnp.int32, 16)
    in_bufs = (in_v0, in_v1, in_v2, in_v3)
    out_bufs = (out_v0, out_v1, out_v2, out_v3)
    sins = (sin0, sin1, sin2, sin3)
    souts = (sout0, sout1, sout2, sout3)

    @pl.when(w < _F)
    def _():
        pltpu.sync_copy(tail_hbm.at[pl.ds(w * _TAILSZ, _TAILSZ)], tail_v)
        pltpu.sync_copy(tail_v,
                        out_hbm.at[pl.ds((w * _V + _VMAIN) * _D, _TAILSZ)])

    def valid(k):
        return k * _NW + w < _NCH

    def in_copy(b, k):
        t = k * _NW + w
        f = t // _CPF
        v0 = (t % _CPF) * _TW
        return pltpu.make_async_copy(
            tab_hbm.at[f, :, pl.ds(v0, _TW)], in_bufs[b], sins[b])

    def out_copy(b, k):
        t = k * _NW + w
        f = t // _CPF
        v0 = (t % _CPF) * _TW
        return pltpu.make_async_copy(
            out_bufs[b], out_hbm.at[pl.ds((f * _V + v0) * _D, _TW * _D)],
            souts[b])

    for b in range(_NBUF):
        in_copy(b, b).start()

    def outer(kq, carry):
        for b in range(_NBUF):
            k = kq * _NBUF + b

            @pl.when(valid(k))
            def _(b=b, k=k):
                @pl.when(kq > 0)
                def _():
                    out_copy(b, k - _NBUF).wait()
                in_copy(b, k).wait()

                @plsc.parallel_loop(0, _TW, 1, unroll=8)
                def _(v):
                    vv = jnp.bitwise_and(v + iota, _TW - 1)
                    col = plsc.load_gather(in_bufs[b], [iota, vv])
                    plsc.store_scatter(out_bufs[b], [vv * _D + iota], col)

                @pl.when(valid(k + _NBUF))
                def _():
                    in_copy(b, k + _NBUF).start()
                out_copy(b, k).start()
        return carry

    nk = (_NCH + _NW - 1) // _NW
    lax.fori_loop(0, (nk + _NBUF - 1) // _NBUF, outer, 0)
    for b in range(_NBUF):
        out_copy(b, b).wait()


def _sc_transpose(tab_dmajor, tail_flat):
    mesh = plsc.VectorSubcoreMesh(core_axis_name="c", subcore_axis_name="s")
    return pl.kernel(
        _sc_transpose_body,
        mesh=mesh,
        out_type=jax.ShapeDtypeStruct((_F * _V * _D,), jnp.float32),
        scratch_types=(
            [pltpu.VMEM((_D, _TW), jnp.float32)] * _NBUF
            + [pltpu.VMEM((_TW * _D,), jnp.float32)] * _NBUF
            + [pltpu.VMEM((_TAILSZ,), jnp.float32)]
            + [pltpu.SemaphoreType.DMA] * (2 * _NBUF)
        ),
        compiler_params=pltpu.CompilerParams(
            use_tc_tiling_on_sc=True, needs_layout_passes=False),
    )(tab_dmajor, tail_flat)


def _sc_gather_body(idx_hbm, table_hbm, out_hbm, idx_v, rows_v, sem):
    wid = lax.axis_index("s") * _NC + lax.axis_index("c")
    pltpu.sync_copy(idx_hbm.at[pl.ds(wid * _RPW, _RPW)], idx_v)
    out_base = wid * _NPW

    def group(g, carry):
        copies = []
        for j in range(_RPG):
            c = pltpu.async_copy(
                table_hbm.at[idx_v.at[g * _RPG + j]],
                rows_v.at[pl.ds(j * 128, 128)],
                sem,
            )
            copies.append(c)
        for c in copies:
            c.wait()
        pltpu.sync_copy(rows_v, out_hbm.at[pl.ds(out_base + g * _IPG, _IPG)])
        return carry

    lax.fori_loop(0, _GROUPS, group, 0)


def _sc_gather(idx2d, table_flat):
    mesh = plsc.VectorSubcoreMesh(core_axis_name="c", subcore_axis_name="s")
    return pl.kernel(
        _sc_gather_body,
        mesh=mesh,
        out_type=jax.ShapeDtypeStruct((_NIDX, _D), jnp.float32),
        scratch_types=[
            pltpu.VMEM((_RPW, 128), jnp.int32),
            pltpu.VMEM((_IPG, _D), jnp.float32),
            pltpu.SemaphoreType.DMA,
        ],
        compiler_params=pltpu.CompilerParams(use_tc_tiling_on_sc=False),
    )(idx2d, table_flat)


_BM = 2048


def _tc_body(x_ref, m_ref, s_ref, wlin_ref, w1_ref, b1_ref, w2_ref,
             b2_ref, w3_ref, bias_ref, out_ref):
    m = m_ref[...].reshape(_BM, 4, 128)
    lane = lax.broadcasted_iota(jnp.int32, (_BM, 128), 1)
    es = (m[:, 0], m[:, 1], m[:, 2],
          jnp.where(lane < 32, m[:, 3], 0.0))
    xf = x_ref[...].astype(jnp.float32)
    lin = xf @ wlin_ref[...]
    sv = s_ref[...]
    w1v = w1_ref[...]
    s = jnp.zeros((_BM, _D), jnp.float32)
    sq = jnp.zeros((_BM, 1), jnp.float32)
    h = jnp.zeros((_BM, _H1), jnp.float32)
    for j in range(4):
        e = es[j]
        s = s + jnp.dot(e, sv[j * 128:(j + 1) * 128],
                        preferred_element_type=jnp.float32)
        sq = sq + jnp.sum(e * e, axis=1, keepdims=True)
        h = h + jnp.dot(e, w1v[j * 128:(j + 1) * 128],
                        preferred_element_type=jnp.float32)
    fm = 0.5 * (jnp.sum(s * s, axis=1, keepdims=True) - sq)
    h = jnp.maximum(h + b1_ref[...], 0.0)
    h = jnp.dot(h, w2_ref[...], preferred_element_type=jnp.float32) + b2_ref[...]
    h = jnp.maximum(h, 0.0)
    deep = jnp.dot(h, w3_ref[...], preferred_element_type=jnp.float32)
    out_ref[...] = jax.nn.sigmoid(lin + fm + deep + bias_ref[0, 0])


def _tc_call(X, m2d, s_mat, w_lin, w1f, b1f, w2f, b2f, w3, bias):
    grid = (_B // _BM,)
    return pl.pallas_call(
        _tc_body,
        grid=grid,
        in_specs=[
            pl.BlockSpec((_BM, _F), lambda i: (i, 0)),
            pl.BlockSpec((_BM * 4, 128), lambda i: (i, 0)),
            pl.BlockSpec((_NPAD * _D, _D), lambda i: (0, 0)),
            pl.BlockSpec((_F, 1), lambda i: (0, 0)),
            pl.BlockSpec((_NPAD * _D, _H1), lambda i: (0, 0)),
            pl.BlockSpec((1, _H1), lambda i: (0, 0)),
            pl.BlockSpec((_H1, _H2), lambda i: (0, 0)),
            pl.BlockSpec((1, _H2), lambda i: (0, 0)),
            pl.BlockSpec((_H2, 1), lambda i: (0, 0)),
            pl.BlockSpec((1, 1), lambda i: (0, 0)),
        ],
        out_specs=pl.BlockSpec((_BM, 1), lambda i: (i, 0)),
        out_shape=jax.ShapeDtypeStruct((_B, 1), jnp.float32),
    )(X, m2d, s_mat, w_lin, w1f, b1f, w2f, b2f, w3, bias)


def kernel(X, tables, W_lin, b_lin, W1, b1, g1, be1, W2, b2, g2, be2, W3, b3):
    eps = 1e-5
    inv = 1.0 / jnp.sqrt(1.0 + eps)
    s1 = g1 * inv
    w1f = W1 * s1[None, :]
    b1f = (b1 * s1 + be1)[None, :]
    s2 = g2 * inv
    w2f = W2 * s2[None, :]
    b2f = (b2 * s2 + be2)[None, :]
    idx = jnp.concatenate(
        [X + jnp.arange(_F, dtype=jnp.int32)[None, :] * _V,
         jnp.zeros((_B, _NPAD - _F), jnp.int32)], axis=1).reshape(
        _NIDX // 128, 128)
    tab_dmajor = jnp.transpose(tables, (0, 2, 1))
    tail_flat = tables[:, _VMAIN:, :].reshape(_F * _TAILSZ)
    table_flat = _sc_transpose(tab_dmajor, tail_flat).reshape(_F * _V, _D)
    m2d = _sc_gather(idx, table_flat).reshape(_B * 4, 128)
    s_mat = jnp.concatenate(
        [jnp.tile(jnp.eye(_D, dtype=jnp.float32), (_F, 1)),
         jnp.zeros(((_NPAD - _F) * _D, _D), jnp.float32)])
    w1p = jnp.concatenate(
        [w1f, jnp.zeros(((_NPAD - _F) * _D, _H1), jnp.float32)])
    bias = (b_lin + b3).reshape(1, 1)
    return _tc_call(X, m2d, s_mat, W_lin, w1p, b1f, w2f, b2f, W3, bias)

# --- scband reference (transcript-rebuilt; emitter-appended) ---
"""Pipeline reference for scband-deep-fm-72524817760656 (READ-ONLY COPY).

The authoritative reference and input builder live on the scoring server;
editing this copy changes nothing except your own understanding.
"""

import jax, jax.numpy as jnp
import numpy as np

B = 16384
F = 26
V = 100000
D = 16
H1 = 64
H2 = 32
DEEP_IN = F * D


def setup_inputs(seed: int = 0):
    key = jax.random.key(seed)
    ks = jax.random.split(key, 8)
    X = jax.random.randint(ks[0], (B, F), 0, V, dtype=jnp.int32)
    tables = jax.random.normal(ks[1], (F, V, D), dtype=jnp.float32) * 0.01
    W_lin = jax.random.normal(ks[2], (F, 1), dtype=jnp.float32) * 0.01
    b_lin = jnp.zeros((1,), dtype=jnp.float32)
    W1 = jax.random.normal(ks[3], (DEEP_IN, H1), dtype=jnp.float32) * (1.0 / np.sqrt(DEEP_IN))
    b1 = jnp.zeros((H1,), dtype=jnp.float32)
    g1 = jnp.ones((H1,), dtype=jnp.float32)
    be1 = jnp.zeros((H1,), dtype=jnp.float32)
    W2 = jax.random.normal(ks[4], (H1, H2), dtype=jnp.float32) * (1.0 / np.sqrt(H1))
    b2 = jnp.zeros((H2,), dtype=jnp.float32)
    g2 = jnp.ones((H2,), dtype=jnp.float32)
    be2 = jnp.zeros((H2,), dtype=jnp.float32)
    W3 = jax.random.normal(ks[5], (H2, 1), dtype=jnp.float32) * (1.0 / np.sqrt(H2))
    b3 = jnp.zeros((1,), dtype=jnp.float32)
    return {"X": X, "tables": tables, "W_lin": W_lin, "b_lin": b_lin,
            "W1": W1, "b1": b1, "g1": g1, "be1": be1,
            "W2": W2, "b2": b2, "g2": g2, "be2": be2,
            "W3": W3, "b3": b3}


def reference(X, tables, W_lin, b_lin, W1, b1, g1, be1, W2, b2, g2, be2, W3, b3):
    eps = 1e-5
    field_idx = jnp.arange(F)[None, :]
    # per-field embedding lookup -> [B, F, D]
    emb = tables[field_idx, X]
    # wide/linear part over raw (long->float) feature indices
    linear_part = X.astype(jnp.float32) @ W_lin + b_lin
    # FM second-order interaction
    s = jnp.sum(emb, axis=1)
    sq = jnp.sum(emb * emb, axis=1)
    fm_part = 0.5 * jnp.sum(s * s - sq, axis=1, keepdims=True)
    # deep MLP with BatchNorm (eval mode: running_mean=0, running_var=1)
    h = emb.reshape(-1, DEEP_IN)
    h = h @ W1 + b1
    h = g1 * h / jnp.sqrt(1.0 + eps) + be1
    h = jax.nn.relu(h)
    h = h @ W2 + b2
    h = g2 * h / jnp.sqrt(1.0 + eps) + be2
    h = jax.nn.relu(h)
    deep_part = h @ W3 + b3
    return jax.nn.sigmoid(linear_part + fm_part + deep_part)

if __name__ == "__main__":
    import jax
    _d = setup_inputs()
    print(jax.jit(kernel)(*tuple(_d.values())))

</pallas_src>

<mosaic_0001>
#map = affine_map<(d0, d1) -> (0, 0)>
module attributes {stable_mosaic.version = 14 : i64} {
  func.func @_sc_gather_body(%arg0: i32, %arg1: i32, %arg2: memref<4096x128xi32, #tpu.memory_space<hbm>>, %arg3: memref<2600000x16xf32, #tpu.memory_space<hbm>>, %arg4: memref<524288x16xf32, #tpu.memory_space<hbm>>, %arg5: memref<128x128xi32, #tpu.memory_space<vmem>>, %arg6: memref<2048x16xf32, #tpu.memory_space<vmem>>, %arg7: memref<!tpu.dma_semaphore, #tpu.memory_space<semaphore_mem>>) attributes {dimension_semantics = [#tpu.dimension_semantics<core_parallel>, #tpu.dimension_semantics<subcore_parallel>], iteration_bounds = array<i64: 2, 16>, scalar_prefetch = 0 : i64, scratch_operands = 3 : i64, tpu.core_type = #tpu.core_type<sc_vector_subcore>, window_params = [{transform_indices = #map}, {transform_indices = #map}, {transform_indices = #map}]} {
    %mul3A = arith.constant 2 : i32
    %mul3A_0 = arith.muli %arg1, %mul3A : i32
    %add3A = arith.addi %mul3A_0, %arg0 : i32
    %mul3A_1 = arith.constant 128 : i32
    %mul3A_2 = arith.muli %add3A, %mul3A_1 : i32
    "tpu.region"() ({
      %run_scoped3A = tpu.sem_alloc : memref<!tpu.dma_semaphore, #tpu.memory_space<semaphore_mem>>
      %dma_start3A = arith.constant 0 : i32
      %dma_start3A_10 = tpu.memref_slice %arg2[%mul3A_2, %dma_start3A] : memref<4096x128xi32, #tpu.memory_space<hbm>> -> memref<128x128xi32, #tpu.memory_space<hbm>>
      %dma_start3A_11 = arith.constant 0 : i32
      %dma_start3A_12 = tpu.memref_slice %arg2[%mul3A_2, %dma_start3A_11] : memref<4096x128xi32, #tpu.memory_space<hbm>> -> memref<128x128xi32, #tpu.memory_space<hbm>>
      tpu.enqueue_dma source(%dma_start3A_12 : memref<128x128xi32, #tpu.memory_space<hbm>>) target(%arg5 : memref<128x128xi32, #tpu.memory_space<vmem>>) target_semaphore(%run_scoped3A : memref<!tpu.dma_semaphore, #tpu.memory_space<semaphore_mem>>)
      %dma_wait3A = arith.constant 0 : i32
      %dma_wait3A_13 = tpu.memref_slice %arg2[%mul3A_2, %dma_wait3A] : memref<4096x128xi32, #tpu.memory_space<hbm>> -> memref<128x128xi32, #tpu.memory_space<hbm>>
      %dma_wait3A_14 = arith.constant 0 : i32
      %dma_wait3A_15 = tpu.memref_slice %arg2[%mul3A_2, %dma_wait3A_14] : memref<4096x128xi32, #tpu.memory_space<hbm>> -> memref<128x128xi32, #tpu.memory_space<hbm>>
      tpu.wait_dma2 semaphore(%run_scoped3A : memref<!tpu.dma_semaphore, #tpu.memory_space<semaphore_mem>>) src(%dma_wait3A_15 : memref<128x128xi32, #tpu.memory_space<hbm>>) dst(%arg5 : memref<128x128xi32, #tpu.memory_space<vmem>>)
      tpu.yield
    }) : () -> ()
    %mul3A_3 = arith.constant 16384 : i32
    %mul3A_4 = arith.muli %add3A, %mul3A_3 : i32
    %scan3A = arith.constant 0 : i32
    %scan3A_5 = arith.constant 0 : i32
    %scan3A_6 = arith.constant 8 : i32
    %scan3A_7 = arith.addi %scan3A_5, %scan3A_6 : i32
    %scan3A_8 = arith.constant 1 : i32
    scf.for %scan3A_10 = %scan3A_5 to %scan3A_7 step %scan3A_8  : i32 {
      %mul3A_11 = arith.constant 16 : i32
      %mul3A_12 = arith.muli %scan3A_10, %mul3A_11 : i32
      %add3A_13 = arith.constant 0 : i32
      %add3A_14 = arith.addi %mul3A_12, %add3A_13 : i32
      %dma_start3A = arith.constant 0 : i32
      %dma_start3A_15 = arith.constant 0 : i32
      %dma_start3A_16 = tpu.memref_slice %arg6[%dma_start3A, %dma_start3A_15] : memref<2048x16xf32, #tpu.memory_space<vmem>> -> memref<128x16xf32, #tpu.memory_space<vmem>>
      %dma_start3A_17 = arith.constant 0 : i32
      %dma_start3A_18 = tpu.memref_slice %arg5[%add3A_14, %dma_start3A_17] : memref<128x128xi32, #tpu.memory_space<vmem>> -> memref<1x128xi32, #tpu.memory_space<vmem>>
      %dma_start3A_19 = tpu.memref_squeeze %dma_start3A_18 : memref<1x128xi32, #tpu.memory_space<vmem>> -> memref<128xi32, #tpu.memory_space<vmem>>
      %dma_start3A_20 = arith.constant 0 : i32
      %dma_start3A_21 = arith.constant 0 : i32
      %dma_start3A_22 = tpu.memref_slice %arg3[%dma_start3A_20, %dma_start3A_21] : memref<2600000x16xf32, #tpu.memory_space<hbm>> -> memref<2600000x16xf32, #tpu.memory_space<hbm>>
      tpu.enqueue_indirect_dma source(%dma_start3A_22 : memref<2600000x16xf32, #tpu.memory_space<hbm>>) target(%dma_start3A_16 : memref<128x16xf32, #tpu.memory_space<vmem>>) offsets(%dma_start3A_19 : memref<128xi32, #tpu.memory_space<vmem>>) semaphore(%arg7 : memref<!tpu.dma_semaphore, #tpu.memory_space<semaphore_mem>>)
      %mul3A_23 = arith.constant 16 : i32
      %mul3A_24 = arith.muli %scan3A_10, %mul3A_23 : i32
      %add3A_25 = arith.constant 1 : i32
      %add3A_26 = arith.addi %mul3A_24, %add3A_25 : i32
      %dma_start3A_27 = arith.constant 128 : i32
      %dma_start3A_28 = arith.constant 0 : i32
      %dma_start3A_29 = tpu.memref_slice %arg6[%dma_start3A_27, %dma_start3A_28] : memref<2048x16xf32, #tpu.memory_space<vmem>> -> memref<128x16xf32, #tpu.memory_space<vmem>>
      %dma_start3A_30 = arith.constant 0 : i32
      %dma_start3A_31 = tpu.memref_slice %arg5[%add3A_26, %dma_start3A_30] : memref<128x128xi32, #tpu.memory_space<vmem>> -> memref<1x128xi32, #tpu.memory_space<vmem>>
      %dma_start3A_32 = tpu.memref_squeeze %dma_start3A_31 : memref<1x128xi32, #tpu.memory_space<vmem>> -> memref<128xi32, #tpu.memory_space<vmem>>
      %dma_start3A_33 = arith.constant 0 : i32
      %dma_start3A_34 = arith.constant 0 : i32
      %dma_start3A_35 = tpu.memref_slice %arg3[%dma_start3A_33, %dma_start3A_34] : memref<2600000x16xf32, #tpu.memory_space<hbm>> -> memref<2600000x16xf32, #tpu.memory_space<hbm>>
      tpu.enqueue_indirect_dma source(%dma_start3A_35 : memref<2600000x16xf32, #tpu.memory_space<hbm>>) target(%dma_start3A_29 : memref<128x16xf32, #tpu.memory_space<vmem>>) offsets(%dma_start3A_32 : memref<128xi32, #tpu.memory_space<vmem>>) semaphore(%arg7 : memref<!tpu.dma_semaphore, #tpu.memory_space<semaphore_mem>>)
      %mul3A_36 = arith.constant 16 : i32
      %mul3A_37 = arith.muli %scan3A_10, %mul3A_36 : i32
      %add3A_38 = arith.constant 2 : i32
      %add3A_39 = arith.addi %mul3A_37, %add3A_38 : i32
      %dma_start3A_40 = arith.constant 256 : i32
      %dma_start3A_41 = arith.constant 0 : i32
      %dma_start3A_42 = tpu.memref_slice %arg6[%dma_start3A_40, %dma_start3A_41] : memref<2048x16xf32, #tpu.memory_space<vmem>> -> memref<128x16xf32, #tpu.memory_space<vmem>>
      %dma_start3A_43 = arith.constant 0 : i32
      %dma_start3A_44 = tpu.memref_slice %arg5[%add3A_39, %dma_start3A_43] : memref<128x128xi32, #tpu.memory_space<vmem>> -> memref<1x128xi32, #tpu.memory_space<vmem>>
      %dma_start3A_45 = tpu.memref_squeeze %dma_start3A_44 : memref<1x128xi32, #tpu.memory_space<vmem>> -> memref<128xi32, #tpu.memory_space<vmem>>
      %dma_start3A_46 = arith.constant 0 : i32
      %dma_start3A_47 = arith.constant 0 : i32
      %dma_start3A_48 = tpu.memref_slice %arg3[%dma_start3A_46, %dma_start3A_47] : memref<2600000x16xf32, #tpu.memory_space<hbm>> -> memref<2600000x16xf32, #tpu.memory_space<hbm>>
      tpu.enqueue_indirect_dma source(%dma_start3A_48 : memref<2600000x16xf32, #tpu.memory_space<hbm>>) target(%dma_start3A_42 : memref<128x16xf32, #tpu.memory_space<vmem>>) offsets(%dma_start3A_45 : memref<128xi32, #tpu.memory_space<vmem>>) semaphore(%arg7 : memref<!tpu.dma_semaphore, #tpu.memory_space<semaphore_mem>>)
      %mul3A_49 = arith.constant 16 : i32
      %mul3A_50 = arith.muli %scan3A_10, %mul3A_49 : i32
      %add3A_51 = arith.constant 3 : i32
      %add3A_52 = arith.addi %mul3A_50, %add3A_51 : i32
      %dma_start3A_53 = arith.constant 384 : i32
      %dma_start3A_54 = arith.constant 0 : i32
      %dma_start3A_55 = tpu.memref_slice %arg6[%dma_start3A_53, %dma_start3A_54] : memref<2048x16xf32, #tpu.memory_space<vmem>> -> memref<128x16xf32, #tpu.memory_space<vmem>>
      %dma_start3A_56 = arith.constant 0 : i32
      %dma_start3A_57 = tpu.memref_slice %arg5[%add3A_52, %dma_start3A_56] : memref<128x128xi32, #tpu.memory_space<vmem>> -> memref<1x128xi32, #tpu.memory_space<vmem>>
      %dma_start3A_58 = tpu.memref_squeeze %dma_start3A_57 : memref<1x128xi32, #tpu.memory_space<vmem>> -> memref<128xi32, #tpu.memory_space<vmem>>
      %dma_start3A_59 = arith.constant 0 : i32
      %dma_start3A_60 = arith.constant 0 : i32
      %dma_start3A_61 = tpu.memref_slice %arg3[%dma_start3A_59, %dma_start3A_60] : memref<2600000x16xf32, #tpu.memory_space<hbm>> -> memref<2600000x16xf32, #tpu.memory_space<hbm>>
      tpu.enqueue_indirect_dma source(%dma_start3A_61 : memref<2600000x16xf32, #tpu.memory_space<hbm>>) target(%dma_start3A_55 : memref<128x16xf32, #tpu.memory_space<vmem>>) offsets(%dma_start3A_58 : memref<128xi32, #tpu.memory_space<vmem>>) semaphore(%arg7 : memref<!tpu.dma_semaphore, #tpu.memory_space<semaphore_mem>>)
      %mul3A_62 = arith.constant 16 : i32
      %mul3A_63 = arith.muli %scan3A_10, %mul3A_62 : i32
      %add3A_64 = arith.constant 4 : i32
      %add3A_65 = arith.addi %mul3A_63, %add3A_64 : i32
      %dma_start3A_66 = arith.constant 512 : i32
      %dma_start3A_67 = arith.constant 0 : i32
      %dma_start3A_68 = tpu.memref_slice %arg6[%dma_start3A_66, %dma_start3A_67] : memref<2048x16xf32, #tpu.memory_space<vmem>> -> memref<128x16xf32, #tpu.memory_space<vmem>>
      %dma_start3A_69 = arith.constant 0 : i32
      %dma_start3A_70 = tpu.memref_slice %arg5[%add3A_65, %dma_start3A_69] : memref<128x128xi32, #tpu.memory_space<vmem>> -> memref<1x128xi32, #tpu.memory_space<vmem>>
      %dma_start3A_71 = tpu.memref_squeeze %dma_start3A_70 : memref<1x128xi32, #tpu.memory_space<vmem>> -> memref<128xi32, #tpu.memory_space<vmem>>
      %dma_start3A_72 = arith.constant 0 : i32
      %dma_start3A_73 = arith.constant 0 : i32
      %dma_start3A_74 = tpu.memref_slice %arg3[%dma_start3A_72, %dma_start3A_73] : memref<2600000x16xf32, #tpu.memory_space<hbm>> -> memref<2600000x16xf32, #tpu.memory_space<hbm>>
      tpu.enqueue_indirect_dma source(%dma_start3A_74 : memref<2600000x16xf32, #tpu.memory_space<hbm>>) target(%dma_start3A_68 : memref<128x16xf32, #tpu.memory_space<vmem>>) offsets(%dma_start3A_71 : memref<128xi32, #tpu.memory_space<vmem>>) semaphore(%arg7 : memref<!tpu.dma_semaphore, #tpu.memory_space<semaphore_mem>>)
      %mul3A_75 = arith.constant 16 : i32
      %mul3A_76 = arith.muli %scan3A_10, %mul3A_75 : i32
      %add3A_77 = arith.constant 5 : i32
      %add3A_78 = arith.addi %mul3A_76, %add3A_77 : i32
      %dma_start3A_79 = arith.constant 640 : i32
      %dma_start3A_80 = arith.constant 0 : i32
      %dma_start3A_81 = tpu.memref_slice %arg6[%dma_start3A_79, %dma_start3A_80] : memref<2048x16xf32, #tpu.memory_space<vmem>> -> memref<128x16xf32, #tpu.memory_space<vmem>>
      %dma_start3A_82 = arith.constant 0 : i32
      %dma_start3A_83 = tpu.memref_slice %arg5[%add3A_78, %dma_start3A_82] : memref<128x128xi32, #tpu.memory_space<vmem>> -> memref<1x128xi32, #tpu.memory_space<vmem>>
      %dma_start3A_84 = tpu.memref_squeeze %dma_start3A_83 : memref<1x128xi32, #tpu.memory_space<vmem>> -> memref<128xi32, #tpu.memory_space<vmem>>
      %dma_start3A_85 = arith.constant 0 : i32
      %dma_start3A_86 = arith.constant 0 : i32
      %dma_start3A_87 = tpu.memref_slice %arg3[%dma_start3A_85, %dma_start3A_86] : memref<2600000x16xf32, #tpu.memory_space<hbm>> -> memref<2600000x16xf32, #tpu.memory_space<hbm>>
      tpu.enqueue_indirect_dma source(%dma_start3A_87 : memref<2600000x16xf32, #tpu.memory_space<hbm>>) target(%dma_start3A_81 : memref<128x16xf32, #tpu.memory_space<vmem>>) offsets(%dma_start3A_84 : memref<128xi32, #tpu.memory_space<vmem>>) semaphore(%arg7 : memref<!tpu.dma_semaphore, #tpu.memory_space<semaphore_mem>>)
      %mul3A_88 = arith.constant 16 : i32
      %mul3A_89 = arith.muli %scan3A_10, %mul3A_88 : i32
      %add3A_90 = arith.constant 6 : i32
      %add3A_91 = arith.addi %mul3A_89, %add3A_90 : i32
      %dma_start3A_92 = arith.constant 768 : i32
      %dma_start3A_93 = arith.constant 0 : i32
      %dma_start3A_94 = tpu.memref_slice %arg6[%dma_start3A_92, %dma_start3A_93] : memref<2048x16xf32, #tpu.memory_space<vmem>> -> memref<128x16xf32, #tpu.memory_space<vmem>>
      %dma_start3A_95 = arith.constant 0 : i32
      %dma_start3A_96 = tpu.memref_slice %arg5[%add3A_91, %dma_start3A_95] : memref<128x128xi32, #tpu.memory_space<vmem>> -> memref<1x128xi32, #tpu.memory_space<vmem>>
      %dma_start3A_97 = tpu.memref_squeeze %dma_start3A_96 : memref<1x128xi32, #tpu.memory_space<vmem>> -> memref<128xi32, #tpu.memory_space<vmem>>
      %dma_start3A_98 = arith.constant 0 : i32
      %dma_start3A_99 = arith.constant 0 : i32
      %dma_start3A_100 = tpu.memref_slice %arg3[%dma_start3A_98, %dma_start3A_99] : memref<2600000x16xf32, #tpu.memory_space<hbm>> -> memref<2600000x16xf32, #tpu.memory_space<hbm>>
      tpu.enqueue_indirect_dma source(%dma_start3A_100 : memref<2600000x16xf32, #tpu.memory_space<hbm>>) target(%dma_start3A_94 : memref<128x16xf32, #tpu.memory_space<vmem>>) offsets(%dma_start3A_97 : memref<128xi32, #tpu.memory_space<vmem>>) semaphore(%arg7 : memref<!tpu.dma_semaphore, #tpu.memory_space<semaphore_mem>>)
      %mul3A_101 = arith.constant 16 : i32
      %mul3A_102 = arith.muli %scan3A_10, %mul3A_101 : i32
      %add3A_103 = arith.constant 7 : i32
      %add3A_104 = arith.addi %mul3A_102, %add3A_103 : i32
      %dma_start3A_105 = arith.constant 896 : i32
      %dma_start3A_106 = arith.constant 0 : i32
      %dma_start3A_107 = tpu.memref_slice %arg6[%dma_start3A_105, %dma_start3A_106] : memref<2048x16xf32, #tpu.memory_space<vmem>> -> memref<128x16xf32, #tpu.memory_space<vmem>>
      %dma_start3A_108 = arith.constant 0 : i32
      %dma_start3A_109 = tpu.memref_slice %arg5[%add3A_104, %dma_start3A_108] : memref<128x128xi32, #tpu.memory_space<vmem>> -> memref<1x128xi32, #tpu.memory_space<vmem>>
      %dma_start3A_110 = tpu.memref_squeeze %dma_start3A_109 : memref<1x128xi32, #tpu.memory_space<vmem>> -> memref<128xi32, #tpu.memory_space<vmem>>
      %dma_start3A_111 = arith.constant 0 : i32
      %dma_start3A_112 = arith.constant 0 : i32
      %dma_start3A_113 = tpu.memref_slice %arg3[%dma_start3A_111, %dma_start3A_112] : memref<2600000x16xf32, #tpu.memory_space<hbm>> -> memref<2600000x16xf32, #tpu.memory_space<hbm>>
      tpu.enqueue_indirect_dma source(%dma_start3A_113 : memref<2600000x16xf32, #tpu.memory_space<hbm>>) target(%dma_start3A_107 : memref<128x16xf32, #tpu.memory_space<vmem>>) offsets(%dma_start3A_110 : memref<128xi32, #tpu.memory_space<vmem>>) semaphore(%arg7 : memref<!tpu.dma_semaphore, #tpu.memory_space<semaphore_mem>>)
      %mul3A_114 = arith.constant 16 : i32
      %mul3A_115 = arith.muli %scan3A_10, %mul3A_114 : i32
      %add3A_116 = arith.constant 8 : i32
      %add3A_117 = arith.addi %mul3A_115, %add3A_116 : i32
      %dma_start3A_118 = arith.constant 1024 : i32
      %dma_start3A_119 = arith.constant 0 : i32
      %dma_start3A_120 = tpu.memref_slice %arg6[%dma_start3A_118, %dma_start3A_119] : memref<2048x16xf32, #tpu.memory_space<vmem>> -> memref<128x16xf32, #tpu.memory_space<vmem>>
      %dma_start3A_121 = arith.constant 0 : i32
      %dma_start3A_122 = tpu.memref_slice %arg5[%add3A_117, %dma_start3A_121] : memref<128x128xi32, #tpu.memory_space<vmem>> -> memref<1x128xi32, #tpu.memory_space<vmem>>
      %dma_start3A_123 = tpu.memref_squeeze %dma_start3A_122 : memref<1x128xi32, #tpu.memory_space<vmem>> -> memref<128xi32, #tpu.memory_space<vmem>>
      %dma_start3A_124 = arith.constant 0 : i32
      %dma_start3A_125 = arith.constant 0 : i32
      %dma_start3A_126 = tpu.memref_slice %arg3[%dma_start3A_124, %dma_start3A_125] : memref<2600000x16xf32, #tpu.memory_space<hbm>> -> memref<2600000x16xf32, #tpu.memory_space<hbm>>
      tpu.enqueue_indirect_dma source(%dma_start3A_126 : memref<2600000x16xf32, #tpu.memory_space<hbm>>) target(%dma_start3A_120 : memref<128x16xf32, #tpu.memory_space<vmem>>) offsets(%dma_start3A_123 : memref<128xi32, #tpu.memory_space<vmem>>) semaphore(%arg7 : memref<!tpu.dma_semaphore, #tpu.memory_space<semaphore_mem>>)
      %mul3A_127 = arith.constant 16 : i32
      %mul3A_128 = arith.muli %scan3A_10, %mul3A_127 : i32
      %add3A_129 = arith.constant 9 : i32
      %add3A_130 = arith.addi %mul3A_128, %add3A_129 : i32
      %dma_start3A_131 = arith.constant 1152 : i32
      %dma_start3A_132 = arith.constant 0 : i32
      %dma_start3A_133 = tpu.memref_slice %arg6[%dma_start3A_131, %dma_start3A_132] : memref<2048x16xf32, #tpu.memory_space<vmem>> -> memref<128x16xf32, #tpu.memory_space<vmem>>
      %dma_start3A_134 = arith.constant 0 : i32
      %dma_start3A_135 = tpu.memref_slice %arg5[%add3A_130, %dma_start3A_134] : memref<128x128xi32, #tpu.memory_space<vmem>> -> memref<1x128xi32, #tpu.memory_space<vmem>>
      %dma_start3A_136 = tpu.memref_squeeze %dma_start3A_135 : memref<1x128xi32, #tpu.memory_space<vmem>> -> memref<128xi32, #tpu.memory_space<vmem>>
      %dma_start3A_137 = arith.constant 0 : i32
      %dma_start3A_138 = arith.constant 0 : i32
      %dma_start3A_139 = tpu.memref_slice %arg3[%dma_start3A_137, %dma_start3A_138] : memref<2600000x16xf32, #tpu.memory_space<hbm>> -> memref<2600000x16xf32, #tpu.memory_space<hbm>>
      tpu.enqueue_indirect_dma source(%dma_start3A_139 : memref<2600000x16xf32, #tpu.memory_space<hbm>>) target(%dma_start3A_133 : memref<128x16xf32, #tpu.memory_space<vmem>>) offsets(%dma_start3A_136 : memref<128xi32, #tpu.memory_space<vmem>>) semaphore(%arg7 : memref<!tpu.dma_semaphore, #tpu.memory_space<semaphore_mem>>)
      %mul3A_140 = arith.constant 16 : i32
      %mul3A_141 = arith.muli %scan3A_10, %mul3A_140 : i32
      %add3A_142 = arith.constant 10 : i32
      %add3A_143 = arith.addi %mul3A_141, %add3A_142 : i32
      %dma_start3A_144 = arith.constant 1280 : i32
      %dma_start3A_145 = arith.constant 0 : i32
      %dma_start3A_146 = tpu.memref_slice %arg6[%dma_start3A_144, %dma_start3A_145] : memref<2048x16xf32, #tpu.memory_space<vmem>> -> memref<128x16xf32, #tpu.memory_space<vmem>>
      %dma_start3A_147 = arith.constant 0 : i32
      %dma_start3A_148 = tpu.memref_slice %arg5[%add3A_143, %dma_start3A_147] : memref<128x128xi32, #tpu.memory_space<vmem>> -> memref<1x128xi32, #tpu.memory_space<vmem>>
      %dma_start3A_149 = tpu.memref_squeeze %dma_start3A_148 : memref<1x128xi32, #tpu.memory_space<vmem>> -> memref<128xi32, #tpu.memory_space<vmem>>
      %dma_start3A_150 = arith.constant 0 : i32
      %dma_start3A_151 = arith.constant 0 : i32
      %dma_start3A_152 = tpu.memref_slice %arg3[%dma_start3A_150, %dma_start3A_151] : memref<2600000x16xf32, #tpu.memory_space<hbm>> -> memref<2600000x16xf32, #tpu.memory_space<hbm>>
      tpu.enqueue_indirect_dma source(%dma_start3A_152 : memref<2600000x16xf32, #tpu.memory_space<hbm>>) target(%dma_start3A_146 : memref<128x16xf32, #tpu.memory_space<vmem>>) offsets(%dma_start3A_149 : memref<128xi32, #tpu.memory_space<vmem>>) semaphore(%arg7 : memref<!tpu.dma_semaphore, #tpu.memory_space<semaphore_mem>>)
      %mul3A_153 = arith.constant 16 : i32
      %mul3A_154 = arith.muli %scan3A_10, %mul3A_153 : i32
      %add3A_155 = arith.constant 11 : i32
      %add3A_156 = arith.addi %mul3A_154, %add3A_155 : i32
      %dma_start3A_157 = arith.constant 1408 : i32
      %dma_start3A_158 = arith.constant 0 : i32
      %dma_start3A_159 = tpu.memref_slice %arg6[%dma_start3A_157, %dma_start3A_158] : memref<2048x16xf32, #tpu.memory_space<vmem>> -> memref<128x16xf32, #tpu.memory_space<vmem>>
      %dma_start3A_160 = arith.constant 0 : i32
      %dma_start3A_161 = tpu.memref_slice %arg5[%add3A_156, %dma_start3A_160] : memref<128x128xi32, #tpu.memory_space<vmem>> -> memref<1x128xi32, #tpu.memory_space<vmem>>
      %dma_start3A_162 = tpu.memref_squeeze %dma_start3A_161 : memref<1x128xi32, #tpu.memory_space<vmem>> -> memref<128xi32, #tpu.memory_space<vmem>>
      %dma_start3A_163 = arith.constant 0 : i32
      %dma_start3A_164 = arith.constant 0 : i32
      %dma_start3A_165 = tpu.memref_slice %arg3[%dma_start3A_163, %dma_start3A_164] : memref<2600000x16xf32, #tpu.memory_space<hbm>> -> memref<2600000x16xf32, #tpu.memory_space<hbm>>
      tpu.enqueue_indirect_dma source(%dma_start3A_165 : memref<2600000x16xf32, #tpu.memory_space<hbm>>) target(%dma_start3A_159 : memref<128x16xf32, #tpu.memory_space<vmem>>) offsets(%dma_start3A_162 : memref<128xi32, #tpu.memory_space<vmem>>) semaphore(%arg7 : memref<!tpu.dma_semaphore, #tpu.memory_space<semaphore_mem>>)
      %mul3A_166 = arith.constant 16 : i32
      %mul3A_167 = arith.muli %scan3A_10, %mul3A_166 : i32
      %add3A_168 = arith.constant 12 : i32
      %add3A_169 = arith.addi %mul3A_167, %add3A_168 : i32
      %dma_start3A_170 = arith.constant 1536 : i32
      %dma_start3A_171 = arith.constant 0 : i32
      %dma_start3A_172 = tpu.memref_slice %arg6[%dma_start3A_170, %dma_start3A_171] : memref<2048x16xf32, #tpu.memory_space<vmem>> -> memref<128x16xf32, #tpu.memory_space<vmem>>
      %dma_start3A_173 = arith.constant 0 : i32
      %dma_start3A_174 = tpu.memref_slice %arg5[%add3A_169, %dma_start3A_173] : memref<128x128xi32, #tpu.memory_space<vmem>> -> memref<1x128xi32, #tpu.memory_space<vmem>>
      %dma_start3A_175 = tpu.memref_squeeze %dma_start3A_174 : memref<1x128xi32, #tpu.memory_space<vmem>> -> memref<128xi32, #tpu.memory_space<vmem>>
      %dma_start3A_176 = arith.constant 0 : i32
      %dma_start3A_177 = arith.constant 0 : i32
      %dma_start3A_178 = tpu.memref_slice %arg3[%dma_start3A_176, %dma_start3A_177] : memref<2600000x16xf32, #tpu.memory_space<hbm>> -> memref<2600000x16xf32, #tpu.memory_space<hbm>>
      tpu.enqueue_indirect_dma source(%dma_start3A_178 : memref<2600000x16xf32, #tpu.memory_space<hbm>>) target(%dma_start3A_172 : memref<128x16xf32, #tpu.memory_space<vmem>>) offsets(%dma_start3A_175 : memref<128xi32, #tpu.memory_space<vmem>>) semaphore(%arg7 : memref<!tpu.dma_semaphore, #tpu.memory_space<semaphore_mem>>)
      %mul3A_179 = arith.constant 16 : i32
      %mul3A_180 = arith.muli %scan3A_10, %mul3A_179 : i32
      %add3A_181 = arith.constant 13 : i32
      %add3A_182 = arith.addi %mul3A_180, %add3A_181 : i32
      %dma_start3A_183 = arith.constant 1664 : i32
      %dma_start3A_184 = arith.constant 0 : i32
      %dma_start3A_185 = tpu.memref_slice %arg6[%dma_start3A_183, %dma_start3A_184] : memref<2048x16xf32, #tpu.memory_space<vmem>> -> memref<128x16xf32, #tpu.memory_space<vmem>>
      %dma_start3A_186 = arith.constant 0 : i32
      %dma_start3A_187 = tpu.memref_slice %arg5[%add3A_182, %dma_start3A_186] : memref<128x128xi32, #tpu.memory_space<vmem>> -> memref<1x128xi32, #tpu.memory_space<vmem>>
      %dma_start3A_188 = tpu.memref_squeeze %dma_start3A_187 : memref<1x128xi32, #tpu.memory_space<vmem>> -> memref<128xi32, #tpu.memory_space<vmem>>
      %dma_start3A_189 = arith.constant 0 : i32
      %dma_start3A_190 = arith.constant 0 : i32
      %dma_start3A_191 = tpu.memref_slice %arg3[%dma_start3A_189, %dma_start3A_190] : memref<2600000x16xf32, #tpu.memory_space<hbm>> -> memref<2600000x16xf32, #tpu.memory_space<hbm>>
      tpu.enqueue_indirect_dma source(%dma_start3A_191 : memref<2600000x16xf32, #tpu.memory_space<hbm>>) target(%dma_start3A_185 : memref<128x16xf32, #tpu.memory_space<vmem>>) offsets(%dma_start3A_188 : memref<128xi32, #tpu.memory_space<vmem>>) semaphore(%arg7 : memref<!tpu.dma_semaphore, #tpu.memory_space<semaphore_mem>>)
      %mul3A_192 = arith.constant 16 : i32
      %mul3A_193 = arith.muli %scan3A_10, %mul3A_192 : i32
      %add3A_194 = arith.constant 14 : i32
      %add3A_195 = arith.addi %mul3A_193, %add3A_194 : i32
      %dma_start3A_196 = arith.constant 1792 : i32
      %dma_start3A_197 = arith.constant 0 : i32
      %dma_start3A_198 = tpu.memref_slice %arg6[%dma_start3A_196, %dma_start3A_197] : memref<2048x16xf32, #tpu.memory_space<vmem>> -> memref<128x16xf32, #tpu.memory_space<vmem>>
      %dma_start3A_199 = arith.constant 0 : i32
      %dma_start3A_200 = tpu.memref_slice %arg5[%add3A_195, %dma_start3A_199] : memref<128x128xi32, #tpu.memory_space<vmem>> -> memref<1x128xi32, #tpu.memory_space<vmem>>
      %dma_start3A_201 = tpu.memref_squeeze %dma_start3A_200 : memref<1x128xi32, #tpu.memory_space<vmem>> -> memref<128xi32, #tpu.memory_space<vmem>>
      %dma_start3A_202 = arith.constant 0 : i32
      %dma_start3A_203 = arith.constant 0 : i32
      %dma_start3A_204 = tpu.memref_slice %arg3[%dma_start3A_202, %dma_start3A_203] : memref<2600000x16xf32, #tpu.memory_space<hbm>> -> memref<2600000x16xf32, #tpu.memory_space<hbm>>
      tpu.enqueue_indirect_dma source(%dma_start3A_204 : memref<2600000x16xf32, #tpu.memory_space<hbm>>) target(%dma_start3A_198 : memref<128x16xf32, #tpu.memory_space<vmem>>) offsets(%dma_start3A_201 : memref<128xi32, #tpu.memory_space<vmem>>) semaphore(%arg7 : memref<!tpu.dma_semaphore, #tpu.memory_space<semaphore_mem>>)
      %mul3A_205 = arith.constant 16 : i32
      %mul3A_206 = arith.muli %scan3A_10, %mul3A_205 : i32
      %add3A_207 = arith.constant 15 : i32
      %add3A_208 = arith.addi %mul3A_206, %add3A_207 : i32
      %dma_start3A_209 = arith.constant 1920 : i32
      %dma_start3A_210 = arith.constant 0 : i32
      %dma_start3A_211 = tpu.memref_slice %arg6[%dma_start3A_209, %dma_start3A_210] : memref<2048x16xf32, #tpu.memory_space<vmem>> -> memref<128x16xf32, #tpu.memory_space<vmem>>
      %dma_start3A_212 = arith.constant 0 : i32
      %dma_start3A_213 = tpu.memref_slice %arg5[%add3A_208, %dma_start3A_212] : memref<128x128xi32, #tpu.memory_space<vmem>> -> memref<1x128xi32, #tpu.memory_space<vmem>>
      %dma_start3A_214 = tpu.memref_squeeze %dma_start3A_213 : memref<1x128xi32, #tpu.memory_space<vmem>> -> memref<128xi32, #tpu.memory_space<vmem>>
      %dma_start3A_215 = arith.constant 0 : i32
      %dma_start3A_216 = arith.constant 0 : i32
      %dma_start3A_217 = tpu.memref_slice %arg3[%dma_start3A_215, %dma_start3A_216] : memref<2600000x16xf32, #tpu.memory_space<hbm>> -> memref<2600000x16xf32, #tpu.memory_space<hbm>>
      tpu.enqueue_indirect_dma source(%dma_start3A_217 : memref<2600000x16xf32, #tpu.memory_space<hbm>>) target(%dma_start3A_211 : memref<128x16xf32, #tpu.memory_space<vmem>>) offsets(%dma_start3A_214 : memref<128xi32, #tpu.memory_space<vmem>>) semaphore(%arg7 : memref<!tpu.dma_semaphore, #tpu.memory_space<semaphore_mem>>)
      %dma_wait3A = arith.constant 0 : i32
      %dma_wait3A_218 = arith.constant 0 : i32
      %dma_wait3A_219 = tpu.memref_slice %arg6[%dma_wait3A, %dma_wait3A_218] : memref<2048x16xf32, #tpu.memory_space<vmem>> -> memref<128x16xf32, #tpu.memory_space<vmem>>
      %dma_wait3A_220 = arith.constant 0 : i32
      %dma_wait3A_221 = tpu.memref_slice %arg5[%add3A_14, %dma_wait3A_220] : memref<128x128xi32, #tpu.memory_space<vmem>> -> memref<1x128xi32, #tpu.memory_space<vmem>>
      %dma_wait3A_222 = tpu.memref_squeeze %dma_wait3A_221 : memref<1x128xi32, #tpu.memory_space<vmem>> -> memref<128xi32, #tpu.memory_space<vmem>>
      %dma_wait3A_223 = arith.constant 0 : i32
      %dma_wait3A_224 = arith.constant 0 : i32
      %dma_wait3A_225 = tpu.memref_slice %arg3[%dma_wait3A_223, %dma_wait3A_224] : memref<2600000x16xf32, #tpu.memory_space<hbm>> -> memref<2600000x16xf32, #tpu.memory_space<hbm>>
      tpu.wait_indirect_dma semaphore(%arg7 : memref<!tpu.dma_semaphore, #tpu.memory_space<semaphore_mem>>) src(%dma_wait3A_225 : memref<2600000x16xf32, #tpu.memory_space<hbm>>) dst(%dma_wait3A_219 : memref<128x16xf32, #tpu.memory_space<vmem>>)
      %dma_wait3A_226 = arith.constant 128 : i32
      %dma_wait3A_227 = arith.constant 0 : i32
      %dma_wait3A_228 = tpu.memref_slice %arg6[%dma_wait3A_226, %dma_wait3A_227] : memref<2048x16xf32, #tpu.memory_space<vmem>> -> memref<128x16xf32, #tpu.memory_space<vmem>>
      %dma_wait3A_229 = arith.constant 0 : i32
      %dma_wait3A_230 = tpu.memref_slice %arg5[%add3A_26, %dma_wait3A_229] : memref<128x128xi32, #tpu.memory_space<vmem>> -> memref<1x128xi32, #tpu.memory_space<vmem>>
      %dma_wait3A_231 = tpu.memref_squeeze %dma_wait3A_230 : memref<1x128xi32, #tpu.memory_space<vmem>> -> memref<128xi32, #tpu.memory_space<vmem>>
      %dma_wait3A_232 = arith.constant 0 : i32
      %dma_wait3A_233 = arith.constant 0 : i32
      %dma_wait3A_234 = tpu.memref_slice %arg3[%dma_wait3A_232, %dma_wait3A_233] : memref<2600000x16xf32, #tpu.memory_space<hbm>> -> memref<2600000x16xf32, #tpu.memory_space<hbm>>
      tpu.wait_indirect_dma semaphore(%arg7 : memref<!tpu.dma_semaphore, #tpu.memory_space<semaphore_mem>>) src(%dma_wait3A_234 : memref<2600000x16xf32, #tpu.memory_space<hbm>>) dst(%dma_wait3A_228 : memref<128x16xf32, #tpu.memory_space<vmem>>)
      %dma_wait3A_235 = arith.constant 256 : i32
      %dma_wait3A_236 = arith.constant 0 : i32
      %dma_wait3A_237 = tpu.memref_slice %arg6[%dma_wait3A_235, %dma_wait3A_236] : memref<2048x16xf32, #tpu.memory_space<vmem>> -> memref<128x16xf32, #tpu.memory_space<vmem>>
      %dma_wait3A_238 = arith.constant 0 : i32
      %dma_wait3A_239 = tpu.memref_slice %arg5[%add3A_39, %dma_wait3A_238] : memref<128x128xi32, #tpu.memory_space<vmem>> -> memref<1x128xi32, #tpu.memory_space<vmem>>
      %dma_wait3A_240 = tpu.memref_squeeze %dma_wait3A_239 : memref<1x128xi32, #tpu.memory_space<vmem>> -> memref<128xi32, #tpu.memory_space<vmem>>
      %dma_wait3A_241 = arith.constant 0 : i32
      %dma_wait3A_242 = arith.constant 0 : i32
      %dma_wait3A_243 = tpu.memref_slice %arg3[%dma_wait3A_241, %dma_wait3A_242] : memref<2600000x16xf32, #tpu.memory_space<hbm>> -> memref<2600000x16xf32, #tpu.memory_space<hbm>>
      tpu.wait_indirect_dma semaphore(%arg7 : memref<!tpu.dma_semaphore, #tpu.memory_space<semaphore_mem>>) src(%dma_wait3A_243 : memref<2600000x16xf32, #tpu.memory_space<hbm>>) dst(%dma_wait3A_237 : memref<128x16xf32, #tpu.memory_space<vmem>>)
      %dma_wait3A_244 = arith.constant 384 : i32
      %dma_wait3A_245 = arith.constant 0 : i32
      %dma_wait3A_246 = tpu.memref_slice %arg6[%dma_wait3A_244, %dma_wait3A_245] : memref<2048x16xf32, #tpu.memory_space<vmem>> -> memref<128x16xf32, #tpu.memory_space<vmem>>
      %dma_wait3A_247 = arith.constant 0 : i32
      %dma_wait3A_248 = tpu.memref_slice %arg5[%add3A_52, %dma_wait3A_247] : memref<128x128xi32, #tpu.memory_space<vmem>> -> memref<1x128xi32, #tpu.memory_space<vmem>>
      %dma_wait3A_249 = tpu.memref_squeeze %dma_wait3A_248 : memref<1x128xi32, #tpu.memory_space<vmem>> -> memref<128xi32, #tpu.memory_space<vmem>>
      %dma_wait3A_250 = arith.constant 0 : i32
      %dma_wait3A_251 = arith.constant 0 : i32
      %dma_wait3A_252 = tpu.memref_slice %arg3[%dma_wait3A_250, %dma_wait3A_251] : memref<2600000x16xf32, #tpu.memory_space<hbm>> -> memref<2600000x16xf32, #tpu.memory_space<hbm>>
      tpu.wait_indirect_dma semaphore(%arg7 : memref<!tpu.dma_semaphore, #tpu.memory_space<semaphore_mem>>) src(%dma_wait3A_252 : memref<2600000x16xf32, #tpu.memory_space<hbm>>) dst(%dma_wait3A_246 : memref<128x16xf32, #tpu.memory_space<vmem>>)
      %dma_wait3A_253 = arith.constant 512 : i32
      %dma_wait3A_254 = arith.constant 0 : i32
      %dma_wait3A_255 = tpu.memref_slice %arg6[%dma_wait3A_253, %dma_wait3A_254] : memref<2048x16xf32, #tpu.memory_space<vmem>> -> memref<128x16xf32, #tpu.memory_space<vmem>>
      %dma_wait3A_256 = arith.constant 0 : i32
      %dma_wait3A_257 = tpu.memref_slice %arg5[%add3A_65, %dma_wait3A_256] : memref<128x128xi32, #tpu.memory_space<vmem>> -> memref<1x128xi32, #tpu.memory_space<vmem>>
      %dma_wait3A_258 = tpu.memref_squeeze %dma_wait3A_257 : memref<1x128xi32, #tpu.memory_space<vmem>> -> memref<128xi32, #tpu.memory_space<vmem>>
      %dma_wait3A_259 = arith.constant 0 : i32
      %dma_wait3A_260 = arith.constant 0 : i32
      %dma_wait3A_261 = tpu.memref_slice %arg3[%dma_wait3A_259, %dma_wait3A_260] : memref<2600000x16xf32, #tpu.memory_space<hbm>> -> memref<2600000x16xf32, #tpu.memory_space<hbm>>
      tpu.wait_indirect_dma semaphore(%arg7 : memref<!tpu.dma_semaphore, #tpu.memory_space<semaphore_mem>>) src(%dma_wait3A_261 : memref<2600000x16xf32, #tpu.memory_space<hbm>>) dst(%dma_wait3A_255 : memref<128x16xf32, #tpu.memory_space<vmem>>)
      %dma_wait3A_262 = arith.constant 640 : i32
      %dma_wait3A_263 = arith.constant 0 : i32
      %dma_wait3A_264 = tpu.memref_slice %arg6[%dma_wait3A_262, %dma_wait3A_263] : memref<2048x16xf32, #tpu.memory_space<vmem>> -> memref<128x16xf32, #tpu.memory_space<vmem>>
      %dma_wait3A_265 = arith.constant 0 : i32
      %dma_wait3A_266 = tpu.memref_slice %arg5[%add3A_78, %dma_wait3A_265] : memref<128x128xi32, #tpu.memory_space<vmem>> -> memref<1x128xi32, #tpu.memory_space<vmem>>
      %dma_wait3A_267 = tpu.memref_squeeze %dma_wait3A_266 : memref<1x128xi32, #tpu.memory_space<vmem>> -> memref<128xi32, #tpu.memory_space<vmem>>
      %dma_wait3A_268 = arith.constant 0 : i32
      %dma_wait3A_269 = arith.constant 0 : i32
      %dma_wait3A_270 = tpu.memref_slice %arg3[%dma_wait3A_268, %dma_wait3A_269] : memref<2600000x16xf32, #tpu.memory_space<hbm>> -> memref<2600000x16xf32, #tpu.memory_space<hbm>>
      tpu.wait_indirect_dma semaphore(%arg7 : memref<!tpu.dma_semaphore, #tpu.memory_space<semaphore_mem>>) src(%dma_wait3A_270 : memref<2600000x16xf32, #tpu.memory_space<hbm>>) dst(%dma_wait3A_264 : memref<128x16xf32, #tpu.memory_space<vmem>>)
      %dma_wait3A_271 = arith.constant 768 : i32
      %dma_wait3A_272 = arith.constant 0 : i32
      %dma_wait3A_273 = tpu.memref_slice %arg6[%dma_wait3A_271, %dma_wait3A_272] : memref<2048x16xf32, #tpu.memory_space<vmem>> -> memref<128x16xf32, #tpu.memory_space<vmem>>
      %dma_wait3A_274 = arith.constant 0 : i32
      %dma_wait3A_275 = tpu.memref_slice %arg5[%add3A_91, %dma_wait3A_274] : memref<128x128xi32, #tpu.memory_space<vmem>> -> memref<1x128xi32, #tpu.memory_space<vmem>>
      %dma_wait3A_276 = tpu.memref_squeeze %dma_wait3A_275 : memref<1x128xi32, #tpu.memory_space<vmem>> -> memref<128xi32, #tpu.memory_space<vmem>>
      %dma_wait3A_277 = arith.constant 0 : i32
      %dma_wait3A_278 = arith.constant 0 : i32
      %dma_wait3A_279 = tpu.memref_slice %arg3[%dma_wait3A_277, %dma_wait3A_278] : memref<2600000x16xf32, #tpu.memory_space<hbm>> -> memref<2600000x16xf32, #tpu.memory_space<hbm>>
      tpu.wait_indirect_dma semaphore(%arg7 : memref<!tpu.dma_semaphore, #tpu.memory_space<semaphore_mem>>) src(%dma_wait3A_279 : memref<2600000x16xf32, #tpu.memory_space<hbm>>) dst(%dma_wait3A_273 : memref<128x16xf32, #tpu.memory_space<vmem>>)
      %dma_wait3A_280 = arith.constant 896 : i32
      %dma_wait3A_281 = arith.constant 0 : i32
      %dma_wait3A_282 = tpu.memref_slice %arg6[%dma_wait3A_280, %dma_wait3A_281] : memref<2048x16xf32, #tpu.memory_space<vmem>> -> memref<128x16xf32, #tpu.memory_space<vmem>>
      %dma_wait3A_283 = arith.constant 0 : i32
      %dma_wait3A_284 = tpu.memref_slice %arg5[%add3A_104, %dma_wait3A_283] : memref<128x128xi32, #tpu.memory_space<vmem>> -> memref<1x128xi32, #tpu.memory_space<vmem>>
      %dma_wait3A_285 = tpu.memref_squeeze %dma_wait3A_284 : memref<1x128xi32, #tpu.memory_space<vmem>> -> memref<128xi32, #tpu.memory_space<vmem>>
      %dma_wait3A_286 = arith.constant 0 : i32
      %dma_wait3A_287 = arith.constant 0 : i32
      %dma_wait3A_288 = tpu.memref_slice %arg3[%dma_wait3A_286, %dma_wait3A_287] : memref<2600000x16xf32, #tpu.memory_space<hbm>> -> memref<2600000x16xf32, #tpu.memory_space<hbm>>
      tpu.wait_indirect_dma semaphore(%arg7 : memref<!tpu.dma_semaphore, #tpu.memory_space<semaphore_mem>>) src(%dma_wait3A_288 : memref<2600000x16xf32, #tpu.memory_space<hbm>>) dst(%dma_wait3A_282 : memref<128x16xf32, #tpu.memory_space<vmem>>)
      %dma_wait3A_289 = arith.constant 1024 : i32
      %dma_wait3A_290 = arith.constant 0 : i32
      %dma_wait3A_291 = tpu.memref_slice %arg6[%dma_wait3A_289, %dma_wait3A_290] : memref<2048x16xf32, #tpu.memory_space<vmem>> -> memref<128x16xf32, #tpu.memory_space<vmem>>
      %dma_wait3A_292 = arith.constant 0 : i32
      %dma_wait3A_293 = tpu.memref_slice %arg5[%add3A_117, %dma_wait3A_292] : memref<128x128xi32, #tpu.memory_space<vmem>> -> memref<1x128xi32, #tpu.memory_space<vmem>>
      %dma_wait3A_294 = tpu.memref_squeeze %dma_wait3A_293 : memref<1x128xi32, #tpu.memory_space<vmem>> -> memref<128xi32, #tpu.memory_space<vmem>>
      %dma_wait3A_295 = arith.constant 0 : i32
      %dma_wait3A_296 = arith.constant 0 : i32
      %dma_wait3A_297 = tpu.memref_slice %arg3[%dma_wait3A_295, %dma_wait3A_296] : memref<2600000x16xf32, #tpu.memory_space<hbm>> -> memref<2600000x16xf32, #tpu.memory_space<hbm>>
      tpu.wait_indirect_dma semaphore(%arg7 : memref<!tpu.dma_semaphore, #tpu.memory_space<semaphore_mem>>) src(%dma_wait3A_297 : memref<2600000x16xf32, #tpu.memory_space<hbm>>) dst(%dma_wait3A_291 : memref<128x16xf32, #tpu.memory_space<vmem>>)
      %dma_wait3A_298 = arith.constant 1152 : i32
      %dma_wait3A_299 = arith.constant 0 : i32
      %dma_wait3A_300 = tpu.memref_slice %arg6[%dma_wait3A_298, %dma_wait3A_299] : memref<2048x16xf32, #tpu.memory_space<vmem>> -> memref<128x16xf32, #tpu.memory_space<vmem>>
      %dma_wait3A_301 = arith.constant 0 : i32
      %dma_wait3A_302 = tpu.memref_slice %arg5[%add3A_130, %dma_wait3A_301] : memref<128x128xi32, #tpu.memory_space<vmem>> -> memref<1x128xi32, #tpu.memory_space<vmem>>
      %dma_wait3A_303 = tpu.memref_squeeze %dma_wait3A_302 : memref<1x128xi32, #tpu.memory_space<vmem>> -> memref<128xi32, #tpu.memory_space<vmem>>
      %dma_wait3A_304 = arith.constant 0 : i32
      %dma_wait3A_305 = arith.constant 0 : i32
      %dma_wait3A_306 = tpu.memref_slice %arg3[%dma_wait3A_304, %dma_wait3A_305] : memref<2600000x16xf32, #tpu.memory_space<hbm>> -> memref<2600000x16xf32, #tpu.memory_space<hbm>>
      tpu.wait_indirect_dma semaphore(%arg7 : memref<!tpu.dma_semaphore, #tpu.memory_space<semaphore_mem>>) src(%dma_wait3A_306 : memref<2600000x16xf32, #tpu.memory_space<hbm>>) dst(%dma_wait3A_300 : memref<128x16xf32, #tpu.memory_space<vmem>>)
      %dma_wait3A_307 = arith.constant 1280 : i32
      %dma_wait3A_308 = arith.constant 0 : i32
      %dma_wait3A_309 = tpu.memref_slice %arg6[%dma_wait3A_307, %dma_wait3A_308] : memref<2048x16xf32, #tpu.memory_space<vmem>> -> memref<128x16xf32, #tpu.memory_space<vmem>>
      %dma_wait3A_310 = arith.constant 0 : i32
      %dma_wait3A_311 = tpu.memref_slice %arg5[%add3A_143, %dma_wait3A_310] : memref<128x128xi32, #tpu.memory_space<vmem>> -> memref<1x128xi32, #tpu.memory_space<vmem>>
      %dma_wait3A_312 = tpu.memref_squeeze %dma_wait3A_311 : memref<1x128xi32, #tpu.memory_space<vmem>> -> memref<128xi32, #tpu.memory_space<vmem>>
      %dma_wait3A_313 = arith.constant 0 : i32
      %dma_wait3A_314 = arith.constant 0 : i32
      %dma_wait3A_315 = tpu.memref_slice %arg3[%dma_wait3A_313, %dma_wait3A_314] : memref<2600000x16xf32, #tpu.memory_space<hbm>> -> memref<2600000x16xf32, #tpu.memory_space<hbm>>
      tpu.wait_indirect_dma semaphore(%arg7 : memref<!tpu.dma_semaphore, #tpu.memory_space<semaphore_mem>>) src(%dma_wait3A_315 : memref<2600000x16xf32, #tpu.memory_space<hbm>>) dst(%dma_wait3A_309 : memref<128x16xf32, #tpu.memory_space<vmem>>)
      %dma_wait3A_316 = arith.constant 1408 : i32
      %dma_wait3A_317 = arith.constant 0 : i32
      %dma_wait3A_318 = tpu.memref_slice %arg6[%dma_wait3A_316, %dma_wait3A_317] : memref<2048x16xf32, #tpu.memory_space<vmem>> -> memref<128x16xf32, #tpu.memory_space<vmem>>
      %dma_wait3A_319 = arith.constant 0 : i32
      %dma_wait3A_320 = tpu.memref_slice %arg5[%add3A_156, %dma_wait3A_319] : memref<128x128xi32, #tpu.memory_space<vmem>> -> memref<1x128xi32, #tpu.memory_space<vmem>>
      %dma_wait3A_321 = tpu.memref_squeeze %dma_wait3A_320 : memref<1x128xi32, #tpu.memory_space<vmem>> -> memref<128xi32, #tpu.memory_space<vmem>>
      %dma_wait3A_322 = arith.constant 0 : i32
      %dma_wait3A_323 = arith.constant 0 : i32
      %dma_wait3A_324 = tpu.memref_slice %arg3[%dma_wait3A_322, %dma_wait3A_323] : memref<2600000x16xf32, #tpu.memory_space<hbm>> -> memref<2600000x16xf32, #tpu.memory_space<hbm>>
      tpu.wait_indirect_dma semaphore(%arg7 : memref<!tpu.dma_semaphore, #tpu.memory_space<semaphore_mem>>) src(%dma_wait3A_324 : memref<2600000x16xf32, #tpu.memory_space<hbm>>) dst(%dma_wait3A_318 : memref<128x16xf32, #tpu.memory_space<vmem>>)
      %dma_wait3A_325 = arith.constant 1536 : i32
      %dma_wait3A_326 = arith.constant 0 : i32
      %dma_wait3A_327 = tpu.memref_slice %arg6[%dma_wait3A_325, %dma_wait3A_326] : memref<2048x16xf32, #tpu.memory_space<vmem>> -> memref<128x16xf32, #tpu.memory_space<vmem>>
      %dma_wait3A_328 = arith.constant 0 : i32
      %dma_wait3A_329 = tpu.memref_slice %arg5[%add3A_169, %dma_wait3A_328] : memref<128x128xi32, #tpu.memory_space<vmem>> -> memref<1x128xi32, #tpu.memory_space<vmem>>
      %dma_wait3A_330 = tpu.memref_squeeze %dma_wait3A_329 : memref<1x128xi32, #tpu.memory_space<vmem>> -> memref<128xi32, #tpu.memory_space<vmem>>
      %dma_wait3A_331 = arith.constant 0 : i32
      %dma_wait3A_332 = arith.constant 0 : i32
      %dma_wait3A_333 = tpu.memref_slice %arg3[%dma_wait3A_331, %dma_wait3A_332] : memref<2600000x16xf32, #tpu.memory_space<hbm>> -> memref<2600000x16xf32, #tpu.memory_space<hbm>>
      tpu.wait_indirect_dma semaphore(%arg7 : memref<!tpu.dma_semaphore, #tpu.memory_space<semaphore_mem>>) src(%dma_wait3A_333 : memref<2600000x16xf32, #tpu.memory_space<hbm>>) dst(%dma_wait3A_327 : memref<128x16xf32, #tpu.memory_space<vmem>>)
      %dma_wait3A_334 = arith.constant 1664 : i32
      %dma_wait3A_335 = arith.constant 0 : i32
      %dma_wait3A_336 = tpu.memref_slice %arg6[%dma_wait3A_334, %dma_wait3A_335] : memref<2048x16xf32, #tpu.memory_space<vmem>> -> memref<128x16xf32, #tpu.memory_space<vmem>>
      %dma_wait3A_337 = arith.constant 0 : i32
      %dma_wait3A_338 = tpu.memref_slice %arg5[%add3A_182, %dma_wait3A_337] : memref<128x128xi32, #tpu.memory_space<vmem>> -> memref<1x128xi32, #tpu.memory_space<vmem>>
      %dma_wait3A_339 = tpu.memref_squeeze %dma_wait3A_338 : memref<1x128xi32, #tpu.memory_space<vmem>> -> memref<128xi32, #tpu.memory_space<vmem>>
      %dma_wait3A_340 = arith.constant 0 : i32
      %dma_wait3A_341 = arith.constant 0 : i32
      %dma_wait3A_342 = tpu.memref_slice %arg3[%dma_wait3A_340, %dma_wait3A_341] : memref<2600000x16xf32, #tpu.memory_space<hbm>> -> memref<2600000x16xf32, #tpu.memory_space<hbm>>
      tpu.wait_indirect_dma semaphore(%arg7 : memref<!tpu.dma_semaphore, #tpu.memory_space<semaphore_mem>>) src(%dma_wait3A_342 : memref<2600000x16xf32, #tpu.memory_space<hbm>>) dst(%dma_wait3A_336 : memref<128x16xf32, #tpu.memory_space<vmem>>)
      %dma_wait3A_343 = arith.constant 1792 : i32
      %dma_wait3A_344 = arith.constant 0 : i32
      %dma_wait3A_345 = tpu.memref_slice %arg6[%dma_wait3A_343, %dma_wait3A_344] : memref<2048x16xf32, #tpu.memory_space<vmem>> -> memref<128x16xf32, #tpu.memory_space<vmem>>
      %dma_wait3A_346 = arith.constant 0 : i32
      %dma_wait3A_347 = tpu.memref_slice %arg5[%add3A_195, %dma_wait3A_346] : memref<128x128xi32, #tpu.memory_space<vmem>> -> memref<1x128xi32, #tpu.memory_space<vmem>>
      %dma_wait3A_348 = tpu.memref_squeeze %dma_wait3A_347 : memref<1x128xi32, #tpu.memory_space<vmem>> -> memref<128xi32, #tpu.memory_space<vmem>>
      %dma_wait3A_349 = arith.constant 0 : i32
      %dma_wait3A_350 = arith.constant 0 : i32
      %dma_wait3A_351 = tpu.memref_slice %arg3[%dma_wait3A_349, %dma_wait3A_350] : memref<2600000x16xf32, #tpu.memory_space<hbm>> -> memref<2600000x16xf32, #tpu.memory_space<hbm>>
      tpu.wait_indirect_dma semaphore(%arg7 : memref<!tpu.dma_semaphore, #tpu.memory_space<semaphore_mem>>) src(%dma_wait3A_351 : memref<2600000x16xf32, #tpu.memory_space<hbm>>) dst(%dma_wait3A_345 : memref<128x16xf32, #tpu.memory_space<vmem>>)
      %dma_wait3A_352 = arith.constant 1920 : i32
      %dma_wait3A_353 = arith.constant 0 : i32
      %dma_wait3A_354 = tpu.memref_slice %arg6[%dma_wait3A_352, %dma_wait3A_353] : memref<2048x16xf32, #tpu.memory_space<vmem>> -> memref<128x16xf32, #tpu.memory_space<vmem>>
      %dma_wait3A_355 = arith.constant 0 : i32
      %dma_wait3A_356 = tpu.memref_slice %arg5[%add3A_208, %dma_wait3A_355] : memref<128x128xi32, #tpu.memory_space<vmem>> -> memref<1x128xi32, #tpu.memory_space<vmem>>
      %dma_wait3A_357 = tpu.memref_squeeze %dma_wait3A_356 : memref<1x128xi32, #tpu.memory_space<vmem>> -> memref<128xi32, #tpu.memory_space<vmem>>
      %dma_wait3A_358 = arith.constant 0 : i32
      %dma_wait3A_359 = arith.constant 0 : i32
      %dma_wait3A_360 = tpu.memref_slice %arg3[%dma_wait3A_358, %dma_wait3A_359] : memref<2600000x16xf32, #tpu.memory_space<hbm>> -> memref<2600000x16xf32, #tpu.memory_space<hbm>>
      tpu.wait_indirect_dma semaphore(%arg7 : memref<!tpu.dma_semaphore, #tpu.memory_space<semaphore_mem>>) src(%dma_wait3A_360 : memref<2600000x16xf32, #tpu.memory_space<hbm>>) dst(%dma_wait3A_354 : memref<128x16xf32, #tpu.memory_space<vmem>>)
      %mul3A_361 = arith.constant 2048 : i32
      %mul3A_362 = arith.muli %scan3A_10, %mul3A_361 : i32
      %add3A_363 = arith.addi %mul3A_4, %mul3A_362 : i32
      "tpu.region"() ({
        %run_scoped3A = tpu.sem_alloc : memref<!tpu.dma_semaphore, #tpu.memory_space<semaphore_mem>>
        %dma_start3A_364 = arith.constant 0 : i32
        %dma_start3A_365 = tpu.memref_slice %arg4[%add3A_363, %dma_start3A_364] : memref<524288x16xf32, #tpu.memory_space<hbm>> -> memref<2048x16xf32, #tpu.memory_space<hbm>>
        %dma_start3A_366 = arith.constant 0 : i32
        %dma_start3A_367 = tpu.memref_slice %arg4[%add3A_363, %dma_start3A_366] : memref<524288x16xf32, #tpu.memory_space<hbm>> -> memref<2048x16xf32, #tpu.memory_space<hbm>>
        tpu.enqueue_dma source(%arg6 : memref<2048x16xf32, #tpu.memory_space<vmem>>) target(%dma_start3A_367 : memref<2048x16xf32, #tpu.memory_space<hbm>>) target_semaphore(%run_scoped3A : memref<!tpu.dma_semaphore, #tpu.memory_space<semaphore_mem>>)
        %dma_wait3A_368 = arith.constant 0 : i32
        %dma_wait3A_369 = tpu.memref_slice %arg4[%add3A_363, %dma_wait3A_368] : memref<524288x16xf32, #tpu.memory_space<hbm>> -> memref<2048x16xf32, #tpu.memory_space<hbm>>
        %dma_wait3A_370 = arith.constant 0 : i32
        %dma_wait3A_371 = tpu.memref_slice %arg4[%add3A_363, %dma_wait3A_370] : memref<524288x16xf32, #tpu.memory_space<hbm>> -> memref<2048x16xf32, #tpu.memory_space<hbm>>
        tpu.wait_dma2 semaphore(%run_scoped3A : memref<!tpu.dma_semaphore, #tpu.memory_space<semaphore_mem>>) src(%arg6 : memref<2048x16xf32, #tpu.memory_space<vmem>>) dst(%dma_wait3A_371 : memref<2048x16xf32, #tpu.memory_space<hbm>>)
        tpu.yield
      }) : () -> ()
    }
    %scan3A_9 = arith.constant 8 : i32
    return
  }
}

#map = affine_map<(d0, d1) -> (0, 0, 0)>
#map1 = affine_map<(d0, d1) -> (0)>
module attributes {stable_mosaic.version = 14 : i64} {
  func.func @_sc_transpose_body(%arg0: i32, %arg1: i32, %arg2: memref<26x16x100000xf32, #tpu.memory_space<hbm>>, %arg3: memref<66560xf32, #tpu.memory_space<hbm>>, %arg4: memref<41600000xf32, #tpu.memory_space<hbm>>, %arg5: memref<16x512xf32, #tpu.memory_space<vmem>>, %arg6: memref<16x512xf32, #tpu.memory_space<vmem>>, %arg7: memref<16x512xf32, #tpu.memory_space<vmem>>, %arg8: memref<16x512xf32, #tpu.memory_space<vmem>>, %arg9: memref<8192xf32, #tpu.memory_space<vmem>>, %arg10: memref<8192xf32, #tpu.memory_space<vmem>>, %arg11: memref<8192xf32, #tpu.memory_space<vmem>>, %arg12: memref<8192xf32, #tpu.memory_space<vmem>>, %arg13: memref<2560xf32, #tpu.memory_space<vmem>>, %arg14: memref<!tpu.dma_semaphore, #tpu.memory_space<semaphore_mem>>, %arg15: memref<!tpu.dma_semaphore, #tpu.memory_space<semaphore_mem>>, %arg16: memref<!tpu.dma_semaphore, #tpu.memory_space<semaphore_mem>>, %arg17: memref<!tpu.dma_semaphore, #tpu.memory_space<semaphore_mem>>, %arg18: memref<!tpu.dma_semaphore, #tpu.memory_space<semaphore_mem>>, %arg19: memref<!tpu.dma_semaphore, #tpu.memory_space<semaphore_mem>>, %arg20: memref<!tpu.dma_semaphore, #tpu.memory_space<semaphore_mem>>, %arg21: memref<!tpu.dma_semaphore, #tpu.memory_space<semaphore_mem>>) attributes {dimension_semantics = [#tpu.dimension_semantics<core_parallel>, #tpu.dimension_semantics<subcore_parallel>], iteration_bounds = array<i64: 2, 16>, scalar_prefetch = 0 : i64, scratch_operands = 17 : i64, tpu.core_type = #tpu.core_type<sc_vector_subcore>, window_params = [{transform_indices = #map}, {transform_indices = #map1}, {transform_indices = #map1}]} {
    %mul3A = arith.constant 2 : i32
    %mul3A_0 = arith.muli %arg1, %mul3A : i32
    %add3A = arith.addi %mul3A_0, %arg0 : i32
    %iota3A = tpu.iota {dimensions = array<i32: 0>} : vector<16xi32>
    %lt3A = arith.constant 26 : i32
    %lt3A_1 = arith.cmpi slt, %add3A, %lt3A : i32
    %convert_element_type3A = arith.extui %lt3A_1 : i1 to i32
    %cond3A = arith.constant 0 : i32
    %cond3A_2 = arith.cmpi ne, %convert_element_type3A, %cond3A : i32
    scf.if %cond3A_2 {
      %mul3A_401 = arith.constant 2560 : i32
      %mul3A_402 = arith.muli %add3A, %mul3A_401 : i32
      "tpu.region"() ({
        %run_scoped3A = tpu.sem_alloc : memref<!tpu.dma_semaphore, #tpu.memory_space<semaphore_mem>>
        %dma_start3A_409 = tpu.memref_slice %arg3[%mul3A_402] : memref<66560xf32, #tpu.memory_space<hbm>> -> memref<2560xf32, #tpu.memory_space<hbm>>
        %dma_start3A_410 = tpu.memref_slice %arg3[%mul3A_402] : memref<66560xf32, #tpu.memory_space<hbm>> -> memref<2560xf32, #tpu.memory_space<hbm>>
        tpu.enqueue_dma source(%dma_start3A_410 : memref<2560xf32, #tpu.memory_space<hbm>>) target(%arg13 : memref<2560xf32, #tpu.memory_space<vmem>>) target_semaphore(%run_scoped3A : memref<!tpu.dma_semaphore, #tpu.memory_space<semaphore_mem>>)
        %dma_wait3A_411 = tpu.memref_slice %arg3[%mul3A_402] : memref<66560xf32, #tpu.memory_space<hbm>> -> memref<2560xf32, #tpu.memory_space<hbm>>
        %dma_wait3A_412 = tpu.memref_slice %arg3[%mul3A_402] : memref<66560xf32, #tpu.memory_space<hbm>> -> memref<2560xf32, #tpu.memory_space<hbm>>
        tpu.wait_dma2 semaphore(%run_scoped3A : memref<!tpu.dma_semaphore, #tpu.memory_space<semaphore_mem>>) src(%dma_wait3A_412 : memref<2560xf32, #tpu.memory_space<hbm>>) dst(%arg13 : memref<2560xf32, #tpu.memory_space<vmem>>)
        tpu.yield
      }) : () -> ()
      %mul3A_403 = arith.constant 100000 : i32
      %mul3A_404 = arith.muli %add3A, %mul3A_403 : i32
      %add3A_405 = arith.constant 99840 : i32
      %add3A_406 = arith.addi %mul3A_404, %add3A_405 : i32
      %mul3A_407 = arith.constant 16 : i32
      %mul3A_408 = arith.muli %add3A_406, %mul3A_407 : i32
      "tpu.region"() ({
        %run_scoped3A = tpu.sem_alloc : memref<!tpu.dma_semaphore, #tpu.memory_space<semaphore_mem>>
        %dma_start3A_409 = tpu.memref_slice %arg4[%mul3A_408] : memref<41600000xf32, #tpu.memory_space<hbm>> -> memref<2560xf32, #tpu.memory_space<hbm>>
        %dma_start3A_410 = tpu.memref_slice %arg4[%mul3A_408] : memref<41600000xf32, #tpu.memory_space<hbm>> -> memref<2560xf32, #tpu.memory_space<hbm>>
        tpu.enqueue_dma source(%arg13 : memref<2560xf32, #tpu.memory_space<vmem>>) target(%dma_start3A_410 : memref<2560xf32, #tpu.memory_space<hbm>>) target_semaphore(%run_scoped3A : memref<!tpu.dma_semaphore, #tpu.memory_space<semaphore_mem>>)
        %dma_wait3A_411 = tpu.memref_slice %arg4[%mul3A_408] : memref<41600000xf32, #tpu.memory_space<hbm>> -> memref<2560xf32, #tpu.memory_space<hbm>>
        %dma_wait3A_412 = tpu.memref_slice %arg4[%mul3A_408] : memref<41600000xf32, #tpu.memory_space<hbm>> -> memref<2560xf32, #tpu.memory_space<hbm>>
        tpu.wait_dma2 semaphore(%run_scoped3A : memref<!tpu.dma_semaphore, #tpu.memory_space<semaphore_mem>>) src(%arg13 : memref<2560xf32, #tpu.memory_space<vmem>>) dst(%dma_wait3A_412 : memref<2560xf32, #tpu.memory_space<hbm>>)
        tpu.yield
      }) : () -> ()
    } else {
    }
    %add3A_3 = arith.constant 0 : i32
    %add3A_4 = arith.addi %add3A_3, %add3A : i32
    %jit3A = arith.constant 195 : i32
    %div3A = arith.divsi %add3A_4, %jit3A : i32
    %sign3A = arith.constant 0 : i32
    %sign3A_5 = arith.cmpi sgt, %add3A_4, %sign3A : i32
    %sign3A_6 = arith.extui %sign3A_5 : i1 to i32
    %sign3A_7 = arith.constant 0 : i32
    %sign3A_8 = arith.cmpi slt, %add3A_4, %sign3A_7 : i32
    %sign3A_9 = arith.extui %sign3A_8 : i1 to i32
    %sign3A_10 = arith.subi %sign3A_6, %sign3A_9 : i32
    %sign3A_11 = arith.constant 0 : i32
    %sign3A_12 = arith.cmpi sgt, %jit3A, %sign3A_11 : i32
    %sign3A_13 = arith.extui %sign3A_12 : i1 to i32
    %sign3A_14 = arith.constant 0 : i32
    %sign3A_15 = arith.cmpi slt, %jit3A, %sign3A_14 : i32
    %sign3A_16 = arith.extui %sign3A_15 : i1 to i32
    %sign3A_17 = arith.subi %sign3A_13, %sign3A_16 : i32
    %ne3A = arith.cmpi ne, %sign3A_10, %sign3A_17 : i32
    %rem3A = arith.remsi %add3A_4, %jit3A : i32
    %ne3A_18 = arith.constant 0 : i32
    %ne3A_19 = arith.cmpi ne, %rem3A, %ne3A_18 : i32
    %and3A = arith.andi %ne3A, %ne3A_19 : i1
    %sub3A = arith.constant 1 : i32
    %sub3A_20 = arith.subi %div3A, %sub3A : i32
    %select_n3A = arith.select %and3A, %sub3A_20, %div3A : i32
    %jit3A_21 = arith.constant 195 : i32
    %eq3A = arith.constant 0 : i32
    %eq3A_22 = arith.cmpi eq, %jit3A_21, %eq3A : i32
    %jit3A_23 = arith.constant 1 : i32
    %select_n3A_24 = arith.select %eq3A_22, %jit3A_23, %jit3A_21 : i32
    %rem3A_25 = arith.remsi %add3A_4, %select_n3A_24 : i32
    %ne3A_26 = arith.constant 0 : i32
    %ne3A_27 = arith.cmpi ne, %rem3A_25, %ne3A_26 : i32
    %lt3A_28 = arith.constant 0 : i32
    %lt3A_29 = arith.cmpi slt, %rem3A_25, %lt3A_28 : i32
    %lt3A_30 = arith.constant 0 : i32
    %lt3A_31 = arith.cmpi slt, %select_n3A_24, %lt3A_30 : i32
    %ne3A_32 = arith.xori %lt3A_29, %lt3A_31 : i1
    %and3A_33 = arith.andi %ne3A_32, %ne3A_27 : i1
    %add3A_34 = arith.addi %rem3A_25, %select_n3A_24 : i32
    %select_n3A_35 = arith.select %and3A_33, %add3A_34, %rem3A_25 : i32
    %mul3A_36 = arith.constant 512 : i32
    %mul3A_37 = arith.muli %select_n3A_35, %mul3A_36 : i32
    %dma_start3A = arith.constant 0 : i32
    %dma_start3A_38 = tpu.memref_slice %arg2[%select_n3A, %dma_start3A, %mul3A_37] : memref<26x16x100000xf32, #tpu.memory_space<hbm>> -> memref<1x16x512xf32, #tpu.memory_space<hbm>>
    %dma_start3A_39 = tpu.memref_squeeze %dma_start3A_38 : memref<1x16x512xf32, #tpu.memory_space<hbm>> -> memref<16x512xf32, #tpu.memory_space<hbm>>
    %dma_start3A_40 = arith.constant 0 : i32
    %dma_start3A_41 = tpu.memref_slice %arg2[%select_n3A, %dma_start3A_40, %mul3A_37] : memref<26x16x100000xf32, #tpu.memory_space<hbm>> -> memref<1x16x512xf32, #tpu.memory_space<hbm>>
    %dma_start3A_42 = tpu.memref_squeeze %dma_start3A_41 : memref<1x16x512xf32, #tpu.memory_space<hbm>> -> memref<16x512xf32, #tpu.memory_space<hbm>>
    tpu.enqueue_dma source(%dma_start3A_42 : memref<16x512xf32, #tpu.memory_space<hbm>>) target(%arg5 : memref<16x512xf32, #tpu.memory_space<vmem>>) target_semaphore(%arg14 : memref<!tpu.dma_semaphore, #tpu.memory_space<semaphore_mem>>)
    %add3A_43 = arith.constant 32 : i32
    %add3A_44 = arith.addi %add3A_43, %add3A : i32
    %jit3A_45 = arith.constant 195 : i32
    %div3A_46 = arith.divsi %add3A_44, %jit3A_45 : i32
    %sign3A_47 = arith.constant 0 : i32
    %sign3A_48 = arith.cmpi sgt, %add3A_44, %sign3A_47 : i32
    %sign3A_49 = arith.extui %sign3A_48 : i1 to i32
    %sign3A_50 = arith.constant 0 : i32
    %sign3A_51 = arith.cmpi slt, %add3A_44, %sign3A_50 : i32
    %sign3A_52 = arith.extui %sign3A_51 : i1 to i32
    %sign3A_53 = arith.subi %sign3A_49, %sign3A_52 : i32
    %sign3A_54 = arith.constant 0 : i32
    %sign3A_55 = arith.cmpi sgt, %jit3A_45, %sign3A_54 : i32
    %sign3A_56 = arith.extui %sign3A_55 : i1 to i32
    %sign3A_57 = arith.constant 0 : i32
    %sign3A_58 = arith.cmpi slt, %jit3A_45, %sign3A_57 : i32
    %sign3A_59 = arith.extui %sign3A_58 : i1 to i32
    %sign3A_60 = arith.subi %sign3A_56, %sign3A_59 : i32
    %ne3A_61 = arith.cmpi ne, %sign3A_53, %sign3A_60 : i32
    %rem3A_62 = arith.remsi %add3A_44, %jit3A_45 : i32
    %ne3A_63 = arith.constant 0 : i32
    %ne3A_64 = arith.cmpi ne, %rem3A_62, %ne3A_63 : i32
    %and3A_65 = arith.andi %ne3A_61, %ne3A_64 : i1
    %sub3A_66 = arith.constant 1 : i32
    %sub3A_67 = arith.subi %div3A_46, %sub3A_66 : i32
    %select_n3A_68 = arith.select %and3A_65, %sub3A_67, %div3A_46 : i32
    %jit3A_69 = arith.constant 195 : i32
    %eq3A_70 = arith.constant 0 : i32
    %eq3A_71 = arith.cmpi eq, %jit3A_69, %eq3A_70 : i32
    %jit3A_72 = arith.constant 1 : i32
    %select_n3A_73 = arith.select %eq3A_71, %jit3A_72, %jit3A_69 : i32
    %rem3A_74 = arith.remsi %add3A_44, %select_n3A_73 : i32
    %ne3A_75 = arith.constant 0 : i32
    %ne3A_76 = arith.cmpi ne, %rem3A_74, %ne3A_75 : i32
    %lt3A_77 = arith.constant 0 : i32
    %lt3A_78 = arith.cmpi slt, %rem3A_74, %lt3A_77 : i32
    %lt3A_79 = arith.constant 0 : i32
    %lt3A_80 = arith.cmpi slt, %select_n3A_73, %lt3A_79 : i32
    %ne3A_81 = arith.xori %lt3A_78, %lt3A_80 : i1
    %and3A_82 = arith.andi %ne3A_81, %ne3A_76 : i1
    %add3A_83 = arith.addi %rem3A_74, %select_n3A_73 : i32
    %select_n3A_84 = arith.select %and3A_82, %add3A_83, %rem3A_74 : i32
    %mul3A_85 = arith.constant 512 : i32
    %mul3A_86 = arith.muli %select_n3A_84, %mul3A_85 : i32
    %dma_start3A_87 = arith.constant 0 : i32
    %dma_start3A_88 = tpu.memref_slice %arg2[%select_n3A_68, %dma_start3A_87, %mul3A_86] : memref<26x16x100000xf32, #tpu.memory_space<hbm>> -> memref<1x16x512xf32, #tpu.memory_space<hbm>>
    %dma_start3A_89 = tpu.memref_squeeze %dma_start3A_88 : memref<1x16x512xf32, #tpu.memory_space<hbm>> -> memref<16x512xf32, #tpu.memory_space<hbm>>
    %dma_start3A_90 = arith.constant 0 : i32
    %dma_start3A_91 = tpu.memref_slice %arg2[%select_n3A_68, %dma_start3A_90, %mul3A_86] : memref<26x16x100000xf32, #tpu.memory_space<hbm>> -> memref<1x16x512xf32, #tpu.memory_space<hbm>>
    %dma_start3A_92 = tpu.memref_squeeze %dma_start3A_91 : memref<1x16x512xf32, #tpu.memory_space<hbm>> -> memref<16x512xf32, #tpu.memory_space<hbm>>
    tpu.enqueue_dma source(%dma_start3A_92 : memref<16x512xf32, #tpu.memory_space<hbm>>) target(%arg6 : memref<16x512xf32, #tpu.memory_space<vmem>>) target_semaphore(%arg15 : memref<!tpu.dma_semaphore, #tpu.memory_space<semaphore_mem>>)
    %add3A_93 = arith.constant 64 : i32
    %add3A_94 = arith.addi %add3A_93, %add3A : i32
    %jit3A_95 = arith.constant 195 : i32
    %div3A_96 = arith.divsi %add3A_94, %jit3A_95 : i32
    %sign3A_97 = arith.constant 0 : i32
    %sign3A_98 = arith.cmpi sgt, %add3A_94, %sign3A_97 : i32
    %sign3A_99 = arith.extui %sign3A_98 : i1 to i32
    %sign3A_100 = arith.constant 0 : i32
    %sign3A_101 = arith.cmpi slt, %add3A_94, %sign3A_100 : i32
    %sign3A_102 = arith.extui %sign3A_101 : i1 to i32
    %sign3A_103 = arith.subi %sign3A_99, %sign3A_102 : i32
    %sign3A_104 = arith.constant 0 : i32
    %sign3A_105 = arith.cmpi sgt, %jit3A_95, %sign3A_104 : i32
    %sign3A_106 = arith.extui %sign3A_105 : i1 to i32
    %sign3A_107 = arith.constant 0 : i32
    %sign3A_108 = arith.cmpi slt, %jit3A_95, %sign3A_107 : i32
    %sign3A_109 = arith.extui %sign3A_108 : i1 to i32
    %sign3A_110 = arith.subi %sign3A_106, %sign3A_109 : i32
    %ne3A_111 = arith.cmpi ne, %sign3A_103, %sign3A_110 : i32
    %rem3A_112 = arith.remsi %add3A_94, %jit3A_95 : i32
    %ne3A_113 = arith.constant 0 : i32
    %ne3A_114 = arith.cmpi ne, %rem3A_112, %ne3A_113 : i32
    %and3A_115 = arith.andi %ne3A_111, %ne3A_114 : i1
    %sub3A_116 = arith.constant 1 : i32
    %sub3A_117 = arith.subi %div3A_96, %sub3A_116 : i32
    %select_n3A_118 = arith.select %and3A_115, %sub3A_117, %div3A_96 : i32
    %jit3A_119 = arith.constant 195 : i32
    %eq3A_120 = arith.constant 0 : i32
    %eq3A_121 = arith.cmpi eq, %jit3A_119, %eq3A_120 : i32
    %jit3A_122 = arith.constant 1 : i32
    %select_n3A_123 = arith.select %eq3A_121, %jit3A_122, %jit3A_119 : i32
    %rem3A_124 = arith.remsi %add3A_94, %select_n3A_123 : i32
    %ne3A_125 = arith.constant 0 : i32
    %ne3A_126 = arith.cmpi ne, %rem3A_124, %ne3A_125 : i32
    %lt3A_127 = arith.constant 0 : i32
    %lt3A_128 = arith.cmpi slt, %rem3A_124, %lt3A_127 : i32
    %lt3A_129 = arith.constant 0 : i32
    %lt3A_130 = arith.cmpi slt, %select_n3A_123, %lt3A_129 : i32
    %ne3A_131 = arith.xori %lt3A_128, %lt3A_130 : i1
    %and3A_132 = arith.andi %ne3A_131, %ne3A_126 : i1
    %add3A_133 = arith.addi %rem3A_124, %select_n3A_123 : i32
    %select_n3A_134 = arith.select %and3A_132, %add3A_133, %rem3A_124 : i32
    %mul3A_135 = arith.constant 512 : i32
    %mul3A_136 = arith.muli %select_n3A_134, %mul3A_135 : i32
    %dma_start3A_137 = arith.constant 0 : i32
    %dma_start3A_138 = tpu.memref_slice %arg2[%select_n3A_118, %dma_start3A_137, %mul3A_136] : memref<26x16x100000xf32, #tpu.memory_space<hbm>> -> memref<1x16x512xf32, #tpu.memory_space<hbm>>
    %dma_start3A_139 = tpu.memref_squeeze %dma_start3A_138 : memref<1x16x512xf32, #tpu.memory_space<hbm>> -> memref<16x512xf32, #tpu.memory_space<hbm>>
    %dma_start3A_140 = arith.constant 0 : i32
    %dma_start3A_141 = tpu.memref_slice %arg2[%select_n3A_118, %dma_start3A_140, %mul3A_136] : memref<26x16x100000xf32, #tpu.memory_space<hbm>> -> memref<1x16x512xf32, #tpu.memory_space<hbm>>
    %dma_start3A_142 = tpu.memref_squeeze %dma_start3A_141 : memref<1x16x512xf32, #tpu.memory_space<hbm>> -> memref<16x512xf32, #tpu.memory_space<hbm>>
    tpu.enqueue_dma source(%dma_start3A_142 : memref<16x512xf32, #tpu.memory_space<hbm>>) target(%arg7 : memref<16x512xf32, #tpu.memory_space<vmem>>) target_semaphore(%arg16 : memref<!tpu.dma_semaphore, #tpu.memory_space<semaphore_mem>>)
    %add3A_143 = arith.constant 96 : i32
    %add3A_144 = arith.addi %add3A_143, %add3A : i32
    %jit3A_145 = arith.constant 195 : i32
    %div3A_146 = arith.divsi %add3A_144, %jit3A_145 : i32
    %sign3A_147 = arith.constant 0 : i32
    %sign3A_148 = arith.cmpi sgt, %add3A_144, %sign3A_147 : i32
    %sign3A_149 = arith.extui %sign3A_148 : i1 to i32
    %sign3A_150 = arith.constant 0 : i32
    %sign3A_151 = arith.cmpi slt, %add3A_144, %sign3A_150 : i32
    %sign3A_152 = arith.extui %sign3A_151 : i1 to i32
    %sign3A_153 = arith.subi %sign3A_149, %sign3A_152 : i32
    %sign3A_154 = arith.constant 0 : i32
    %sign3A_155 = arith.cmpi sgt, %jit3A_145, %sign3A_154 : i32
    %sign3A_156 = arith.extui %sign3A_155 : i1 to i32
    %sign3A_157 = arith.constant 0 : i32
    %sign3A_158 = arith.cmpi slt, %jit3A_145, %sign3A_157 : i32
    %sign3A_159 = arith.extui %sign3A_158 : i1 to i32
    %sign3A_160 = arith.subi %sign3A_156, %sign3A_159 : i32
    %ne3A_161 = arith.cmpi ne, %sign3A_153, %sign3A_160 : i32
    %rem3A_162 = arith.remsi %add3A_144, %jit3A_145 : i32
    %ne3A_163 = arith.constant 0 : i32
    %ne3A_164 = arith.cmpi ne, %rem3A_162, %ne3A_163 : i32
    %and3A_165 = arith.andi %ne3A_161, %ne3A_164 : i1
    %sub3A_166 = arith.constant 1 : i32
    %sub3A_167 = arith.subi %div3A_146, %sub3A_166 : i32
    %select_n3A_168 = arith.select %and3A_165, %sub3A_167, %div3A_146 : i32
    %jit3A_169 = arith.constant 195 : i32
    %eq3A_170 = arith.constant 0 : i32
    %eq3A_171 = arith.cmpi eq, %jit3A_169, %eq3A_170 : i32
    %jit3A_172 = arith.constant 1 : i32
    %select_n3A_173 = arith.select %eq3A_171, %jit3A_172, %jit3A_169 : i32
    %rem3A_174 = arith.remsi %add3A_144, %select_n3A_173 : i32
    %ne3A_175 = arith.constant 0 : i32
    %ne3A_176 = arith.cmpi ne, %rem3A_174, %ne3A_175 : i32
    %lt3A_177 = arith.constant 0 : i32
    %lt3A_178 = arith.cmpi slt, %rem3A_174, %lt3A_177 : i32
    %lt3A_179 = arith.constant 0 : i32
    %lt3A_180 = arith.cmpi slt, %select_n3A_173, %lt3A_179 : i32
    %ne3A_181 = arith.xori %lt3A_178, %lt3A_180 : i1
    %and3A_182 = arith.andi %ne3A_181, %ne3A_176 : i1
    %add3A_183 = arith.addi %rem3A_174, %select_n3A_173 : i32
    %select_n3A_184 = arith.select %and3A_182, %add3A_183, %rem3A_174 : i32
    %mul3A_185 = arith.constant 512 : i32
    %mul3A_186 = arith.muli %select_n3A_184, %mul3A_185 : i32
    %dma_start3A_187 = arith.constant 0 : i32
    %dma_start3A_188 = tpu.memref_slice %arg2[%select_n3A_168, %dma_start3A_187, %mul3A_186] : memref<26x16x100000xf32, #tpu.memory_space<hbm>> -> memref<1x16x512xf32, #tpu.memory_space<hbm>>
    %dma_start3A_189 = tpu.memref_squeeze %dma_start3A_188 : memref<1x16x512xf32, #tpu.memory_space<hbm>> -> memref<16x512xf32, #tpu.memory_space<hbm>>
    %dma_start3A_190 = arith.constant 0 : i32
    %dma_start3A_191 = tpu.memref_slice %arg2[%select_n3A_168, %dma_start3A_190, %mul3A_186] : memref<26x16x100000xf32, #tpu.memory_space<hbm>> -> memref<1x16x512xf32, #tpu.memory_space<hbm>>
    %dma_start3A_192 = tpu.memref_squeeze %dma_start3A_191 : memref<1x16x512xf32, #tpu.memory_space<hbm>> -> memref<16x512xf32, #tpu.memory_space<hbm>>
    tpu.enqueue_dma source(%dma_start3A_192 : memref<16x512xf32, #tpu.memory_space<hbm>>) target(%arg8 : memref<16x512xf32, #tpu.memory_space<vmem>>) target_semaphore(%arg17 : memref<!tpu.dma_semaphore, #tpu.memory_space<semaphore_mem>>)
    %scan3A = arith.constant 0 : i32
    %scan3A_193 = arith.constant 0 : i32
    %scan3A_194 = arith.constant 40 : i32
    %scan3A_195 = arith.addi %scan3A_193, %scan3A_194 : i32
    %scan3A_196 = arith.constant 1 : i32
    scf.for %scan3A_401 = %scan3A_193 to %scan3A_195 step %scan3A_196  : i32 {
      %mul3A_402 = arith.constant 4 : i32
      %mul3A_403 = arith.muli %scan3A_401, %mul3A_402 : i32
      %add3A_404 = arith.constant 0 : i32
      %add3A_405 = arith.addi %mul3A_403, %add3A_404 : i32
      %mul3A_406 = arith.constant 32 : i32
      %mul3A_407 = arith.muli %add3A_405, %mul3A_406 : i32
      %add3A_408 = arith.addi %mul3A_407, %add3A : i32
      %lt3A_409 = arith.constant 5070 : i32
      %lt3A_410 = arith.cmpi slt, %add3A_408, %lt3A_409 : i32
      %convert_element_type3A_411 = arith.extui %lt3A_410 : i1 to i32
      %cond3A_412 = arith.constant 0 : i32
      %cond3A_413 = arith.cmpi ne, %convert_element_type3A_411, %cond3A_412 : i32
      scf.if %cond3A_413 {
        %gt3A = arith.constant 0 : i32
        %gt3A_450 = arith.cmpi sgt, %scan3A_401, %gt3A : i32
        %convert_element_type3A_451 = arith.extui %gt3A_450 : i1 to i32
        %cond3A_452 = arith.constant 0 : i32
        %cond3A_453 = arith.cmpi ne, %convert_element_type3A_451, %cond3A_452 : i32
        scf.if %cond3A_453 {
          %sub3A_569 = arith.constant 4 : i32
          %sub3A_570 = arith.subi %add3A_405, %sub3A_569 : i32
          %mul3A_571 = arith.constant 32 : i32
          %mul3A_572 = arith.muli %sub3A_570, %mul3A_571 : i32
          %add3A_573 = arith.addi %mul3A_572, %add3A : i32
          %jit3A_574 = arith.constant 195 : i32
          %div3A_575 = arith.divsi %add3A_573, %jit3A_574 : i32
          %sign3A_576 = arith.constant 0 : i32
          %sign3A_577 = arith.cmpi sgt, %add3A_573, %sign3A_576 : i32
          %sign3A_578 = arith.extui %sign3A_577 : i1 to i32
          %sign3A_579 = arith.constant 0 : i32
          %sign3A_580 = arith.cmpi slt, %add3A_573, %sign3A_579 : i32
          %sign3A_581 = arith.extui %sign3A_580 : i1 to i32
          %sign3A_582 = arith.subi %sign3A_578, %sign3A_581 : i32
          %sign3A_583 = arith.constant 0 : i32
          %sign3A_584 = arith.cmpi sgt, %jit3A_574, %sign3A_583 : i32
          %sign3A_585 = arith.extui %sign3A_584 : i1 to i32
          %sign3A_586 = arith.constant 0 : i32
          %sign3A_587 = arith.cmpi slt, %jit3A_574, %sign3A_586 : i32
          %sign3A_588 = arith.extui %sign3A_587 : i1 to i32
          %sign3A_589 = arith.subi %sign3A_585, %sign3A_588 : i32
          %ne3A_590 = arith.cmpi ne, %sign3A_582, %sign3A_589 : i32
          %rem3A_591 = arith.remsi %add3A_573, %jit3A_574 : i32
          %ne3A_592 = arith.constant 0 : i32
          %ne3A_593 = arith.cmpi ne, %rem3A_591, %ne3A_592 : i32
          %and3A_594 = arith.andi %ne3A_590, %ne3A_593 : i1
          %sub3A_595 = arith.constant 1 : i32
          %sub3A_596 = arith.subi %div3A_575, %sub3A_595 : i32
          %select_n3A_597 = arith.select %and3A_594, %sub3A_596, %div3A_575 : i32
          %jit3A_598 = arith.constant 195 : i32
          %eq3A_599 = arith.constant 0 : i32
          %eq3A_600 = arith.cmpi eq, %jit3A_598, %eq3A_599 : i32
          %jit3A_601 = arith.constant 1 : i32
          %select_n3A_602 = arith.select %eq3A_600, %jit3A_601, %jit3A_598 : i32
          %rem3A_603 = arith.remsi %add3A_573, %select_n3A_602 : i32
          %ne3A_604 = arith.constant 0 : i32
          %ne3A_605 = arith.cmpi ne, %rem3A_603, %ne3A_604 : i32
          %lt3A_606 = arith.constant 0 : i32
          %lt3A_607 = arith.cmpi slt, %rem3A_603, %lt3A_606 : i32
          %lt3A_608 = arith.constant 0 : i32
          %lt3A_609 = arith.cmpi slt, %select_n3A_602, %lt3A_608 : i32
          %ne3A_610 = arith.xori %lt3A_607, %lt3A_609 : i1
          %and3A_611 = arith.andi %ne3A_610, %ne3A_605 : i1
          %add3A_612 = arith.addi %rem3A_603, %select_n3A_602 : i32
          %select_n3A_613 = arith.select %and3A_611, %add3A_612, %rem3A_603 : i32
          %mul3A_614 = arith.constant 512 : i32
          %mul3A_615 = arith.muli %select_n3A_613, %mul3A_614 : i32
          %mul3A_616 = arith.constant 100000 : i32
          %mul3A_617 = arith.muli %select_n3A_597, %mul3A_616 : i32
          %add3A_618 = arith.addi %mul3A_617, %mul3A_615 : i32
          %mul3A_619 = arith.constant 16 : i32
          %mul3A_620 = arith.muli %add3A_618, %mul3A_619 : i32
          %dma_wait3A_621 = tpu.memref_slice %arg4[%mul3A_620] : memref<41600000xf32, #tpu.memory_space<hbm>> -> memref<8192xf32, #tpu.memory_space<hbm>>
          %dma_wait3A_622 = tpu.memref_slice %arg4[%mul3A_620] : memref<41600000xf32, #tpu.memory_space<hbm>> -> memref<8192xf32, #tpu.memory_space<hbm>>
          tpu.wait_dma2 semaphore(%arg18 : memref<!tpu.dma_semaphore, #tpu.memory_space<semaphore_mem>>) src(%arg9 : memref<8192xf32, #tpu.memory_space<vmem>>) dst(%dma_wait3A_622 : memref<8192xf32, #tpu.memory_space<hbm>>)
        } else {
        }
        %mul3A_454 = arith.constant 32 : i32
        %mul3A_455 = arith.muli %add3A_405, %mul3A_454 : i32
        %add3A_456 = arith.addi %mul3A_455, %add3A : i32
        %jit3A_457 = arith.constant 195 : i32
        %div3A_458 = arith.divsi %add3A_456, %jit3A_457 : i32
        %sign3A_459 = arith.constant 0 : i32
        %sign3A_460 = arith.cmpi sgt, %add3A_456, %sign3A_459 : i32
        %sign3A_461 = arith.extui %sign3A_460 : i1 to i32
        %sign3A_462 = arith.constant 0 : i32
        %sign3A_463 = arith.cmpi slt, %add3A_456, %sign3A_462 : i32
        %sign3A_464 = arith.extui %sign3A_463 : i1 to i32
        %sign3A_465 = arith.subi %sign3A_461, %sign3A_464 : i32
        %sign3A_466 = arith.constant 0 : i32
        %sign3A_467 = arith.cmpi sgt, %jit3A_457, %sign3A_466 : i32
        %sign3A_468 = arith.extui %sign3A_467 : i1 to i32
        %sign3A_469 = arith.constant 0 : i32
        %sign3A_470 = arith.cmpi slt, %jit3A_457, %sign3A_469 : i32
        %sign3A_471 = arith.extui %sign3A_470 : i1 to i32
        %sign3A_472 = arith.subi %sign3A_468, %sign3A_471 : i32
        %ne3A_473 = arith.cmpi ne, %sign3A_465, %sign3A_472 : i32
        %rem3A_474 = arith.remsi %add3A_456, %jit3A_457 : i32
        %ne3A_475 = arith.constant 0 : i32
        %ne3A_476 = arith.cmpi ne, %rem3A_474, %ne3A_475 : i32
        %and3A_477 = arith.andi %ne3A_473, %ne3A_476 : i1
        %sub3A_478 = arith.constant 1 : i32
        %sub3A_479 = arith.subi %div3A_458, %sub3A_478 : i32
        %select_n3A_480 = arith.select %and3A_477, %sub3A_479, %div3A_458 : i32
        %jit3A_481 = arith.constant 195 : i32
        %eq3A_482 = arith.constant 0 : i32
        %eq3A_483 = arith.cmpi eq, %jit3A_481, %eq3A_482 : i32
        %jit3A_484 = arith.constant 1 : i32
        %select_n3A_485 = arith.select %eq3A_483, %jit3A_484, %jit3A_481 : i32
        %rem3A_486 = arith.remsi %add3A_456, %select_n3A_485 : i32
        %ne3A_487 = arith.constant 0 : i32
        %ne3A_488 = arith.cmpi ne, %rem3A_486, %ne3A_487 : i32
        %lt3A_489 = arith.constant 0 : i32
        %lt3A_490 = arith.cmpi slt, %rem3A_486, %lt3A_489 : i32
        %lt3A_491 = arith.constant 0 : i32
        %lt3A_492 = arith.cmpi slt, %select_n3A_485, %lt3A_491 : i32
        %ne3A_493 = arith.xori %lt3A_490, %lt3A_492 : i1
        %and3A_494 = arith.andi %ne3A_493, %ne3A_488 : i1
        %add3A_495 = arith.addi %rem3A_486, %select_n3A_485 : i32
        %select_n3A_496 = arith.select %and3A_494, %add3A_495, %rem3A_486 : i32
        %mul3A_497 = arith.constant 512 : i32
        %mul3A_498 = arith.muli %select_n3A_496, %mul3A_497 : i32
        %dma_wait3A_499 = arith.constant 0 : i32
        %dma_wait3A_500 = tpu.memref_slice %arg2[%select_n3A_480, %dma_wait3A_499, %mul3A_498] : memref<26x16x100000xf32, #tpu.memory_space<hbm>> -> memref<1x16x512xf32, #tpu.memory_space<hbm>>
        %dma_wait3A_501 = tpu.memref_squeeze %dma_wait3A_500 : memref<1x16x512xf32, #tpu.memory_space<hbm>> -> memref<16x512xf32, #tpu.memory_space<hbm>>
        %dma_wait3A_502 = arith.constant 0 : i32
        %dma_wait3A_503 = tpu.memref_slice %arg2[%select_n3A_480, %dma_wait3A_502, %mul3A_498] : memref<26x16x100000xf32, #tpu.memory_space<hbm>> -> memref<1x16x512xf32, #tpu.memory_space<hbm>>
        %dma_wait3A_504 = tpu.memref_squeeze %dma_wait3A_503 : memref<1x16x512xf32, #tpu.memory_space<hbm>> -> memref<16x512xf32, #tpu.memory_space<hbm>>
        tpu.wait_dma2 semaphore(%arg14 : memref<!tpu.dma_semaphore, #tpu.memory_space<semaphore_mem>>) src(%dma_wait3A_504 : memref<16x512xf32, #tpu.memory_space<hbm>>) dst(%arg5 : memref<16x512xf32, #tpu.memory_space<vmem>>)
        %parallel_loop3A = arith.constant 0 : i32
        %parallel_loop3A_505 = arith.constant 512 : i32
        %parallel_loop3A_506 = arith.constant 1 : i32
        scf.for %parallel_loop3A_569 = %parallel_loop3A to %parallel_loop3A_505 step %parallel_loop3A_506  : i32 {
          %parallel_loop3A_570 = vector.broadcast %parallel_loop3A_569 : i32 to vector<16xi32>
          %parallel_loop3A_571 = arith.addi %parallel_loop3A_570, %iota3A : vector<16xi32>
          %parallel_loop3A_572 = arith.constant 511 : i32
          %parallel_loop3A_573 = vector.broadcast %parallel_loop3A_572 : i32 to vector<16xi32>
          %parallel_loop3A_574 = arith.andi %parallel_loop3A_571, %parallel_loop3A_573 : vector<16xi32>
          %parallel_loop3A_575 = tpu.vector_load_idx %arg5[%iota3A, %parallel_loop3A_574] : memref<16x512xf32, #tpu.memory_space<vmem>>[vector<16xi32>, vector<16xi32>], vector<16xf32>,
          %parallel_loop3A_576 = arith.constant 16 : i32
          %parallel_loop3A_577 = vector.broadcast %parallel_loop3A_576 : i32 to vector<16xi32>
          %parallel_loop3A_578 = arith.muli %parallel_loop3A_574, %parallel_loop3A_577 : vector<16xi32>
          %parallel_loop3A_579 = arith.addi %parallel_loop3A_578, %iota3A : vector<16xi32>
          tpu.vector_store_idx %arg9[%parallel_loop3A_579], %parallel_loop3A_575 : memref<8192xf32, #tpu.memory_space<vmem>>[vector<16xi32>], vector<16xf32>,
        } {sc.loop_unroll_factor = 8 : i64, sc.parallel_access}
        %add3A_507 = arith.constant 4 : i32
        %add3A_508 = arith.addi %add3A_405, %add3A_507 : i32
        %mul3A_509 = arith.constant 32 : i32
        %mul3A_510 = arith.muli %add3A_508, %mul3A_509 : i32
        %add3A_511 = arith.addi %mul3A_510, %add3A : i32
        %lt3A_512 = arith.constant 5070 : i32
        %lt3A_513 = arith.cmpi slt, %add3A_511, %lt3A_512 : i32
        %convert_element_type3A_514 = arith.extui %lt3A_513 : i1 to i32
        %cond3A_515 = arith.constant 0 : i32
        %cond3A_516 = arith.cmpi ne, %convert_element_type3A_514, %cond3A_515 : i32
        scf.if %cond3A_516 {
          %add3A_569 = arith.constant 4 : i32
          %add3A_570 = arith.addi %add3A_405, %add3A_569 : i32
          %mul3A_571 = arith.constant 32 : i32
          %mul3A_572 = arith.muli %add3A_570, %mul3A_571 : i32
          %add3A_573 = arith.addi %mul3A_572, %add3A : i32
          %jit3A_574 = arith.constant 195 : i32
          %div3A_575 = arith.divsi %add3A_573, %jit3A_574 : i32
          %sign3A_576 = arith.constant 0 : i32
          %sign3A_577 = arith.cmpi sgt, %add3A_573, %sign3A_576 : i32
          %sign3A_578 = arith.extui %sign3A_577 : i1 to i32
          %sign3A_579 = arith.constant 0 : i32
          %sign3A_580 = arith.cmpi slt, %add3A_573, %sign3A_579 : i32
          %sign3A_581 = arith.extui %sign3A_580 : i1 to i32
          %sign3A_582 = arith.subi %sign3A_578, %sign3A_581 : i32
          %sign3A_583 = arith.constant 0 : i32
          %sign3A_584 = arith.cmpi sgt, %jit3A_574, %sign3A_583 : i32
          %sign3A_585 = arith.extui %sign3A_584 : i1 to i32
          %sign3A_586 = arith.constant 0 : i32
          %sign3A_587 = arith.cmpi slt, %jit3A_574, %sign3A_586 : i32
          %sign3A_588 = arith.extui %sign3A_587 : i1 to i32
          %sign3A_589 = arith.subi %sign3A_585, %sign3A_588 : i32
          %ne3A_590 = arith.cmpi ne, %sign3A_582, %sign3A_589 : i32
          %rem3A_591 = arith.remsi %add3A_573, %jit3A_574 : i32
          %ne3A_592 = arith.constant 0 : i32
          %ne3A_593 = arith.cmpi ne, %rem3A_591, %ne3A_592 : i32
          %and3A_594 = arith.andi %ne3A_590, %ne3A_593 : i1
          %sub3A_595 = arith.constant 1 : i32
          %sub3A_596 = arith.subi %div3A_575, %sub3A_595 : i32
          %select_n3A_597 = arith.select %and3A_594, %sub3A_596, %div3A_575 : i32
          %jit3A_598 = arith.constant 195 : i32
          %eq3A_599 = arith.constant 0 : i32
          %eq3A_600 = arith.cmpi eq, %jit3A_598, %eq3A_599 : i32
          %jit3A_601 = arith.constant 1 : i32
          %select_n3A_602 = arith.select %eq3A_600, %jit3A_601, %jit3A_598 : i32
          %rem3A_603 = arith.remsi %add3A_573, %select_n3A_602 : i32
          %ne3A_604 = arith.constant 0 : i32
          %ne3A_605 = arith.cmpi ne, %rem3A_603, %ne3A_604 : i32
          %lt3A_606 = arith.constant 0 : i32
          %lt3A_607 = arith.cmpi slt, %rem3A_603, %lt3A_606 : i32
          %lt3A_608 = arith.constant 0 : i32
          %lt3A_609 = arith.cmpi slt, %select_n3A_602, %lt3A_608 : i32
          %ne3A_610 = arith.xori %lt3A_607, %lt3A_609 : i1
          %and3A_611 = arith.andi %ne3A_610, %ne3A_605 : i1
          %add3A_612 = arith.addi %rem3A_603, %select_n3A_602 : i32
          %select_n3A_613 = arith.select %and3A_611, %add3A_612, %rem3A_603 : i32
          %mul3A_614 = arith.constant 512 : i32
          %mul3A_615 = arith.muli %select_n3A_613, %mul3A_614 : i32
          %dma_start3A_616 = arith.constant 0 : i32
          %dma_start3A_617 = tpu.memref_slice %arg2[%select_n3A_597, %dma_start3A_616, %mul3A_615] : memref<26x16x100000xf32, #tpu.memory_space<hbm>> -> memref<1x16x512xf32, #tpu.memory_space<hbm>>
          %dma_start3A_618 = tpu.memref_squeeze %dma_start3A_617 : memref<1x16x512xf32, #tpu.memory_space<hbm>> -> memref<16x512xf32, #tpu.memory_space<hbm>>
          %dma_start3A_619 = arith.constant 0 : i32
          %dma_start3A_620 = tpu.memref_slice %arg2[%select_n3A_597, %dma_start3A_619, %mul3A_615] : memref<26x16x100000xf32, #tpu.memory_space<hbm>> -> memref<1x16x512xf32, #tpu.memory_space<hbm>>
          %dma_start3A_621 = tpu.memref_squeeze %dma_start3A_620 : memref<1x16x512xf32, #tpu.memory_space<hbm>> -> memref<16x512xf32, #tpu.memory_space<hbm>>
          tpu.enqueue_dma source(%dma_start3A_621 : memref<16x512xf32, #tpu.memory_space<hbm>>) target(%arg5 : memref<16x512xf32, #tpu.memory_space<vmem>>) target_semaphore(%arg14 : memref<!tpu.dma_semaphore, #tpu.memory_space<semaphore_mem>>)
        } else {
        }
        %mul3A_517 = arith.constant 32 : i32
        %mul3A_518 = arith.muli %add3A_405, %mul3A_517 : i32
        %add3A_519 = arith.addi %mul3A_518, %add3A : i32
        %jit3A_520 = arith.constant 195 : i32
        %div3A_521 = arith.divsi %add3A_519, %jit3A_520 : i32
        %sign3A_522 = arith.constant 0 : i32
        %sign3A_523 = arith.cmpi sgt, %add3A_519, %sign3A_522 : i32
        %sign3A_524 = arith.extui %sign3A_523 : i1 to i32
        %sign3A_525 = arith.constant 0 : i32
        %sign3A_526 = arith.cmpi slt, %add3A_519, %sign3A_525 : i32
        %sign3A_527 = arith.extui %sign3A_526 : i1 to i32
        %sign3A_528 = arith.subi %sign3A_524, %sign3A_527 : i32
        %sign3A_529 = arith.constant 0 : i32
        %sign3A_530 = arith.cmpi sgt, %jit3A_520, %sign3A_529 : i32
        %sign3A_531 = arith.extui %sign3A_530 : i1 to i32
        %sign3A_532 = arith.constant 0 : i32
        %sign3A_533 = arith.cmpi slt, %jit3A_520, %sign3A_532 : i32
        %sign3A_534 = arith.extui %sign3A_533 : i1 to i32
        %sign3A_535 = arith.subi %sign3A_531, %sign3A_534 : i32
        %ne3A_536 = arith.cmpi ne, %sign3A_528, %sign3A_535 : i32
        %rem3A_537 = arith.remsi %add3A_519, %jit3A_520 : i32
        %ne3A_538 = arith.constant 0 : i32
        %ne3A_539 = arith.cmpi ne, %rem3A_537, %ne3A_538 : i32
        %and3A_540 = arith.andi %ne3A_536, %ne3A_539 : i1
        %sub3A_541 = arith.constant 1 : i32
        %sub3A_542 = arith.subi %div3A_521, %sub3A_541 : i32
        %select_n3A_543 = arith.select %and3A_540, %sub3A_542, %div3A_521 : i32
        %jit3A_544 = arith.constant 195 : i32
        %eq3A_545 = arith.constant 0 : i32
        %eq3A_546 = arith.cmpi eq, %jit3A_544, %eq3A_545 : i32
        %jit3A_547 = arith.constant 1 : i32
        %select_n3A_548 = arith.select %eq3A_546, %jit3A_547, %jit3A_544 : i32
        %rem3A_549 = arith.remsi %add3A_519, %select_n3A_548 : i32
        %ne3A_550 = arith.constant 0 : i32
        %ne3A_551 = arith.cmpi ne, %rem3A_549, %ne3A_550 : i32
        %lt3A_552 = arith.constant 0 : i32
        %lt3A_553 = arith.cmpi slt, %rem3A_549, %lt3A_552 : i32
        %lt3A_554 = arith.constant 0 : i32
        %lt3A_555 = arith.cmpi slt, %select_n3A_548, %lt3A_554 : i32
        %ne3A_556 = arith.xori %lt3A_553, %lt3A_555 : i1
        %and3A_557 = arith.andi %ne3A_556, %ne3A_551 : i1
        %add3A_558 = arith.addi %rem3A_549, %select_n3A_548 : i32
        %select_n3A_559 = arith.select %and3A_557, %add3A_558, %rem3A_549 : i32
        %mul3A_560 = arith.constant 512 : i32
        %mul3A_561 = arith.muli %select_n3A_559, %mul3A_560 : i32
        %mul3A_562 = arith.constant 100000 : i32
        %mul3A_563 = arith.muli %select_n3A_543, %mul3A_562 : i32
        %add3A_564 = arith.addi %mul3A_563, %mul3A_561 : i32
        %mul3A_565 = arith.constant 16 : i32
        %mul3A_566 = arith.muli %add3A_564, %mul3A_565 : i32
        %dma_start3A_567 = tpu.memref_slice %arg4[%mul3A_566] : memref<41600000xf32, #tpu.memory_space<hbm>> -> memref<8192xf32, #tpu.memory_space<hbm>>
        %dma_start3A_568 = tpu.memref_slice %arg4[%mul3A_566] : memref<41600000xf32, #tpu.memory_space<hbm>> -> memref<8192xf32, #tpu.memory_space<hbm>>
        tpu.enqueue_dma source(%arg9 : memref<8192xf32, #tpu.memory_space<vmem>>) target(%dma_start3A_568 : memref<8192xf32, #tpu.memory_space<hbm>>) target_semaphore(%arg18 : memref<!tpu.dma_semaphore, #tpu.memory_space<semaphore_mem>>)
      } else {
      }
      %mul3A_414 = arith.constant 4 : i32
      %mul3A_415 = arith.muli %scan3A_401, %mul3A_414 : i32
      %add3A_416 = arith.constant 1 : i32
      %add3A_417 = arith.addi %mul3A_415, %add3A_416 : i32
      %mul3A_418 = arith.constant 32 : i32
      %mul3A_419 = arith.muli %add3A_417, %mul3A_418 : i32
      %add3A_420 = arith.addi %mul3A_419, %add3A : i32
      %lt3A_421 = arith.constant 5070 : i32
      %lt3A_422 = arith.cmpi slt, %add3A_420, %lt3A_421 : i32
      %convert_element_type3A_423 = arith.extui %lt3A_422 : i1 to i32
      %cond3A_424 = arith.constant 0 : i32
      %cond3A_425 = arith.cmpi ne, %convert_element_type3A_423, %cond3A_424 : i32
      scf.if %cond3A_425 {
        %gt3A = arith.constant 0 : i32
        %gt3A_450 = arith.cmpi sgt, %scan3A_401, %gt3A : i32
        %convert_element_type3A_451 = arith.extui %gt3A_450 : i1 to i32
        %cond3A_452 = arith.constant 0 : i32
        %cond3A_453 = arith.cmpi ne, %convert_element_type3A_451, %cond3A_452 : i32
        scf.if %cond3A_453 {
          %sub3A_569 = arith.constant 4 : i32
          %sub3A_570 = arith.subi %add3A_417, %sub3A_569 : i32
          %mul3A_571 = arith.constant 32 : i32
          %mul3A_572 = arith.muli %sub3A_570, %mul3A_571 : i32
          %add3A_573 = arith.addi %mul3A_572, %add3A : i32
          %jit3A_574 = arith.constant 195 : i32
          %div3A_575 = arith.divsi %add3A_573, %jit3A_574 : i32
          %sign3A_576 = arith.constant 0 : i32
          %sign3A_577 = arith.cmpi sgt, %add3A_573, %sign3A_576 : i32
          %sign3A_578 = arith.extui %sign3A_577 : i1 to i32
          %sign3A_579 = arith.constant 0 : i32
          %sign3A_580 = arith.cmpi slt, %add3A_573, %sign3A_579 : i32
          %sign3A_581 = arith.extui %sign3A_580 : i1 to i32
          %sign3A_582 = arith.subi %sign3A_578, %sign3A_581 : i32
          %sign3A_583 = arith.constant 0 : i32
          %sign3A_584 = arith.cmpi sgt, %jit3A_574, %sign3A_583 : i32
          %sign3A_585 = arith.extui %sign3A_584 : i1 to i32
          %sign3A_586 = arith.constant 0 : i32
          %sign3A_587 = arith.cmpi slt, %jit3A_574, %sign3A_586 : i32
          %sign3A_588 = arith.extui %sign3A_587 : i1 to i32
          %sign3A_589 = arith.subi %sign3A_585, %sign3A_588 : i32
          %ne3A_590 = arith.cmpi ne, %sign3A_582, %sign3A_589 : i32
          %rem3A_591 = arith.remsi %add3A_573, %jit3A_574 : i32
          %ne3A_592 = arith.constant 0 : i32
          %ne3A_593 = arith.cmpi ne, %rem3A_591, %ne3A_592 : i32
          %and3A_594 = arith.andi %ne3A_590, %ne3A_593 : i1
          %sub3A_595 = arith.constant 1 : i32
          %sub3A_596 = arith.subi %div3A_575, %sub3A_595 : i32
          %select_n3A_597 = arith.select %and3A_594, %sub3A_596, %div3A_575 : i32
          %jit3A_598 = arith.constant 195 : i32
          %eq3A_599 = arith.constant 0 : i32
          %eq3A_600 = arith.cmpi eq, %jit3A_598, %eq3A_599 : i32
          %jit3A_601 = arith.constant 1 : i32
          %select_n3A_602 = arith.select %eq3A_600, %jit3A_601, %jit3A_598 : i32
          %rem3A_603 = arith.remsi %add3A_573, %select_n3A_602 : i32
          %ne3A_604 = arith.constant 0 : i32
          %ne3A_605 = arith.cmpi ne, %rem3A_603, %ne3A_604 : i32
          %lt3A_606 = arith.constant 0 : i32
          %lt3A_607 = arith.cmpi slt, %rem3A_603, %lt3A_606 : i32
          %lt3A_608 = arith.constant 0 : i32
          %lt3A_609 = arith.cmpi slt, %select_n3A_602, %lt3A_608 : i32
          %ne3A_610 = arith.xori %lt3A_607, %lt3A_609 : i1
          %and3A_611 = arith.andi %ne3A_610, %ne3A_605 : i1
          %add3A_612 = arith.addi %rem3A_603, %select_n3A_602 : i32
          %select_n3A_613 = arith.select %and3A_611, %add3A_612, %rem3A_603 : i32
          %mul3A_614 = arith.constant 512 : i32
          %mul3A_615 = arith.muli %select_n3A_613, %mul3A_614 : i32
          %mul3A_616 = arith.constant 100000 : i32
          %mul3A_617 = arith.muli %select_n3A_597, %mul3A_616 : i32
          %add3A_618 = arith.addi %mul3A_617, %mul3A_615 : i32
          %mul3A_619 = arith.constant 16 : i32
          %mul3A_620 = arith.muli %add3A_618, %mul3A_619 : i32
          %dma_wait3A_621 = tpu.memref_slice %arg4[%mul3A_620] : memref<41600000xf32, #tpu.memory_space<hbm>> -> memref<8192xf32, #tpu.memory_space<hbm>>
          %dma_wait3A_622 = tpu.memref_slice %arg4[%mul3A_620] : memref<41600000xf32, #tpu.memory_space<hbm>> -> memref<8192xf32, #tpu.memory_space<hbm>>
          tpu.wait_dma2 semaphore(%arg19 : memref<!tpu.dma_semaphore, #tpu.memory_space<semaphore_mem>>) src(%arg10 : memref<8192xf32, #tpu.memory_space<vmem>>) dst(%dma_wait3A_622 : memref<8192xf32, #tpu.memory_space<hbm>>)
        } else {
        }
        %mul3A_454 = arith.constant 32 : i32
        %mul3A_455 = arith.muli %add3A_417, %mul3A_454 : i32
        %add3A_456 = arith.addi %mul3A_455, %add3A : i32
        %jit3A_457 = arith.constant 195 : i32
        %div3A_458 = arith.divsi %add3A_456, %jit3A_457 : i32
        %sign3A_459 = arith.constant 0 : i32
        %sign3A_460 = arith.cmpi sgt, %add3A_456, %sign3A_459 : i32
        %sign3A_461 = arith.extui %sign3A_460 : i1 to i32
        %sign3A_462 = arith.constant 0 : i32
        %sign3A_463 = arith.cmpi slt, %add3A_456, %sign3A_462 : i32
        %sign3A_464 = arith.extui %sign3A_463 : i1 to i32
        %sign3A_465 = arith.subi %sign3A_461, %sign3A_464 : i32
        %sign3A_466 = arith.constant 0 : i32
        %sign3A_467 = arith.cmpi sgt, %jit3A_457, %sign3A_466 : i32
        %sign3A_468 = arith.extui %sign3A_467 : i1 to i32
        %sign3A_469 = arith.constant 0 : i32
        %sign3A_470 = arith.cmpi slt, %jit3A_457, %sign3A_469 : i32
        %sign3A_471 = arith.extui %sign3A_470 : i1 to i32
        %sign3A_472 = arith.subi %sign3A_468, %sign3A_471 : i32
        %ne3A_473 = arith.cmpi ne, %sign3A_465, %sign3A_472 : i32
        %rem3A_474 = arith.remsi %add3A_456, %jit3A_457 : i32
        %ne3A_475 = arith.constant 0 : i32
        %ne3A_476 = arith.cmpi ne, %rem3A_474, %ne3A_475 : i32
        %and3A_477 = arith.andi %ne3A_473, %ne3A_476 : i1
        %sub3A_478 = arith.constant 1 : i32
        %sub3A_479 = arith.subi %div3A_458, %sub3A_478 : i32
        %select_n3A_480 = arith.select %and3A_477, %sub3A_479, %div3A_458 : i32
        %jit3A_481 = arith.constant 195 : i32
        %eq3A_482 = arith.constant 0 : i32
        %eq3A_483 = arith.cmpi eq, %jit3A_481, %eq3A_482 : i32
        %jit3A_484 = arith.constant 1 : i32
        %select_n3A_485 = arith.select %eq3A_483, %jit3A_484, %jit3A_481 : i32
        %rem3A_486 = arith.remsi %add3A_456, %select_n3A_485 : i32
        %ne3A_487 = arith.constant 0 : i32
        %ne3A_488 = arith.cmpi ne, %rem3A_486, %ne3A_487 : i32
        %lt3A_489 = arith.constant 0 : i32
        %lt3A_490 = arith.cmpi slt, %rem3A_486, %lt3A_489 : i32
        %lt3A_491 = arith.constant 0 : i32
        %lt3A_492 = arith.cmpi slt, %select_n3A_485, %lt3A_491 : i32
        %ne3A_493 = arith.xori %lt3A_490, %lt3A_492 : i1
        %and3A_494 = arith.andi %ne3A_493, %ne3A_488 : i1
        %add3A_495 = arith.addi %rem3A_486, %select_n3A_485 : i32
        %select_n3A_496 = arith.select %and3A_494, %add3A_495, %rem3A_486 : i32
        %mul3A_497 = arith.constant 512 : i32
        %mul3A_498 = arith.muli %select_n3A_496, %mul3A_497 : i32
        %dma_wait3A_499 = arith.constant 0 : i32
        %dma_wait3A_500 = tpu.memref_slice %arg2[%select_n3A_480, %dma_wait3A_499, %mul3A_498] : memref<26x16x100000xf32, #tpu.memory_space<hbm>> -> memref<1x16x512xf32, #tpu.memory_space<hbm>>
        %dma_wait3A_501 = tpu.memref_squeeze %dma_wait3A_500 : memref<1x16x512xf32, #tpu.memory_space<hbm>> -> memref<16x512xf32, #tpu.memory_space<hbm>>
        %dma_wait3A_502 = arith.constant 0 : i32
        %dma_wait3A_503 = tpu.memref_slice %arg2[%select_n3A_480, %dma_wait3A_502, %mul3A_498] : memref<26x16x100000xf32, #tpu.memory_space<hbm>> -> memref<1x16x512xf32, #tpu.memory_space<hbm>>
        %dma_wait3A_504 = tpu.memref_squeeze %dma_wait3A_503 : memref<1x16x512xf32, #tpu.memory_space<hbm>> -> memref<16x512xf32, #tpu.memory_space<hbm>>
        tpu.wait_dma2 semaphore(%arg15 : memref<!tpu.dma_semaphore, #tpu.memory_space<semaphore_mem>>) src(%dma_wait3A_504 : memref<16x512xf32, #tpu.memory_space<hbm>>) dst(%arg6 : memref<16x512xf32, #tpu.memory_space<vmem>>)
        %parallel_loop3A = arith.constant 0 : i32
        %parallel_loop3A_505 = arith.constant 512 : i32
        %parallel_loop3A_506 = arith.constant 1 : i32
        scf.for %parallel_loop3A_569 = %parallel_loop3A to %parallel_loop3A_505 step %parallel_loop3A_506  : i32 {
          %parallel_loop3A_570 = vector.broadcast %parallel_loop3A_569 : i32 to vector<16xi32>
          %parallel_loop3A_571 = arith.addi %parallel_loop3A_570, %iota3A : vector<16xi32>
          %parallel_loop3A_572 = arith.constant 511 : i32
          %parallel_loop3A_573 = vector.broadcast %parallel_loop3A_572 : i32 to vector<16xi32>
          %parallel_loop3A_574 = arith.andi %parallel_loop3A_571, %parallel_loop3A_573 : vector<16xi32>
          %parallel_loop3A_575 = tpu.vector_load_idx %arg6[%iota3A, %parallel_loop3A_574] : memref<16x512xf32, #tpu.memory_space<vmem>>[vector<16xi32>, vector<16xi32>], vector<16xf32>,
          %parallel_loop3A_576 = arith.constant 16 : i32
          %parallel_loop3A_577 = vector.broadcast %parallel_loop3A_576 : i32 to vector<16xi32>
          %parallel_loop3A_578 = arith.muli %parallel_loop3A_574, %parallel_loop3A_577 : vector<16xi32>
          %parallel_loop3A_579 = arith.addi %parallel_loop3A_578, %iota3A : vector<16xi32>
          tpu.vector_store_idx %arg10[%parallel_loop3A_579], %parallel_loop3A_575 : memref<8192xf32, #tpu.memory_space<vmem>>[vector<16xi32>], vector<16xf32>,
        } {sc.loop_unroll_factor = 8 : i64, sc.parallel_access}
        %add3A_507 = arith.constant 4 : i32
        %add3A_508 = arith.addi %add3A_417, %add3A_507 : i32
        %mul3A_509 = arith.constant 32 : i32
        %mul3A_510 = arith.muli %add3A_508, %mul3A_509 : i32
        %add3A_511 = arith.addi %mul3A_510, %add3A : i32
        %lt3A_512 = arith.constant 5070 : i32
        %lt3A_513 = arith.cmpi slt, %add3A_511, %lt3A_512 : i32
        %convert_element_type3A_514 = arith.extui %lt3A_513 : i1 to i32
        %cond3A_515 = arith.constant 0 : i32
        %cond3A_516 = arith.cmpi ne, %convert_element_type3A_514, %cond3A_515 : i32
        scf.if %cond3A_516 {
          %add3A_569 = arith.constant 4 : i32
          %add3A_570 = arith.addi %add3A_417, %add3A_569 : i32
          %mul3A_571 = arith.constant 32 : i32
          %mul3A_572 = arith.muli %add3A_570, %mul3A_571 : i32
          %add3A_573 = arith.addi %mul3A_572, %add3A : i32
          %jit3A_574 = arith.constant 195 : i32
          %div3A_575 = arith.divsi %add3A_573, %jit3A_574 : i32
          %sign3A_576 = arith.constant 0 : i32
          %sign3A_577 = arith.cmpi sgt, %add3A_573, %sign3A_576 : i32
          %sign3A_578 = arith.extui %sign3A_577 : i1 to i32
          %sign3A_579 = arith.constant 0 : i32
          %sign3A_580 = arith.cmpi slt, %add3A_573, %sign3A_579 : i32
          %sign3A_581 = arith.extui %sign3A_580 : i1 to i32
          %sign3A_582 = arith.subi %sign3A_578, %sign3A_581 : i32
          %sign3A_583 = arith.constant 0 : i32
          %sign3A_584 = arith.cmpi sgt, %jit3A_574, %sign3A_583 : i32
          %sign3A_585 = arith.extui %sign3A_584 : i1 to i32
          %sign3A_586 = arith.constant 0 : i32
          %sign3A_587 = arith.cmpi slt, %jit3A_574, %sign3A_586 : i32
          %sign3A_588 = arith.extui %sign3A_587 : i1 to i32
          %sign3A_589 = arith.subi %sign3A_585, %sign3A_588 : i32
          %ne3A_590 = arith.cmpi ne, %sign3A_582, %sign3A_589 : i32
          %rem3A_591 = arith.remsi %add3A_573, %jit3A_574 : i32
          %ne3A_592 = arith.constant 0 : i32
          %ne3A_593 = arith.cmpi ne, %rem3A_591, %ne3A_592 : i32
          %and3A_594 = arith.andi %ne3A_590, %ne3A_593 : i1
          %sub3A_595 = arith.constant 1 : i32
          %sub3A_596 = arith.subi %div3A_575, %sub3A_595 : i32
          %select_n3A_597 = arith.select %and3A_594, %sub3A_596, %div3A_575 : i32
          %jit3A_598 = arith.constant 195 : i32
          %eq3A_599 = arith.constant 0 : i32
          %eq3A_600 = arith.cmpi eq, %jit3A_598, %eq3A_599 : i32
          %jit3A_601 = arith.constant 1 : i32
          %select_n3A_602 = arith.select %eq3A_600, %jit3A_601, %jit3A_598 : i32
          %rem3A_603 = arith.remsi %add3A_573, %select_n3A_602 : i32
          %ne3A_604 = arith.constant 0 : i32
          %ne3A_605 = arith.cmpi ne, %rem3A_603, %ne3A_604 : i32
          %lt3A_606 = arith.constant 0 : i32
          %lt3A_607 = arith.cmpi slt, %rem3A_603, %lt3A_606 : i32
          %lt3A_608 = arith.constant 0 : i32
          %lt3A_609 = arith.cmpi slt, %select_n3A_602, %lt3A_608 : i32
          %ne3A_610 = arith.xori %lt3A_607, %lt3A_609 : i1
          %and3A_611 = arith.andi %ne3A_610, %ne3A_605 : i1
          %add3A_612 = arith.addi %rem3A_603, %select_n3A_602 : i32
          %select_n3A_613 = arith.select %and3A_611, %add3A_612, %rem3A_603 : i32
          %mul3A_614 = arith.constant 512 : i32
          %mul3A_615 = arith.muli %select_n3A_613, %mul3A_614 : i32
          %dma_start3A_616 = arith.constant 0 : i32
          %dma_start3A_617 = tpu.memref_slice %arg2[%select_n3A_597, %dma_start3A_616, %mul3A_615] : memref<26x16x100000xf32, #tpu.memory_space<hbm>> -> memref<1x16x512xf32, #tpu.memory_space<hbm>>
          %dma_start3A_618 = tpu.memref_squeeze %dma_start3A_617 : memref<1x16x512xf32, #tpu.memory_space<hbm>> -> memref<16x512xf32, #tpu.memory_space<hbm>>
          %dma_start3A_619 = arith.constant 0 : i32
          %dma_start3A_620 = tpu.memref_slice %arg2[%select_n3A_597, %dma_start3A_619, %mul3A_615] : memref<26x16x100000xf32, #tpu.memory_space<hbm>> -> memref<1x16x512xf32, #tpu.memory_space<hbm>>
          %dma_start3A_621 = tpu.memref_squeeze %dma_start3A_620 : memref<1x16x512xf32, #tpu.memory_space<hbm>> -> memref<16x512xf32, #tpu.memory_space<hbm>>
          tpu.enqueue_dma source(%dma_start3A_621 : memref<16x512xf32, #tpu.memory_space<hbm>>) target(%arg6 : memref<16x512xf32, #tpu.memory_space<vmem>>) target_semaphore(%arg15 : memref<!tpu.dma_semaphore, #tpu.memory_space<semaphore_mem>>)
        } else {
        }
        %mul3A_517 = arith.constant 32 : i32
        %mul3A_518 = arith.muli %add3A_417, %mul3A_517 : i32
        %add3A_519 = arith.addi %mul3A_518, %add3A : i32
        %jit3A_520 = arith.constant 195 : i32
        %div3A_521 = arith.divsi %add3A_519, %jit3A_520 : i32
        %sign3A_522 = arith.constant 0 : i32
        %sign3A_523 = arith.cmpi sgt, %add3A_519, %sign3A_522 : i32
        %sign3A_524 = arith.extui %sign3A_523 : i1 to i32
        %sign3A_525 = arith.constant 0 : i32
        %sign3A_526 = arith.cmpi slt, %add3A_519, %sign3A_525 : i32
        %sign3A_527 = arith.extui %sign3A_526 : i1 to i32
        %sign3A_528 = arith.subi %sign3A_524, %sign3A_527 : i32
        %sign3A_529 = arith.constant 0 : i32
        %sign3A_530 = arith.cmpi sgt, %jit3A_520, %sign3A_529 : i32
        %sign3A_531 = arith.extui %sign3A_530 : i1 to i32
        %sign3A_532 = arith.constant 0 : i32
        %sign3A_533 = arith.cmpi slt, %jit3A_520, %sign3A_532 : i32
        %sign3A_534 = arith.extui %sign3A_533 : i1 to i32
        %sign3A_535 = arith.subi %sign3A_531, %sign3A_534 : i32
        %ne3A_536 = arith.cmpi ne, %sign3A_528, %sign3A_535 : i32
        %rem3A_537 = arith.remsi %add3A_519, %jit3A_520 : i32
        %ne3A_538 = arith.constant 0 : i32
        %ne3A_539 = arith.cmpi ne, %rem3A_537, %ne3A_538 : i32
        %and3A_540 = arith.andi %ne3A_536, %ne3A_539 : i1
        %sub3A_541 = arith.constant 1 : i32
        %sub3A_542 = arith.subi %div3A_521, %sub3A_541 : i32
        %select_n3A_543 = arith.select %and3A_540, %sub3A_542, %div3A_521 : i32
        %jit3A_544 = arith.constant 195 : i32
        %eq3A_545 = arith.constant 0 : i32
        %eq3A_546 = arith.cmpi eq, %jit3A_544, %eq3A_545 : i32
        %jit3A_547 = arith.constant 1 : i32
        %select_n3A_548 = arith.select %eq3A_546, %jit3A_547, %jit3A_544 : i32
        %rem3A_549 = arith.remsi %add3A_519, %select_n3A_548 : i32
        %ne3A_550 = arith.constant 0 : i32
        %ne3A_551 = arith.cmpi ne, %rem3A_549, %ne3A_550 : i32
        %lt3A_552 = arith.constant 0 : i32
        %lt3A_553 = arith.cmpi slt, %rem3A_549, %lt3A_552 : i32
        %lt3A_554 = arith.constant 0 : i32
        %lt3A_555 = arith.cmpi slt, %select_n3A_548, %lt3A_554 : i32
        %ne3A_556 = arith.xori %lt3A_553, %lt3A_555 : i1
        %and3A_557 = arith.andi %ne3A_556, %ne3A_551 : i1
        %add3A_558 = arith.addi %rem3A_549, %select_n3A_548 : i32
        %select_n3A_559 = arith.select %and3A_557, %add3A_558, %rem3A_549 : i32
        %mul3A_560 = arith.constant 512 : i32
        %mul3A_561 = arith.muli %select_n3A_559, %mul3A_560 : i32
        %mul3A_562 = arith.constant 100000 : i32
        %mul3A_563 = arith.muli %select_n3A_543, %mul3A_562 : i32
        %add3A_564 = arith.addi %mul3A_563, %mul3A_561 : i32
        %mul3A_565 = arith.constant 16 : i32
        %mul3A_566 = arith.muli %add3A_564, %mul3A_565 : i32
        %dma_start3A_567 = tpu.memref_slice %arg4[%mul3A_566] : memref<41600000xf32, #tpu.memory_space<hbm>> -> memref<8192xf32, #tpu.memory_space<hbm>>
        %dma_start3A_568 = tpu.memref_slice %arg4[%mul3A_566] : memref<41600000xf32, #tpu.memory_space<hbm>> -> memref<8192xf32, #tpu.memory_space<hbm>>
        tpu.enqueue_dma source(%arg10 : memref<8192xf32, #tpu.memory_space<vmem>>) target(%dma_start3A_568 : memref<8192xf32, #tpu.memory_space<hbm>>) target_semaphore(%arg19 : memref<!tpu.dma_semaphore, #tpu.memory_space<semaphore_mem>>)
      } else {
      }
      %mul3A_426 = arith.constant 4 : i32
      %mul3A_427 = arith.muli %scan3A_401, %mul3A_426 : i32
      %add3A_428 = arith.constant 2 : i32
      %add3A_429 = arith.addi %mul3A_427, %add3A_428 : i32
      %mul3A_430 = arith.constant 32 : i32
      %mul3A_431 = arith.muli %add3A_429, %mul3A_430 : i32
      %add3A_432 = arith.addi %mul3A_431, %add3A : i32
      %lt3A_433 = arith.constant 5070 : i32
      %lt3A_434 = arith.cmpi slt, %add3A_432, %lt3A_433 : i32
      %convert_element_type3A_435 = arith.extui %lt3A_434 : i1 to i32
      %cond3A_436 = arith.constant 0 : i32
      %cond3A_437 = arith.cmpi ne, %convert_element_type3A_435, %cond3A_436 : i32
      scf.if %cond3A_437 {
        %gt3A = arith.constant 0 : i32
        %gt3A_450 = arith.cmpi sgt, %scan3A_401, %gt3A : i32
        %convert_element_type3A_451 = arith.extui %gt3A_450 : i1 to i32
        %cond3A_452 = arith.constant 0 : i32
        %cond3A_453 = arith.cmpi ne, %convert_element_type3A_451, %cond3A_452 : i32
        scf.if %cond3A_453 {
          %sub3A_569 = arith.constant 4 : i32
          %sub3A_570 = arith.subi %add3A_429, %sub3A_569 : i32
          %mul3A_571 = arith.constant 32 : i32
          %mul3A_572 = arith.muli %sub3A_570, %mul3A_571 : i32
          %add3A_573 = arith.addi %mul3A_572, %add3A : i32
          %jit3A_574 = arith.constant 195 : i32
          %div3A_575 = arith.divsi %add3A_573, %jit3A_574 : i32
          %sign3A_576 = arith.constant 0 : i32
          %sign3A_577 = arith.cmpi sgt, %add3A_573, %sign3A_576 : i32
          %sign3A_578 = arith.extui %sign3A_577 : i1 to i32
          %sign3A_579 = arith.constant 0 : i32
          %sign3A_580 = arith.cmpi slt, %add3A_573, %sign3A_579 : i32
          %sign3A_581 = arith.extui %sign3A_580 : i1 to i32
          %sign3A_582 = arith.subi %sign3A_578, %sign3A_581 : i32
          %sign3A_583 = arith.constant 0 : i32
          %sign3A_584 = arith.cmpi sgt, %jit3A_574, %sign3A_583 : i32
          %sign3A_585 = arith.extui %sign3A_584 : i1 to i32
          %sign3A_586 = arith.constant 0 : i32
          %sign3A_587 = arith.cmpi slt, %jit3A_574, %sign3A_586 : i32
          %sign3A_588 = arith.extui %sign3A_587 : i1 to i32
          %sign3A_589 = arith.subi %sign3A_585, %sign3A_588 : i32
          %ne3A_590 = arith.cmpi ne, %sign3A_582, %sign3A_589 : i32
          %rem3A_591 = arith.remsi %add3A_573, %jit3A_574 : i32
          %ne3A_592 = arith.constant 0 : i32
          %ne3A_593 = arith.cmpi ne, %rem3A_591, %ne3A_592 : i32
          %and3A_594 = arith.andi %ne3A_590, %ne3A_593 : i1
          %sub3A_595 = arith.constant 1 : i32
          %sub3A_596 = arith.subi %div3A_575, %sub3A_595 : i32
          %select_n3A_597 = arith.select %and3A_594, %sub3A_596, %div3A_575 : i32
          %jit3A_598 = arith.constant 195 : i32
          %eq3A_599 = arith.constant 0 : i32
          %eq3A_600 = arith.cmpi eq, %jit3A_598, %eq3A_599 : i32
          %jit3A_601 = arith.constant 1 : i32
          %select_n3A_602 = arith.select %eq3A_600, %jit3A_601, %jit3A_598 : i32
          %rem3A_603 = arith.remsi %add3A_573, %select_n3A_602 : i32
          %ne3A_604 = arith.constant 0 : i32
          %ne3A_605 = arith.cmpi ne, %rem3A_603, %ne3A_604 : i32
          %lt3A_606 = arith.constant 0 : i32
          %lt3A_607 = arith.cmpi slt, %rem3A_603, %lt3A_606 : i32
          %lt3A_608 = arith.constant 0 : i32
          %lt3A_609 = arith.cmpi slt, %select_n3A_602, %lt3A_608 : i32
          %ne3A_610 = arith.xori %lt3A_607, %lt3A_609 : i1
          %and3A_611 = arith.andi %ne3A_610, %ne3A_605 : i1
          %add3A_612 = arith.addi %rem3A_603, %select_n3A_602 : i32
          %select_n3A_613 = arith.select %and3A_611, %add3A_612, %rem3A_603 : i32
          %mul3A_614 = arith.constant 512 : i32
          %mul3A_615 = arith.muli %select_n3A_613, %mul3A_614 : i32
          %mul3A_616 = arith.constant 100000 : i32
          %mul3A_617 = arith.muli %select_n3A_597, %mul3A_616 : i32
          %add3A_618 = arith.addi %mul3A_617, %mul3A_615 : i32
          %mul3A_619 = arith.constant 16 : i32
          %mul3A_620 = arith.muli %add3A_618, %mul3A_619 : i32
          %dma_wait3A_621 = tpu.memref_slice %arg4[%mul3A_620] : memref<41600000xf32, #tpu.memory_space<hbm>> -> memref<8192xf32, #tpu.memory_space<hbm>>
          %dma_wait3A_622 = tpu.memref_slice %arg4[%mul3A_620] : memref<41600000xf32, #tpu.memory_space<hbm>> -> memref<8192xf32, #tpu.memory_space<hbm>>
          tpu.wait_dma2 semaphore(%arg20 : memref<!tpu.dma_semaphore, #tpu.memory_space<semaphore_mem>>) src(%arg11 : memref<8192xf32, #tpu.memory_space<vmem>>) dst(%dma_wait3A_622 : memref<8192xf32, #tpu.memory_space<hbm>>)
        } else {
        }
        %mul3A_454 = arith.constant 32 : i32
        %mul3A_455 = arith.muli %add3A_429, %mul3A_454 : i32
        %add3A_456 = arith.addi %mul3A_455, %add3A : i32
        %jit3A_457 = arith.constant 195 : i32
        %div3A_458 = arith.divsi %add3A_456, %jit3A_457 : i32
        %sign3A_459 = arith.constant 0 : i32
        %sign3A_460 = arith.cmpi sgt, %add3A_456, %sign3A_459 : i32
        %sign3A_461 = arith.extui %sign3A_460 : i1 to i32
        %sign3A_462 = arith.constant 0 : i32
        %sign3A_463 = arith.cmpi slt, %add3A_456, %sign3A_462 : i32
        %sign3A_464 = arith.extui %sign3A_463 : i1 to i32
        %sign3A_465 = arith.subi %sign3A_461, %sign3A_464 : i32
        %sign3A_466 = arith.constant 0 : i32
        %sign3A_467 = arith.cmpi sgt, %jit3A_457, %sign3A_466 : i32
        %sign3A_468 = arith.extui %sign3A_467 : i1 to i32
        %sign3A_469 = arith.constant 0 : i32
        %sign3A_470 = arith.cmpi slt, %jit3A_457, %sign3A_469 : i32
        %sign3A_471 = arith.extui %sign3A_470 : i1 to i32
        %sign3A_472 = arith.subi %sign3A_468, %sign3A_471 : i32
        %ne3A_473 = arith.cmpi ne, %sign3A_465, %sign3A_472 : i32
        %rem3A_474 = arith.remsi %add3A_456, %jit3A_457 : i32
        %ne3A_475 = arith.constant 0 : i32
        %ne3A_476 = arith.cmpi ne, %rem3A_474, %ne3A_475 : i32
        %and3A_477 = arith.andi %ne3A_473, %ne3A_476 : i1
        %sub3A_478 = arith.constant 1 : i32
        %sub3A_479 = arith.subi %div3A_458, %sub3A_478 : i32
        %select_n3A_480 = arith.select %and3A_477, %sub3A_479, %div3A_458 : i32
        %jit3A_481 = arith.constant 195 : i32
        %eq3A_482 = arith.constant 0 : i32
        %eq3A_483 = arith.cmpi eq, %jit3A_481, %eq3A_482 : i32
        %jit3A_484 = arith.constant 1 : i32
        %select_n3A_485 = arith.select %eq3A_483, %jit3A_484, %jit3A_481 : i32
        %rem3A_486 = arith.remsi %add3A_456, %select_n3A_485 : i32
        %ne3A_487 = arith.constant 0 : i32
        %ne3A_488 = arith.cmpi ne, %rem3A_486, %ne3A_487 : i32
        %lt3A_489 = arith.constant 0 : i32
        %lt3A_490 = arith.cmpi slt, %rem3A_486, %lt3A_489 : i32
        %lt3A_491 = arith.constant 0 : i32
        %lt3A_492 = arith.cmpi slt, %select_n3A_485, %lt3A_491 : i32
        %ne3A_493 = arith.xori %lt3A_490, %lt3A_492 : i1
        %and3A_494 = arith.andi %ne3A_493, %ne3A_488 : i1
        %add3A_495 = arith.addi %rem3A_486, %select_n3A_485 : i32
        %select_n3A_496 = arith.select %and3A_494, %add3A_495, %rem3A_486 : i32
        %mul3A_497 = arith.constant 512 : i32
        %mul3A_498 = arith.muli %select_n3A_496, %mul3A_497 : i32
        %dma_wait3A_499 = arith.constant 0 : i32
        %dma_wait3A_500 = tpu.memref_slice %arg2[%select_n3A_480, %dma_wait3A_499, %mul3A_498] : memref<26x16x100000xf32, #tpu.memory_space<hbm>> -> memref<1x16x512xf32, #tpu.memory_space<hbm>>
        %dma_wait3A_501 = tpu.memref_squeeze %dma_wait3A_500 : memref<1x16x512xf32, #tpu.memory_space<hbm>> -> memref<16x512xf32, #tpu.memory_space<hbm>>
        %dma_wait3A_502 = arith.constant 0 : i32
        %dma_wait3A_503 = tpu.memref_slice %arg2[%select_n3A_480, %dma_wait3A_502, %mul3A_498] : memref<26x16x100000xf32, #tpu.memory_space<hbm>> -> memref<1x16x512xf32, #tpu.memory_space<hbm>>
        %dma_wait3A_504 = tpu.memref_squeeze %dma_wait3A_503 : memref<1x16x512xf32, #tpu.memory_space<hbm>> -> memref<16x512xf32, #tpu.memory_space<hbm>>
        tpu.wait_dma2 semaphore(%arg16 : memref<!tpu.dma_semaphore, #tpu.memory_space<semaphore_mem>>) src(%dma_wait3A_504 : memref<16x512xf32, #tpu.memory_space<hbm>>) dst(%arg7 : memref<16x512xf32, #tpu.memory_space<vmem>>)
        %parallel_loop3A = arith.constant 0 : i32
        %parallel_loop3A_505 = arith.constant 512 : i32
        %parallel_loop3A_506 = arith.constant 1 : i32
        scf.for %parallel_loop3A_569 = %parallel_loop3A to %parallel_loop3A_505 step %parallel_loop3A_506  : i32 {
          %parallel_loop3A_570 = vector.broadcast %parallel_loop3A_569 : i32 to vector<16xi32>
          %parallel_loop3A_571 = arith.addi %parallel_loop3A_570, %iota3A : vector<16xi32>
          %parallel_loop3A_572 = arith.constant 511 : i32
          %parallel_loop3A_573 = vector.broadcast %parallel_loop3A_572 : i32 to vector<16xi32>
          %parallel_loop3A_574 = arith.andi %parallel_loop3A_571, %parallel_loop3A_573 : vector<16xi32>
          %parallel_loop3A_575 = tpu.vector_load_idx %arg7[%iota3A, %parallel_loop3A_574] : memref<16x512xf32, #tpu.memory_space<vmem>>[vector<16xi32>, vector<16xi32>], vector<16xf32>,
          %parallel_loop3A_576 = arith.constant 16 : i32
          %parallel_loop3A_577 = vector.broadcast %parallel_loop3A_576 : i32 to vector<16xi32>
          %parallel_loop3A_578 = arith.muli %parallel_loop3A_574, %parallel_loop3A_577 : vector<16xi32>
          %parallel_loop3A_579 = arith.addi %parallel_loop3A_578, %iota3A : vector<16xi32>
          tpu.vector_store_idx %arg11[%parallel_loop3A_579], %parallel_loop3A_575 : memref<8192xf32, #tpu.memory_space<vmem>>[vector<16xi32>], vector<16xf32>,
        } {sc.loop_unroll_factor = 8 : i64, sc.parallel_access}
        %add3A_507 = arith.constant 4 : i32
        %add3A_508 = arith.addi %add3A_429, %add3A_507 : i32
        %mul3A_509 = arith.constant 32 : i32
        %mul3A_510 = arith.muli %add3A_508, %mul3A_509 : i32
        %add3A_511 = arith.addi %mul3A_510, %add3A : i32
        %lt3A_512 = arith.constant 5070 : i32
        %lt3A_513 = arith.cmpi slt, %add3A_511, %lt3A_512 : i32
        %convert_element_type3A_514 = arith.extui %lt3A_513 : i1 to i32
        %cond3A_515 = arith.constant 0 : i32
        %cond3A_516 = arith.cmpi ne, %convert_element_type3A_514, %cond3A_515 : i32
        scf.if %cond3A_516 {
          %add3A_569 = arith.constant 4 : i32
          %add3A_570 = arith.addi %add3A_429, %add3A_569 : i32
          %mul3A_571 = arith.constant 32 : i32
          %mul3A_572 = arith.muli %add3A_570, %mul3A_571 : i32
          %add3A_573 = arith.addi %mul3A_572, %add3A : i32
          %jit3A_574 = arith.constant 195 : i32
          %div3A_575 = arith.divsi %add3A_573, %jit3A_574 : i32
          %sign3A_576 = arith.constant 0 : i32
          %sign3A_577 = arith.cmpi sgt, %add3A_573, %sign3A_576 : i32
          %sign3A_578 = arith.extui %sign3A_577 : i1 to i32
          %sign3A_579 = arith.constant 0 : i32
          %sign3A_580 = arith.cmpi slt, %add3A_573, %sign3A_579 : i32
          %sign3A_581 = arith.extui %sign3A_580 : i1 to i32
          %sign3A_582 = arith.subi %sign3A_578, %sign3A_581 : i32
          %sign3A_583 = arith.constant 0 : i32
          %sign3A_584 = arith.cmpi sgt, %jit3A_574, %sign3A_583 : i32
          %sign3A_585 = arith.extui %sign3A_584 : i1 to i32
          %sign3A_586 = arith.constant 0 : i32
          %sign3A_587 = arith.cmpi slt, %jit3A_574, %sign3A_586 : i32
          %sign3A_588 = arith.extui %sign3A_587 : i1 to i32
          %sign3A_589 = arith.subi %sign3A_585, %sign3A_588 : i32
          %ne3A_590 = arith.cmpi ne, %sign3A_582, %sign3A_589 : i32
          %rem3A_591 = arith.remsi %add3A_573, %jit3A_574 : i32
          %ne3A_592 = arith.constant 0 : i32
          %ne3A_593 = arith.cmpi ne, %rem3A_591, %ne3A_592 : i32
          %and3A_594 = arith.andi %ne3A_590, %ne3A_593 : i1
          %sub3A_595 = arith.constant 1 : i32
          %sub3A_596 = arith.subi %div3A_575, %sub3A_595 : i32
          %select_n3A_597 = arith.select %and3A_594, %sub3A_596, %div3A_575 : i32
          %jit3A_598 = arith.constant 195 : i32
          %eq3A_599 = arith.constant 0 : i32
          %eq3A_600 = arith.cmpi eq, %jit3A_598, %eq3A_599 : i32
          %jit3A_601 = arith.constant 1 : i32
          %select_n3A_602 = arith.select %eq3A_600, %jit3A_601, %jit3A_598 : i32
          %rem3A_603 = arith.remsi %add3A_573, %select_n3A_602 : i32
          %ne3A_604 = arith.constant 0 : i32
          %ne3A_605 = arith.cmpi ne, %rem3A_603, %ne3A_604 : i32
          %lt3A_606 = arith.constant 0 : i32
          %lt3A_607 = arith.cmpi slt, %rem3A_603, %lt3A_606 : i32
          %lt3A_608 = arith.constant 0 : i32
          %lt3A_609 = arith.cmpi slt, %select_n3A_602, %lt3A_608 : i32
          %ne3A_610 = arith.xori %lt3A_607, %lt3A_609 : i1
          %and3A_611 = arith.andi %ne3A_610, %ne3A_605 : i1
          %add3A_612 = arith.addi %rem3A_603, %select_n3A_602 : i32
          %select_n3A_613 = arith.select %and3A_611, %add3A_612, %rem3A_603 : i32
          %mul3A_614 = arith.constant 512 : i32
          %mul3A_615 = arith.muli %select_n3A_613, %mul3A_614 : i32
          %dma_start3A_616 = arith.constant 0 : i32
          %dma_start3A_617 = tpu.memref_slice %arg2[%select_n3A_597, %dma_start3A_616, %mul3A_615] : memref<26x16x100000xf32, #tpu.memory_space<hbm>> -> memref<1x16x512xf32, #tpu.memory_space<hbm>>
          %dma_start3A_618 = tpu.memref_squeeze %dma_start3A_617 : memref<1x16x512xf32, #tpu.memory_space<hbm>> -> memref<16x512xf32, #tpu.memory_space<hbm>>
          %dma_start3A_619 = arith.constant 0 : i32
          %dma_start3A_620 = tpu.memref_slice %arg2[%select_n3A_597, %dma_start3A_619, %mul3A_615] : memref<26x16x100000xf32, #tpu.memory_space<hbm>> -> memref<1x16x512xf32, #tpu.memory_space<hbm>>
          %dma_start3A_621 = tpu.memref_squeeze %dma_start3A_620 : memref<1x16x512xf32, #tpu.memory_space<hbm>> -> memref<16x512xf32, #tpu.memory_space<hbm>>
          tpu.enqueue_dma source(%dma_start3A_621 : memref<16x512xf32, #tpu.memory_space<hbm>>) target(%arg7 : memref<16x512xf32, #tpu.memory_space<vmem>>) target_semaphore(%arg16 : memref<!tpu.dma_semaphore, #tpu.memory_space<semaphore_mem>>)
        } else {
        }
        %mul3A_517 = arith.constant 32 : i32
        %mul3A_518 = arith.muli %add3A_429, %mul3A_517 : i32
        %add3A_519 = arith.addi %mul3A_518, %add3A : i32
        %jit3A_520 = arith.constant 195 : i32
        %div3A_521 = arith.divsi %add3A_519, %jit3A_520 : i32
        %sign3A_522 = arith.constant 0 : i32
        %sign3A_523 = arith.cmpi sgt, %add3A_519, %sign3A_522 : i32
        %sign3A_524 = arith.extui %sign3A_523 : i1 to i32
        %sign3A_525 = arith.constant 0 : i32
        %sign3A_526 = arith.cmpi slt, %add3A_519, %sign3A_525 : i32
        %sign3A_527 = arith.extui %sign3A_526 : i1 to i32
        %sign3A_528 = arith.subi %sign3A_524, %sign3A_527 : i32
        %sign3A_529 = arith.constant 0 : i32
        %sign3A_530 = arith.cmpi sgt, %jit3A_520, %sign3A_529 : i32
        %sign3A_531 = arith.extui %sign3A_530 : i1 to i32
        %sign3A_532 = arith.constant 0 : i32
        %sign3A_533 = arith.cmpi slt, %jit3A_520, %sign3A_532 : i32
        %sign3A_534 = arith.extui %sign3A_533 : i1 to i32
        %sign3A_535 = arith.subi %sign3A_531, %sign3A_534 : i32
        %ne3A_536 = arith.cmpi ne, %sign3A_528, %sign3A_535 : i32
        %rem3A_537 = arith.remsi %add3A_519, %jit3A_520 : i32
        %ne3A_538 = arith.constant 0 : i32
        %ne3A_539 = arith.cmpi ne, %rem3A_537, %ne3A_538 : i32
        %and3A_540 = arith.andi %ne3A_536, %ne3A_539 : i1
        %sub3A_541 = arith.constant 1 : i32
        %sub3A_542 = arith.subi %div3A_521, %sub3A_541 : i32
        %select_n3A_543 = arith.select %and3A_540, %sub3A_542, %div3A_521 : i32
        %jit3A_544 = arith.constant 195 : i32
        %eq3A_545 = arith.constant 0 : i32
        %eq3A_546 = arith.cmpi eq, %jit3A_544, %eq3A_545 : i32
        %jit3A_547 = arith.constant 1 : i32
        %select_n3A_548 = arith.select %eq3A_546, %jit3A_547, %jit3A_544 : i32
        %rem3A_549 = arith.remsi %add3A_519, %select_n3A_548 : i32
        %ne3A_550 = arith.constant 0 : i32
        %ne3A_551 = arith.cmpi ne, %rem3A_549, %ne3A_550 : i32
        %lt3A_552 = arith.constant 0 : i32
        %lt3A_553 = arith.cmpi slt, %rem3A_549, %lt3A_552 : i32
        %lt3A_554 = arith.constant 0 : i32
        %lt3A_555 = arith.cmpi slt, %select_n3A_548, %lt3A_554 : i32
        %ne3A_556 = arith.xori %lt3A_553, %lt3A_555 : i1
        %and3A_557 = arith.andi %ne3A_556, %ne3A_551 : i1
        %add3A_558 = arith.addi %rem3A_549, %select_n3A_548 : i32
        %select_n3A_559 = arith.select %and3A_557, %add3A_558, %rem3A_549 : i32
        %mul3A_560 = arith.constant 512 : i32
        %mul3A_561 = arith.muli %select_n3A_559, %mul3A_560 : i32
        %mul3A_562 = arith.constant 100000 : i32
        %mul3A_563 = arith.muli %select_n3A_543, %mul3A_562 : i32
        %add3A_564 = arith.addi %mul3A_563, %mul3A_561 : i32
        %mul3A_565 = arith.constant 16 : i32
        %mul3A_566 = arith.muli %add3A_564, %mul3A_565 : i32
        %dma_start3A_567 = tpu.memref_slice %arg4[%mul3A_566] : memref<41600000xf32, #tpu.memory_space<hbm>> -> memref<8192xf32, #tpu.memory_space<hbm>>
        %dma_start3A_568 = tpu.memref_slice %arg4[%mul3A_566] : memref<41600000xf32, #tpu.memory_space<hbm>> -> memref<8192xf32, #tpu.memory_space<hbm>>
        tpu.enqueue_dma source(%arg11 : memref<8192xf32, #tpu.memory_space<vmem>>) target(%dma_start3A_568 : memref<8192xf32, #tpu.memory_space<hbm>>) target_semaphore(%arg20 : memref<!tpu.dma_semaphore, #tpu.memory_space<semaphore_mem>>)
      } else {
      }
      %mul3A_438 = arith.constant 4 : i32
      %mul3A_439 = arith.muli %scan3A_401, %mul3A_438 : i32
      %add3A_440 = arith.constant 3 : i32
      %add3A_441 = arith.addi %mul3A_439, %add3A_440 : i32
      %mul3A_442 = arith.constant 32 : i32
      %mul3A_443 = arith.muli %add3A_441, %mul3A_442 : i32
      %add3A_444 = arith.addi %mul3A_443, %add3A : i32
      %lt3A_445 = arith.constant 5070 : i32
      %lt3A_446 = arith.cmpi slt, %add3A_444, %lt3A_445 : i32
      %convert_element_type3A_447 = arith.extui %lt3A_446 : i1 to i32
      %cond3A_448 = arith.constant 0 : i32
      %cond3A_449 = arith.cmpi ne, %convert_element_type3A_447, %cond3A_448 : i32
      scf.if %cond3A_449 {
        %gt3A = arith.constant 0 : i32
        %gt3A_450 = arith.cmpi sgt, %scan3A_401, %gt3A : i32
        %convert_element_type3A_451 = arith.extui %gt3A_450 : i1 to i32
        %cond3A_452 = arith.constant 0 : i32
        %cond3A_453 = arith.cmpi ne, %convert_element_type3A_451, %cond3A_452 : i32
        scf.if %cond3A_453 {
          %sub3A_569 = arith.constant 4 : i32
          %sub3A_570 = arith.subi %add3A_441, %sub3A_569 : i32
          %mul3A_571 = arith.constant 32 : i32
          %mul3A_572 = arith.muli %sub3A_570, %mul3A_571 : i32
          %add3A_573 = arith.addi %mul3A_572, %add3A : i32
          %jit3A_574 = arith.constant 195 : i32
          %div3A_575 = arith.divsi %add3A_573, %jit3A_574 : i32
          %sign3A_576 = arith.constant 0 : i32
          %sign3A_577 = arith.cmpi sgt, %add3A_573, %sign3A_576 : i32
          %sign3A_578 = arith.extui %sign3A_577 : i1 to i32
          %sign3A_579 = arith.constant 0 : i32
          %sign3A_580 = arith.cmpi slt, %add3A_573, %sign3A_579 : i32
          %sign3A_581 = arith.extui %sign3A_580 : i1 to i32
          %sign3A_582 = arith.subi %sign3A_578, %sign3A_581 : i32
          %sign3A_583 = arith.constant 0 : i32
          %sign3A_584 = arith.cmpi sgt, %jit3A_574, %sign3A_583 : i32
          %sign3A_585 = arith.extui %sign3A_584 : i1 to i32
          %sign3A_586 = arith.constant 0 : i32
          %sign3A_587 = arith.cmpi slt, %jit3A_574, %sign3A_586 : i32
          %sign3A_588 = arith.extui %sign3A_587 : i1 to i32
          %sign3A_589 = arith.subi %sign3A_585, %sign3A_588 : i32
          %ne3A_590 = arith.cmpi ne, %sign3A_582, %sign3A_589 : i32
          %rem3A_591 = arith.remsi %add3A_573, %jit3A_574 : i32
          %ne3A_592 = arith.constant 0 : i32
          %ne3A_593 = arith.cmpi ne, %rem3A_591, %ne3A_592 : i32
          %and3A_594 = arith.andi %ne3A_590, %ne3A_593 : i1
          %sub3A_595 = arith.constant 1 : i32
          %sub3A_596 = arith.subi %div3A_575, %sub3A_595 : i32
          %select_n3A_597 = arith.select %and3A_594, %sub3A_596, %div3A_575 : i32
          %jit3A_598 = arith.constant 195 : i32
          %eq3A_599 = arith.constant 0 : i32
          %eq3A_600 = arith.cmpi eq, %jit3A_598, %eq3A_599 : i32
          %jit3A_601 = arith.constant 1 : i32
          %select_n3A_602 = arith.select %eq3A_600, %jit3A_601, %jit3A_598 : i32
          %rem3A_603 = arith.remsi %add3A_573, %select_n3A_602 : i32
          %ne3A_604 = arith.constant 0 : i32
          %ne3A_605 = arith.cmpi ne, %rem3A_603, %ne3A_604 : i32
          %lt3A_606 = arith.constant 0 : i32
          %lt3A_607 = arith.cmpi slt, %rem3A_603, %lt3A_606 : i32
          %lt3A_608 = arith.constant 0 : i32
          %lt3A_609 = arith.cmpi slt, %select_n3A_602, %lt3A_608 : i32
          %ne3A_610 = arith.xori %lt3A_607, %lt3A_609 : i1
          %and3A_611 = arith.andi %ne3A_610, %ne3A_605 : i1
          %add3A_612 = arith.addi %rem3A_603, %select_n3A_602 : i32
          %select_n3A_613 = arith.select %and3A_611, %add3A_612, %rem3A_603 : i32
          %mul3A_614 = arith.constant 512 : i32
          %mul3A_615 = arith.muli %select_n3A_613, %mul3A_614 : i32
          %mul3A_616 = arith.constant 100000 : i32
          %mul3A_617 = arith.muli %select_n3A_597, %mul3A_616 : i32
          %add3A_618 = arith.addi %mul3A_617, %mul3A_615 : i32
          %mul3A_619 = arith.constant 16 : i32
          %mul3A_620 = arith.muli %add3A_618, %mul3A_619 : i32
          %dma_wait3A_621 = tpu.memref_slice %arg4[%mul3A_620] : memref<41600000xf32, #tpu.memory_space<hbm>> -> memref<8192xf32, #tpu.memory_space<hbm>>
          %dma_wait3A_622 = tpu.memref_slice %arg4[%mul3A_620] : memref<41600000xf32, #tpu.memory_space<hbm>> -> memref<8192xf32, #tpu.memory_space<hbm>>
          tpu.wait_dma2 semaphore(%arg21 : memref<!tpu.dma_semaphore, #tpu.memory_space<semaphore_mem>>) src(%arg12 : memref<8192xf32, #tpu.memory_space<vmem>>) dst(%dma_wait3A_622 : memref<8192xf32, #tpu.memory_space<hbm>>)
        } else {
        }
        %mul3A_454 = arith.constant 32 : i32
        %mul3A_455 = arith.muli %add3A_441, %mul3A_454 : i32
        %add3A_456 = arith.addi %mul3A_455, %add3A : i32
        %jit3A_457 = arith.constant 195 : i32
        %div3A_458 = arith.divsi %add3A_456, %jit3A_457 : i32
        %sign3A_459 = arith.constant 0 : i32
        %sign3A_460 = arith.cmpi sgt, %add3A_456, %sign3A_459 : i32
        %sign3A_461 = arith.extui %sign3A_460 : i1 to i32
        %sign3A_462 = arith.constant 0 : i32
        %sign3A_463 = arith.cmpi slt, %add3A_456, %sign3A_462 : i32
        %sign3A_464 = arith.extui %sign3A_463 : i1 to i32
        %sign3A_465 = arith.subi %sign3A_461, %sign3A_464 : i32
        %sign3A_466 = arith.constant 0 : i32
        %sign3A_467 = arith.cmpi sgt, %jit3A_457, %sign3A_466 : i32
        %sign3A_468 = arith.extui %sign3A_467 : i1 to i32
        %sign3A_469 = arith.constant 0 : i32
        %sign3A_470 = arith.cmpi slt, %jit3A_457, %sign3A_469 : i32
        %sign3A_471 = arith.extui %sign3A_470 : i1 to i32
        %sign3A_472 = arith.subi %sign3A_468, %sign3A_471 : i32
        %ne3A_473 = arith.cmpi ne, %sign3A_465, %sign3A_472 : i32
        %rem3A_474 = arith.remsi %add3A_456, %jit3A_457 : i32
        %ne3A_475 = arith.constant 0 : i32
        %ne3A_476 = arith.cmpi ne, %rem3A_474, %ne3A_475 : i32
        %and3A_477 = arith.andi %ne3A_473, %ne3A_476 : i1
        %sub3A_478 = arith.constant 1 : i32
        %sub3A_479 = arith.subi %div3A_458, %sub3A_478 : i32
        %select_n3A_480 = arith.select %and3A_477, %sub3A_479, %div3A_458 : i32
        %jit3A_481 = arith.constant 195 : i32
        %eq3A_482 = arith.constant 0 : i32
        %eq3A_483 = arith.cmpi eq, %jit3A_481, %eq3A_482 : i32
        %jit3A_484 = arith.constant 1 : i32
        %select_n3A_485 = arith.select %eq3A_483, %jit3A_484, %jit3A_481 : i32
        %rem3A_486 = arith.remsi %add3A_456, %select_n3A_485 : i32
        %ne3A_487 = arith.constant 0 : i32
        %ne3A_488 = arith.cmpi ne, %rem3A_486, %ne3A_487 : i32
        %lt3A_489 = arith.constant 0 : i32
        %lt3A_490 = arith.cmpi slt, %rem3A_486, %lt3A_489 : i32
        %lt3A_491 = arith.constant 0 : i32
        %lt3A_492 = arith.cmpi slt, %select_n3A_485, %lt3A_491 : i32
        %ne3A_493 = arith.xori %lt3A_490, %lt3A_492 : i1
        %and3A_494 = arith.andi %ne3A_493, %ne3A_488 : i1
        %add3A_495 = arith.addi %rem3A_486, %select_n3A_485 : i32
        %select_n3A_496 = arith.select %and3A_494, %add3A_495, %rem3A_486 : i32
        %mul3A_497 = arith.constant 512 : i32
        %mul3A_498 = arith.muli %select_n3A_496, %mul3A_497 : i32
        %dma_wait3A_499 = arith.constant 0 : i32
        %dma_wait3A_500 = tpu.memref_slice %arg2[%select_n3A_480, %dma_wait3A_499, %mul3A_498] : memref<26x16x100000xf32, #tpu.memory_space<hbm>> -> memref<1x16x512xf32, #tpu.memory_space<hbm>>
        %dma_wait3A_501 = tpu.memref_squeeze %dma_wait3A_500 : memref<1x16x512xf32, #tpu.memory_space<hbm>> -> memref<16x512xf32, #tpu.memory_space<hbm>>
        %dma_wait3A_502 = arith.constant 0 : i32
        %dma_wait3A_503 = tpu.memref_slice %arg2[%select_n3A_480, %dma_wait3A_502, %mul3A_498] : memref<26x16x100000xf32, #tpu.memory_space<hbm>> -> memref<1x16x512xf32, #tpu.memory_space<hbm>>
        %dma_wait3A_504 = tpu.memref_squeeze %dma_wait3A_503 : memref<1x16x512xf32, #tpu.memory_space<hbm>> -> memref<16x512xf32, #tpu.memory_space<hbm>>
        tpu.wait_dma2 semaphore(%arg17 : memref<!tpu.dma_semaphore, #tpu.memory_space<semaphore_mem>>) src(%dma_wait3A_504 : memref<16x512xf32, #tpu.memory_space<hbm>>) dst(%arg8 : memref<16x512xf32, #tpu.memory_space<vmem>>)
        %parallel_loop3A = arith.constant 0 : i32
        %parallel_loop3A_505 = arith.constant 512 : i32
        %parallel_loop3A_506 = arith.constant 1 : i32
        scf.for %parallel_loop3A_569 = %parallel_loop3A to %parallel_loop3A_505 step %parallel_loop3A_506  : i32 {
          %parallel_loop3A_570 = vector.broadcast %parallel_loop3A_569 : i32 to vector<16xi32>
          %parallel_loop3A_571 = arith.addi %parallel_loop3A_570, %iota3A : vector<16xi32>
          %parallel_loop3A_572 = arith.constant 511 : i32
          %parallel_loop3A_573 = vector.broadcast %parallel_loop3A_572 : i32 to vector<16xi32>
          %parallel_loop3A_574 = arith.andi %parallel_loop3A_571, %parallel_loop3A_573 : vector<16xi32>
          %parallel_loop3A_575 = tpu.vector_load_idx %arg8[%iota3A, %parallel_loop3A_574] : memref<16x512xf32, #tpu.memory_space<vmem>>[vector<16xi32>, vector<16xi32>], vector<16xf32>,
          %parallel_loop3A_576 = arith.constant 16 : i32
          %parallel_loop3A_577 = vector.broadcast %parallel_loop3A_576 : i32 to vector<16xi32>
          %parallel_loop3A_578 = arith.muli %parallel_loop3A_574, %parallel_loop3A_577 : vector<16xi32>
          %parallel_loop3A_579 = arith.addi %parallel_loop3A_578, %iota3A : vector<16xi32>
          tpu.vector_store_idx %arg12[%parallel_loop3A_579], %parallel_loop3A_575 : memref<8192xf32, #tpu.memory_space<vmem>>[vector<16xi32>], vector<16xf32>,
        } {sc.loop_unroll_factor = 8 : i64, sc.parallel_access}
        %add3A_507 = arith.constant 4 : i32
        %add3A_508 = arith.addi %add3A_441, %add3A_507 : i32
        %mul3A_509 = arith.constant 32 : i32
        %mul3A_510 = arith.muli %add3A_508, %mul3A_509 : i32
        %add3A_511 = arith.addi %mul3A_510, %add3A : i32
        %lt3A_512 = arith.constant 5070 : i32
        %lt3A_513 = arith.cmpi slt, %add3A_511, %lt3A_512 : i32
        %convert_element_type3A_514 = arith.extui %lt3A_513 : i1 to i32
        %cond3A_515 = arith.constant 0 : i32
        %cond3A_516 = arith.cmpi ne, %convert_element_type3A_514, %cond3A_515 : i32
        scf.if %cond3A_516 {
          %add3A_569 = arith.constant 4 : i32
          %add3A_570 = arith.addi %add3A_441, %add3A_569 : i32
          %mul3A_571 = arith.constant 32 : i32
          %mul3A_572 = arith.muli %add3A_570, %mul3A_571 : i32
          %add3A_573 = arith.addi %mul3A_572, %add3A : i32
          %jit3A_574 = arith.constant 195 : i32
          %div3A_575 = arith.divsi %add3A_573, %jit3A_574 : i32
          %sign3A_576 = arith.constant 0 : i32
          %sign3A_577 = arith.cmpi sgt, %add3A_573, %sign3A_576 : i32
          %sign3A_578 = arith.extui %sign3A_577 : i1 to i32
          %sign3A_579 = arith.constant 0 : i32
          %sign3A_580 = arith.cmpi slt, %add3A_573, %sign3A_579 : i32
          %sign3A_581 = arith.extui %sign3A_580 : i1 to i32
          %sign3A_582 = arith.subi %sign3A_578, %sign3A_581 : i32
          %sign3A_583 = arith.constant 0 : i32
          %sign3A_584 = arith.cmpi sgt, %jit3A_574, %sign3A_583 : i32
          %sign3A_585 = arith.extui %sign3A_584 : i1 to i32
          %sign3A_586 = arith.constant 0 : i32
          %sign3A_587 = arith.cmpi slt, %jit3A_574, %sign3A_586 : i32
          %sign3A_588 = arith.extui %sign3A_587 : i1 to i32
          %sign3A_589 = arith.subi %sign3A_585, %sign3A_588 : i32
          %ne3A_590 = arith.cmpi ne, %sign3A_582, %sign3A_589 : i32
          %rem3A_591 = arith.remsi %add3A_573, %jit3A_574 : i32
          %ne3A_592 = arith.constant 0 : i32
          %ne3A_593 = arith.cmpi ne, %rem3A_591, %ne3A_592 : i32
          %and3A_594 = arith.andi %ne3A_590, %ne3A_593 : i1
          %sub3A_595 = arith.constant 1 : i32
          %sub3A_596 = arith.subi %div3A_575, %sub3A_595 : i32
          %select_n3A_597 = arith.select %and3A_594, %sub3A_596, %div3A_575 : i32
          %jit3A_598 = arith.constant 195 : i32
          %eq3A_599 = arith.constant 0 : i32
          %eq3A_600 = arith.cmpi eq, %jit3A_598, %eq3A_599 : i32
          %jit3A_601 = arith.constant 1 : i32
          %select_n3A_602 = arith.select %eq3A_600, %jit3A_601, %jit3A_598 : i32
          %rem3A_603 = arith.remsi %add3A_573, %select_n3A_602 : i32
          %ne3A_604 = arith.constant 0 : i32
          %ne3A_605 = arith.cmpi ne, %rem3A_603, %ne3A_604 : i32
          %lt3A_606 = arith.constant 0 : i32
          %lt3A_607 = arith.cmpi slt, %rem3A_603, %lt3A_606 : i32
          %lt3A_608 = arith.constant 0 : i32
          %lt3A_609 = arith.cmpi slt, %select_n3A_602, %lt3A_608 : i32
          %ne3A_610 = arith.xori %lt3A_607, %lt3A_609 : i1
          %and3A_611 = arith.andi %ne3A_610, %ne3A_605 : i1
          %add3A_612 = arith.addi %rem3A_603, %select_n3A_602 : i32
          %select_n3A_613 = arith.select %and3A_611, %add3A_612, %rem3A_603 : i32
          %mul3A_614 = arith.constant 512 : i32
          %mul3A_615 = arith.muli %select_n3A_613, %mul3A_614 : i32
          %dma_start3A_616 = arith.constant 0 : i32
          %dma_start3A_617 = tpu.memref_slice %arg2[%select_n3A_597, %dma_start3A_616, %mul3A_615] : memref<26x16x100000xf32, #tpu.memory_space<hbm>> -> memref<1x16x512xf32, #tpu.memory_space<hbm>>
          %dma_start3A_618 = tpu.memref_squeeze %dma_start3A_617 : memref<1x16x512xf32, #tpu.memory_space<hbm>> -> memref<16x512xf32, #tpu.memory_space<hbm>>
          %dma_start3A_619 = arith.constant 0 : i32
          %dma_start3A_620 = tpu.memref_slice %arg2[%select_n3A_597, %dma_start3A_619, %mul3A_615] : memref<26x16x100000xf32, #tpu.memory_space<hbm>> -> memref<1x16x512xf32, #tpu.memory_space<hbm>>
          %dma_start3A_621 = tpu.memref_squeeze %dma_start3A_620 : memref<1x16x512xf32, #tpu.memory_space<hbm>> -> memref<16x512xf32, #tpu.memory_space<hbm>>
          tpu.enqueue_dma source(%dma_start3A_621 : memref<16x512xf32, #tpu.memory_space<hbm>>) target(%arg8 : memref<16x512xf32, #tpu.memory_space<vmem>>) target_semaphore(%arg17 : memref<!tpu.dma_semaphore, #tpu.memory_space<semaphore_mem>>)
        } else {
        }
        %mul3A_517 = arith.constant 32 : i32
        %mul3A_518 = arith.muli %add3A_441, %mul3A_517 : i32
        %add3A_519 = arith.addi %mul3A_518, %add3A : i32
        %jit3A_520 = arith.constant 195 : i32
        %div3A_521 = arith.divsi %add3A_519, %jit3A_520 : i32
        %sign3A_522 = arith.constant 0 : i32
        %sign3A_523 = arith.cmpi sgt, %add3A_519, %sign3A_522 : i32
        %sign3A_524 = arith.extui %sign3A_523 : i1 to i32
        %sign3A_525 = arith.constant 0 : i32
        %sign3A_526 = arith.cmpi slt, %add3A_519, %sign3A_525 : i32
        %sign3A_527 = arith.extui %sign3A_526 : i1 to i32
        %sign3A_528 = arith.subi %sign3A_524, %sign3A_527 : i32
        %sign3A_529 = arith.constant 0 : i32
        %sign3A_530 = arith.cmpi sgt, %jit3A_520, %sign3A_529 : i32
        %sign3A_531 = arith.extui %sign3A_530 : i1 to i32
        %sign3A_532 = arith.constant 0 : i32
        %sign3A_533 = arith.cmpi slt, %jit3A_520, %sign3A_532 : i32
        %sign3A_534 = arith.extui %sign3A_533 : i1 to i32
        %sign3A_535 = arith.subi %sign3A_531, %sign3A_534 : i32
        %ne3A_536 = arith.cmpi ne, %sign3A_528, %sign3A_535 : i32
        %rem3A_537 = arith.remsi %add3A_519, %jit3A_520 : i32
        %ne3A_538 = arith.constant 0 : i32
        %ne3A_539 = arith.cmpi ne, %rem3A_537, %ne3A_538 : i32
        %and3A_540 = arith.andi %ne3A_536, %ne3A_539 : i1
        %sub3A_541 = arith.constant 1 : i32
        %sub3A_542 = arith.subi %div3A_521, %sub3A_541 : i32
        %select_n3A_543 = arith.select %and3A_540, %sub3A_542, %div3A_521 : i32
        %jit3A_544 = arith.constant 195 : i32
        %eq3A_545 = arith.constant 0 : i32
        %eq3A_546 = arith.cmpi eq, %jit3A_544, %eq3A_545 : i32
        %jit3A_547 = arith.constant 1 : i32
        %select_n3A_548 = arith.select %eq3A_546, %jit3A_547, %jit3A_544 : i32
        %rem3A_549 = arith.remsi %add3A_519, %select_n3A_548 : i32
        %ne3A_550 = arith.constant 0 : i32
        %ne3A_551 = arith.cmpi ne, %rem3A_549, %ne3A_550 : i32
        %lt3A_552 = arith.constant 0 : i32
        %lt3A_553 = arith.cmpi slt, %rem3A_549, %lt3A_552 : i32
        %lt3A_554 = arith.constant 0 : i32
        %lt3A_555 = arith.cmpi slt, %select_n3A_548, %lt3A_554 : i32
        %ne3A_556 = arith.xori %lt3A_553, %lt3A_555 : i1
        %and3A_557 = arith.andi %ne3A_556, %ne3A_551 : i1
        %add3A_558 = arith.addi %rem3A_549, %select_n3A_548 : i32
        %select_n3A_559 = arith.select %and3A_557, %add3A_558, %rem3A_549 : i32
        %mul3A_560 = arith.constant 512 : i32
        %mul3A_561 = arith.muli %select_n3A_559, %mul3A_560 : i32
        %mul3A_562 = arith.constant 100000 : i32
        %mul3A_563 = arith.muli %select_n3A_543, %mul3A_562 : i32
        %add3A_564 = arith.addi %mul3A_563, %mul3A_561 : i32
        %mul3A_565 = arith.constant 16 : i32
        %mul3A_566 = arith.muli %add3A_564, %mul3A_565 : i32
        %dma_start3A_567 = tpu.memref_slice %arg4[%mul3A_566] : memref<41600000xf32, #tpu.memory_space<hbm>> -> memref<8192xf32, #tpu.memory_space<hbm>>
        %dma_start3A_568 = tpu.memref_slice %arg4[%mul3A_566] : memref<41600000xf32, #tpu.memory_space<hbm>> -> memref<8192xf32, #tpu.memory_space<hbm>>
        tpu.enqueue_dma source(%arg12 : memref<8192xf32, #tpu.memory_space<vmem>>) target(%dma_start3A_568 : memref<8192xf32, #tpu.memory_space<hbm>>) target_semaphore(%arg21 : memref<!tpu.dma_semaphore, #tpu.memory_space<semaphore_mem>>)
      } else {
      }
    }
    %scan3A_197 = arith.constant 40 : i32
    %add3A_198 = arith.constant 0 : i32
    %add3A_199 = arith.addi %add3A_198, %add3A : i32
    %jit3A_200 = arith.constant 195 : i32
    %div3A_201 = arith.divsi %add3A_199, %jit3A_200 : i32
    %sign3A_202 = arith.constant 0 : i32
    %sign3A_203 = arith.cmpi sgt, %add3A_199, %sign3A_202 : i32
    %sign3A_204 = arith.extui %sign3A_203 : i1 to i32
    %sign3A_205 = arith.constant 0 : i32
    %sign3A_206 = arith.cmpi slt, %add3A_199, %sign3A_205 : i32
    %sign3A_207 = arith.extui %sign3A_206 : i1 to i32
    %sign3A_208 = arith.subi %sign3A_204, %sign3A_207 : i32
    %sign3A_209 = arith.constant 0 : i32
    %sign3A_210 = arith.cmpi sgt, %jit3A_200, %sign3A_209 : i32
    %sign3A_211 = arith.extui %sign3A_210 : i1 to i32
    %sign3A_212 = arith.constant 0 : i32
    %sign3A_213 = arith.cmpi slt, %jit3A_200, %sign3A_212 : i32
    %sign3A_214 = arith.extui %sign3A_213 : i1 to i32
    %sign3A_215 = arith.subi %sign3A_211, %sign3A_214 : i32
    %ne3A_216 = arith.cmpi ne, %sign3A_208, %sign3A_215 : i32
    %rem3A_217 = arith.remsi %add3A_199, %jit3A_200 : i32
    %ne3A_218 = arith.constant 0 : i32
    %ne3A_219 = arith.cmpi ne, %rem3A_217, %ne3A_218 : i32
    %and3A_220 = arith.andi %ne3A_216, %ne3A_219 : i1
    %sub3A_221 = arith.constant 1 : i32
    %sub3A_222 = arith.subi %div3A_201, %sub3A_221 : i32
    %select_n3A_223 = arith.select %and3A_220, %sub3A_222, %div3A_201 : i32
    %jit3A_224 = arith.constant 195 : i32
    %eq3A_225 = arith.constant 0 : i32
    %eq3A_226 = arith.cmpi eq, %jit3A_224, %eq3A_225 : i32
    %jit3A_227 = arith.constant 1 : i32
    %select_n3A_228 = arith.select %eq3A_226, %jit3A_227, %jit3A_224 : i32
    %rem3A_229 = arith.remsi %add3A_199, %select_n3A_228 : i32
    %ne3A_230 = arith.constant 0 : i32
    %ne3A_231 = arith.cmpi ne, %rem3A_229, %ne3A_230 : i32
    %lt3A_232 = arith.constant 0 : i32
    %lt3A_233 = arith.cmpi slt, %rem3A_229, %lt3A_232 : i32
    %lt3A_234 = arith.constant 0 : i32
    %lt3A_235 = arith.cmpi slt, %select_n3A_228, %lt3A_234 : i32
    %ne3A_236 = arith.xori %lt3A_233, %lt3A_235 : i1
    %and3A_237 = arith.andi %ne3A_236, %ne3A_231 : i1
    %add3A_238 = arith.addi %rem3A_229, %select_n3A_228 : i32
    %select_n3A_239 = arith.select %and3A_237, %add3A_238, %rem3A_229 : i32
    %mul3A_240 = arith.constant 512 : i32
    %mul3A_241 = arith.muli %select_n3A_239, %mul3A_240 : i32
    %mul3A_242 = arith.constant 100000 : i32
    %mul3A_243 = arith.muli %select_n3A_223, %mul3A_242 : i32
    %add3A_244 = arith.addi %mul3A_243, %mul3A_241 : i32
    %mul3A_245 = arith.constant 16 : i32
    %mul3A_246 = arith.muli %add3A_244, %mul3A_245 : i32
    %dma_wait3A = tpu.memref_slice %arg4[%mul3A_246] : memref<41600000xf32, #tpu.memory_space<hbm>> -> memref<8192xf32, #tpu.memory_space<hbm>>
    %dma_wait3A_247 = tpu.memref_slice %arg4[%mul3A_246] : memref<41600000xf32, #tpu.memory_space<hbm>> -> memref<8192xf32, #tpu.memory_space<hbm>>
    tpu.wait_dma2 semaphore(%arg18 : memref<!tpu.dma_semaphore, #tpu.memory_space<semaphore_mem>>) src(%arg9 : memref<8192xf32, #tpu.memory_space<vmem>>) dst(%dma_wait3A_247 : memref<8192xf32, #tpu.memory_space<hbm>>)
    %add3A_248 = arith.constant 32 : i32
    %add3A_249 = arith.addi %add3A_248, %add3A : i32
    %jit3A_250 = arith.constant 195 : i32
    %div3A_251 = arith.divsi %add3A_249, %jit3A_250 : i32
    %sign3A_252 = arith.constant 0 : i32
    %sign3A_253 = arith.cmpi sgt, %add3A_249, %sign3A_252 : i32
    %sign3A_254 = arith.extui %sign3A_253 : i1 to i32
    %sign3A_255 = arith.constant 0 : i32
    %sign3A_256 = arith.cmpi slt, %add3A_249, %sign3A_255 : i32
    %sign3A_257 = arith.extui %sign3A_256 : i1 to i32
    %sign3A_258 = arith.subi %sign3A_254, %sign3A_257 : i32
    %sign3A_259 = arith.constant 0 : i32
    %sign3A_260 = arith.cmpi sgt, %jit3A_250, %sign3A_259 : i32
    %sign3A_261 = arith.extui %sign3A_260 : i1 to i32
    %sign3A_262 = arith.constant 0 : i32
    %sign3A_263 = arith.cmpi slt, %jit3A_250, %sign3A_262 : i32
    %sign3A_264 = arith.extui %sign3A_263 : i1 to i32
    %sign3A_265 = arith.subi %sign3A_261, %sign3A_264 : i32
    %ne3A_266 = arith.cmpi ne, %sign3A_258, %sign3A_265 : i32
    %rem3A_267 = arith.remsi %add3A_249, %jit3A_250 : i32
    %ne3A_268 = arith.constant 0 : i32
    %ne3A_269 = arith.cmpi ne, %rem3A_267, %ne3A_268 : i32
    %and3A_270 = arith.andi %ne3A_266, %ne3A_269 : i1
    %sub3A_271 = arith.constant 1 : i32
    %sub3A_272 = arith.subi %div3A_251, %sub3A_271 : i32
    %select_n3A_273 = arith.select %and3A_270, %sub3A_272, %div3A_251 : i32
    %jit3A_274 = arith.constant 195 : i32
    %eq3A_275 = arith.constant 0 : i32
    %eq3A_276 = arith.cmpi eq, %jit3A_274, %eq3A_275 : i32
    %jit3A_277 = arith.constant 1 : i32
    %select_n3A_278 = arith.select %eq3A_276, %jit3A_277, %jit3A_274 : i32
    %rem3A_279 = arith.remsi %add3A_249, %select_n3A_278 : i32
    %ne3A_280 = arith.constant 0 : i32
    %ne3A_281 = arith.cmpi ne, %rem3A_279, %ne3A_280 : i32
    %lt3A_282 = arith.constant 0 : i32
    %lt3A_283 = arith.cmpi slt, %rem3A_279, %lt3A_282 : i32
    %lt3A_284 = arith.constant 0 : i32
    %lt3A_285 = arith.cmpi slt, %select_n3A_278, %lt3A_284 : i32
    %ne3A_286 = arith.xori %lt3A_283, %lt3A_285 : i1
    %and3A_287 = arith.andi %ne3A_286, %ne3A_281 : i1
    %add3A_288 = arith.addi %rem3A_279, %select_n3A_278 : i32
    %select_n3A_289 = arith.select %and3A_287, %add3A_288, %rem3A_279 : i32
    %mul3A_290 = arith.constant 512 : i32
    %mul3A_291 = arith.muli %select_n3A_289, %mul3A_290 : i32
    %mul3A_292 = arith.constant 100000 : i32
    %mul3A_293 = arith.muli %select_n3A_273, %mul3A_292 : i32
    %add3A_294 = arith.addi %mul3A_293, %mul3A_291 : i32
    %mul3A_295 = arith.constant 16 : i32
    %mul3A_296 = arith.muli %add3A_294, %mul3A_295 : i32
    %dma_wait3A_297 = tpu.memref_slice %arg4[%mul3A_296] : memref<41600000xf32, #tpu.memory_space<hbm>> -> memref<8192xf32, #tpu.memory_space<hbm>>
    %dma_wait3A_298 = tpu.memref_slice %arg4[%mul3A_296] : memref<41600000xf32, #tpu.memory_space<hbm>> -> memref<8192xf32, #tpu.memory_space<hbm>>
    tpu.wait_dma2 semaphore(%arg19 : memref<!tpu.dma_semaphore, #tpu.memory_space<semaphore_mem>>) src(%arg10 : memref<8192xf32, #tpu.memory_space<vmem>>) dst(%dma_wait3A_298 : memref<8192xf32, #tpu.memory_space<hbm>>)
    %add3A_299 = arith.constant 64 : i32
    %add3A_300 = arith.addi %add3A_299, %add3A : i32
    %jit3A_301 = arith.constant 195 : i32
    %div3A_302 = arith.divsi %add3A_300, %jit3A_301 : i32
    %sign3A_303 = arith.constant 0 : i32
    %sign3A_304 = arith.cmpi sgt, %add3A_300, %sign3A_303 : i32
    %sign3A_305 = arith.extui %sign3A_304 : i1 to i32
    %sign3A_306 = arith.constant 0 : i32
    %sign3A_307 = arith.cmpi slt, %add3A_300, %sign3A_306 : i32
    %sign3A_308 = arith.extui %sign3A_307 : i1 to i32
    %sign3A_309 = arith.subi %sign3A_305, %sign3A_308 : i32
    %sign3A_310 = arith.constant 0 : i32
    %sign3A_311 = arith.cmpi sgt, %jit3A_301, %sign3A_310 : i32
    %sign3A_312 = arith.extui %sign3A_311 : i1 to i32
    %sign3A_313 = arith.constant 0 : i32
    %sign3A_314 = arith.cmpi slt, %jit3A_301, %sign3A_313 : i32
    %sign3A_315 = arith.extui %sign3A_314 : i1 to i32
    %sign3A_316 = arith.subi %sign3A_312, %sign3A_315 : i32
    %ne3A_317 = arith.cmpi ne, %sign3A_309, %sign3A_316 : i32
    %rem3A_318 = arith.remsi %add3A_300, %jit3A_301 : i32
    %ne3A_319 = arith.constant 0 : i32
    %ne3A_320 = arith.cmpi ne, %rem3A_318, %ne3A_319 : i32
    %and3A_321 = arith.andi %ne3A_317, %ne3A_320 : i1
    %sub3A_322 = arith.constant 1 : i32
    %sub3A_323 = arith.subi %div3A_302, %sub3A_322 : i32
    %select_n3A_324 = arith.select %and3A_321, %sub3A_323, %div3A_302 : i32
    %jit3A_325 = arith.constant 195 : i32
    %eq3A_326 = arith.constant 0 : i32
    %eq3A_327 = arith.cmpi eq, %jit3A_325, %eq3A_326 : i32
    %jit3A_328 = arith.constant 1 : i32
    %select_n3A_329 = arith.select %eq3A_327, %jit3A_328, %jit3A_325 : i32
    %rem3A_330 = arith.remsi %add3A_300, %select_n3A_329 : i32
    %ne3A_331 = arith.constant 0 : i32
    %ne3A_332 = arith.cmpi ne, %rem3A_330, %ne3A_331 : i32
    %lt3A_333 = arith.constant 0 : i32
    %lt3A_334 = arith.cmpi slt, %rem3A_330, %lt3A_333 : i32
    %lt3A_335 = arith.constant 0 : i32
    %lt3A_336 = arith.cmpi slt, %select_n3A_329, %lt3A_335 : i32
    %ne3A_337 = arith.xori %lt3A_334, %lt3A_336 : i1
    %and3A_338 = arith.andi %ne3A_337, %ne3A_332 : i1
    %add3A_339 = arith.addi %rem3A_330, %select_n3A_329 : i32
    %select_n3A_340 = arith.select %and3A_338, %add3A_339, %rem3A_330 : i32
    %mul3A_341 = arith.constant 512 : i32
    %mul3A_342 = arith.muli %select_n3A_340, %mul3A_341 : i32
    %mul3A_343 = arith.constant 100000 : i32
    %mul3A_344 = arith.muli %select_n3A_324, %mul3A_343 : i32
    %add3A_345 = arith.addi %mul3A_344, %mul3A_342 : i32
    %mul3A_346 = arith.constant 16 : i32
    %mul3A_347 = arith.muli %add3A_345, %mul3A_346 : i32
    %dma_wait3A_348 = tpu.memref_slice %arg4[%mul3A_347] : memref<41600000xf32, #tpu.memory_space<hbm>> -> memref<8192xf32, #tpu.memory_space<hbm>>
    %dma_wait3A_349 = tpu.memref_slice %arg4[%mul3A_347] : memref<41600000xf32, #tpu.memory_space<hbm>> -> memref<8192xf32, #tpu.memory_space<hbm>>
    tpu.wait_dma2 semaphore(%arg20 : memref<!tpu.dma_semaphore, #tpu.memory_space<semaphore_mem>>) src(%arg11 : memref<8192xf32, #tpu.memory_space<vmem>>) dst(%dma_wait3A_349 : memref<8192xf32, #tpu.memory_space<hbm>>)
    %add3A_350 = arith.constant 96 : i32
    %add3A_351 = arith.addi %add3A_350, %add3A : i32
    %jit3A_352 = arith.constant 195 : i32
    %div3A_353 = arith.divsi %add3A_351, %jit3A_352 : i32
    %sign3A_354 = arith.constant 0 : i32
    %sign3A_355 = arith.cmpi sgt, %add3A_351, %sign3A_354 : i32
    %sign3A_356 = arith.extui %sign3A_355 : i1 to i32
    %sign3A_357 = arith.constant 0 : i32
    %sign3A_358 = arith.cmpi slt, %add3A_351, %sign3A_357 : i32
    %sign3A_359 = arith.extui %sign3A_358 : i1 to i32
    %sign3A_360 = arith.subi %sign3A_356, %sign3A_359 : i32
    %sign3A_361 = arith.constant 0 : i32
    %sign3A_362 = arith.cmpi sgt, %jit3A_352, %sign3A_361 : i32
    %sign3A_363 = arith.extui %sign3A_362 : i1 to i32
    %sign3A_364 = arith.constant 0 : i32
    %sign3A_365 = arith.cmpi slt, %jit3A_352, %sign3A_364 : i32
    %sign3A_366 = arith.extui %sign3A_365 : i1 to i32
    %sign3A_367 = arith.subi %sign3A_363, %sign3A_366 : i32
    %ne3A_368 = arith.cmpi ne, %sign3A_360, %sign3A_367 : i32
    %rem3A_369 = arith.remsi %add3A_351, %jit3A_352 : i32
    %ne3A_370 = arith.constant 0 : i32
    %ne3A_371 = arith.cmpi ne, %rem3A_369, %ne3A_370 : i32
    %and3A_372 = arith.andi %ne3A_368, %ne3A_371 : i1
    %sub3A_373 = arith.constant 1 : i32
    %sub3A_374 = arith.subi %div3A_353, %sub3A_373 : i32
    %select_n3A_375 = arith.select %and3A_372, %sub3A_374, %div3A_353 : i32
    %jit3A_376 = arith.constant 195 : i32
    %eq3A_377 = arith.constant 0 : i32
    %eq3A_378 = arith.cmpi eq, %jit3A_376, %eq3A_377 : i32
    %jit3A_379 = arith.constant 1 : i32
    %select_n3A_380 = arith.select %eq3A_378, %jit3A_379, %jit3A_376 : i32
    %rem3A_381 = arith.remsi %add3A_351, %select_n3A_380 : i32
    %ne3A_382 = arith.constant 0 : i32
    %ne3A_383 = arith.cmpi ne, %rem3A_381, %ne3A_382 : i32
    %lt3A_384 = arith.constant 0 : i32
    %lt3A_385 = arith.cmpi slt, %rem3A_381, %lt3A_384 : i32
    %lt3A_386 = arith.constant 0 : i32
    %lt3A_387 = arith.cmpi slt, %select_n3A_380, %lt3A_386 : i32
    %ne3A_388 = arith.xori %lt3A_385, %lt3A_387 : i1
    %and3A_389 = arith.andi %ne3A_388, %ne3A_383 : i1
    %add3A_390 = arith.addi %rem3A_381, %select_n3A_380 : i32
    %select_n3A_391 = arith.select %and3A_389, %add3A_390, %rem3A_381 : i32
    %mul3A_392 = arith.constant 512 : i32
    %mul3A_393 = arith.muli %select_n3A_391, %mul3A_392 : i32
    %mul3A_394 = arith.constant 100000 : i32
    %mul3A_395 = arith.muli %select_n3A_375, %mul3A_394 : i32
    %add3A_396 = arith.addi %mul3A_395, %mul3A_393 : i32
    %mul3A_397 = arith.constant 16 : i32
    %mul3A_398 = arith.muli %add3A_396, %mul3A_397 : i32
    %dma_wait3A_399 = tpu.memref_slice %arg4[%mul3A_398] : memref<41600000xf32, #tpu.memory_space<hbm>> -> memref<8192xf32, #tpu.memory_space<hbm>>
    %dma_wait3A_400 = tpu.memref_slice %arg4[%mul3A_398] : memref<41600000xf32, #tpu.memory_space<hbm>> -> memref<8192xf32, #tpu.memory_space<hbm>>
    tpu.wait_dma2 semaphore(%arg21 : memref<!tpu.dma_semaphore, #tpu.memory_space<semaphore_mem>>) src(%arg12 : memref<8192xf32, #tpu.memory_space<vmem>>) dst(%dma_wait3A_400 : memref<8192xf32, #tpu.memory_space<hbm>>)
    return
  }
}

module attributes {stable_mosaic.version = 14 : i64} {
  func.func @_tc_body(%arg0: i32, %arg1: memref<2048x26xi32, #tpu.memory_space<vmem>>, %arg2: memref<8192x128xf32, #tpu.memory_space<vmem>>, %arg3: memref<512x16xf32, #tpu.memory_space<vmem>>, %arg4: memref<26x1xf32, #tpu.memory_space<vmem>>, %arg5: memref<512x64xf32, #tpu.memory_space<vmem>>, %arg6: memref<1x64xf32, #tpu.memory_space<vmem>>, %arg7: memref<64x32xf32, #tpu.memory_space<vmem>>, %arg8: memref<1x32xf32, #tpu.memory_space<vmem>>, %arg9: memref<32x1xf32, #tpu.memory_space<vmem>>, %arg10: memref<1x1xf32, #tpu.memory_space<vmem>>, %arg11: memref<2048x1xf32, #tpu.memory_space<vmem>>) attributes {dimension_semantics = [#tpu.dimension_semantics<arbitrary>], iteration_bounds = array<i64: 8>, scalar_prefetch = 0 : i64, scratch_operands = 0 : i64, tpu.core_type = #tpu.core_type<tc>, window_params = [{transform_indices = @transform_0, window_bounds = array<i64: 2048, 26>}, {transform_indices = @transform_1, window_bounds = array<i64: 8192, 128>}, {pipeline_mode = #tpu.pipeline_mode<synchronous>, transform_indices = @transform_2, window_bounds = array<i64: 512, 16>}, {pipeline_mode = #tpu.pipeline_mode<synchronous>, transform_indices = @transform_3, window_bounds = array<i64: 26, 1>}, {pipeline_mode = #tpu.pipeline_mode<synchronous>, transform_indices = @transform_4, window_bounds = array<i64: 512, 64>}, {pipeline_mode = #tpu.pipeline_mode<synchronous>, transform_indices = @transform_5, window_bounds = array<i64: 1, 64>}, {pipeline_mode = #tpu.pipeline_mode<synchronous>, transform_indices = @transform_6, window_bounds = array<i64: 64, 32>}, {pipeline_mode = #tpu.pipeline_mode<synchronous>, transform_indices = @transform_7, window_bounds = array<i64: 1, 32>}, {pipeline_mode = #tpu.pipeline_mode<synchronous>, transform_indices = @transform_8, window_bounds = array<i64: 32, 1>}, {pipeline_mode = #tpu.pipeline_mode<synchronous>, transform_indices = @transform_9, window_bounds = array<i64: 1, 1>}, {transform_indices = @transform_10, window_bounds = array<i64: 2048, 1>}]} {
    %get3A = arith.constant 0 : index
    %get3A_0 = arith.constant 0 : index
    %get3A_1 = vector.load %arg2[%get3A, %get3A_0] : memref<8192x128xf32, #tpu.memory_space<vmem>>, vector<8192x128xf32>
    %reshape3A = vector.shape_cast %get3A_1 : vector<8192x128xf32> to vector<2048x4x128xf32>
    %iota3A = tpu.iota {dimensions = array<i32: 1>} : vector<2048x128xi32>
    %slice3A = vector.extract_strided_slice %reshape3A {offsets = [0, 0, 0], sizes = [2048, 1, 128], strides = [1, 1, 1]} : vector<2048x4x128xf32> to vector<2048x1x128xf32>
    %squeeze3A = vector.shape_cast %slice3A : vector<2048x1x128xf32> to vector<2048x128xf32>
    %slice3A_2 = vector.extract_strided_slice %reshape3A {offsets = [0, 1, 0], sizes = [2048, 1, 128], strides = [1, 1, 1]} : vector<2048x4x128xf32> to vector<2048x1x128xf32>
    %squeeze3A_3 = vector.shape_cast %slice3A_2 : vector<2048x1x128xf32> to vector<2048x128xf32>
    %slice3A_4 = vector.extract_strided_slice %reshape3A {offsets = [0, 2, 0], sizes = [2048, 1, 128], strides = [1, 1, 1]} : vector<2048x4x128xf32> to vector<2048x1x128xf32>
    %squeeze3A_5 = vector.shape_cast %slice3A_4 : vector<2048x1x128xf32> to vector<2048x128xf32>
    %lt3A = arith.constant 32 : i32
    %lt3A_6 = vector.broadcast %lt3A : i32 to vector<2048x128xi32>
    %lt3A_7 = arith.cmpi slt, %iota3A, %lt3A_6 : vector<2048x128xi32>
    %slice3A_8 = vector.extract_strided_slice %reshape3A {offsets = [0, 3, 0], sizes = [2048, 1, 128], strides = [1, 1, 1]} : vector<2048x4x128xf32> to vector<2048x1x128xf32>
    %squeeze3A_9 = vector.shape_cast %slice3A_8 : vector<2048x1x128xf32> to vector<2048x128xf32>
    %jit3A = arith.constant 0.000000e+00 : f32
    %broadcast_in_dim3A = vector.broadcast %jit3A : f32 to vector<2048x128xf32>
    %select_n3A = arith.select %lt3A_7, %squeeze3A_9, %broadcast_in_dim3A : vector<2048x128xi1>, vector<2048x128xf32>
    %get3A_10 = arith.constant 0 : index
    %get3A_11 = arith.constant 0 : index
    %get3A_12 = vector.load %arg1[%get3A_10, %get3A_11] : memref<2048x26xi32, #tpu.memory_space<vmem>>, vector<2048x26xi32>
    %convert_element_type3A = arith.sitofp %get3A_12 : vector<2048x26xi32> to vector<2048x26xf32>
    %get3A_13 = arith.constant 0 : index
    %get3A_14 = arith.constant 0 : index
    %get3A_15 = vector.load %arg4[%get3A_13, %get3A_14] : memref<26x1xf32, #tpu.memory_space<vmem>>, vector<26x1xf32>
    %dot_general3A = arith.constant dense<0.000000e+00> : vector<2048x1xf32>
    %dot_general3A_16 = tpu.matmul %convert_element_type3A, %get3A_15, %dot_general3A {dimension_numbers = #tpu.dot_dimension_numbers<[1], [0], [0], [1], [0, 0, 1, 1], [], []>, transpose_lhs_hint = false} : vector<2048x26xf32>, vector<26x1xf32>, vector<2048x1xf32> -> vector<2048x1xf32>
    %get3A_17 = arith.constant 0 : index
    %get3A_18 = arith.constant 0 : index
    %get3A_19 = vector.load %arg3[%get3A_17, %get3A_18] : memref<512x16xf32, #tpu.memory_space<vmem>>, vector<512x16xf32>
    %get3A_20 = arith.constant 0 : index
    %get3A_21 = arith.constant 0 : index
    %get3A_22 = vector.load %arg5[%get3A_20, %get3A_21] : memref<512x64xf32, #tpu.memory_space<vmem>>, vector<512x64xf32>
    %broadcast_in_dim3A_23 = arith.constant 0.000000e+00 : f32
    %broadcast_in_dim3A_24 = vector.broadcast %broadcast_in_dim3A_23 : f32 to vector<2048x16xf32>
    %broadcast_in_dim3A_25 = arith.constant 0.000000e+00 : f32
    %broadcast_in_dim3A_26 = vector.broadcast %broadcast_in_dim3A_25 : f32 to vector<2048x1xf32>
    %broadcast_in_dim3A_27 = arith.constant 0.000000e+00 : f32
    %broadcast_in_dim3A_28 = vector.broadcast %broadcast_in_dim3A_27 : f32 to vector<2048x64xf32>
    %slice3A_29 = vector.extract_strided_slice %get3A_19 {offsets = [0, 0], sizes = [128, 16], strides = [1, 1]} : vector<512x16xf32> to vector<128x16xf32>
    %dot_general3A_30 = arith.constant dense<0.000000e+00> : vector<2048x16xf32>
    %dot_general3A_31 = tpu.matmul %squeeze3A, %slice3A_29, %dot_general3A_30 {dimension_numbers = #tpu.dot_dimension_numbers<[1], [0], [0], [1], [0, 0, 1, 1], [], []>, transpose_lhs_hint = false} : vector<2048x128xf32>, vector<128x16xf32>, vector<2048x16xf32> -> vector<2048x16xf32>
    %add3A = arith.addf %broadcast_in_dim3A_24, %dot_general3A_31 : vector<2048x16xf32>
    %mul3A = arith.mulf %squeeze3A, %squeeze3A : vector<2048x128xf32>
    %reduce_sum3A = arith.constant dense<0.000000e+00> : vector<2048xf32>
    %reduce_sum3A_32 = vector.multi_reduction <add>, %mul3A, %reduce_sum3A [1] : vector<2048x128xf32> to vector<2048xf32>
    %broadcast_in_dim3A_33 = vector.shape_cast %reduce_sum3A_32 : vector<2048xf32> to vector<2048x1xf32>
    %add3A_34 = arith.addf %broadcast_in_dim3A_26, %broadcast_in_dim3A_33 : vector<2048x1xf32>
    %slice3A_35 = vector.extract_strided_slice %get3A_22 {offsets = [0, 0], sizes = [128, 64], strides = [1, 1]} : vector<512x64xf32> to vector<128x64xf32>
    %dot_general3A_36 = arith.constant dense<0.000000e+00> : vector<2048x64xf32>
    %dot_general3A_37 = tpu.matmul %squeeze3A, %slice3A_35, %dot_general3A_36 {dimension_numbers = #tpu.dot_dimension_numbers<[1], [0], [0], [1], [0, 0, 1, 1], [], []>, transpose_lhs_hint = false} : vector<2048x128xf32>, vector<128x64xf32>, vector<2048x64xf32> -> vector<2048x64xf32>
    %add3A_38 = arith.addf %broadcast_in_dim3A_28, %dot_general3A_37 : vector<2048x64xf32>
    %slice3A_39 = vector.extract_strided_slice %get3A_19 {offsets = [128, 0], sizes = [128, 16], strides = [1, 1]} : vector<512x16xf32> to vector<128x16xf32>
    %dot_general3A_40 = arith.constant dense<0.000000e+00> : vector<2048x16xf32>
    %dot_general3A_41 = tpu.matmul %squeeze3A_3, %slice3A_39, %dot_general3A_40 {dimension_numbers = #tpu.dot_dimension_numbers<[1], [0], [0], [1], [0, 0, 1, 1], [], []>, transpose_lhs_hint = false} : vector<2048x128xf32>, vector<128x16xf32>, vector<2048x16xf32> -> vector<2048x16xf32>
    %add3A_42 = arith.addf %add3A, %dot_general3A_41 : vector<2048x16xf32>
    %mul3A_43 = arith.mulf %squeeze3A_3, %squeeze3A_3 : vector<2048x128xf32>
    %reduce_sum3A_44 = arith.constant dense<0.000000e+00> : vector<2048xf32>
    %reduce_sum3A_45 = vector.multi_reduction <add>, %mul3A_43, %reduce_sum3A_44 [1] : vector<2048x128xf32> to vector<2048xf32>
    %broadcast_in_dim3A_46 = vector.shape_cast %reduce_sum3A_45 : vector<2048xf32> to vector<2048x1xf32>
    %add3A_47 = arith.addf %add3A_34, %broadcast_in_dim3A_46 : vector<2048x1xf32>
    %slice3A_48 = vector.extract_strided_slice %get3A_22 {offsets = [128, 0], sizes = [128, 64], strides = [1, 1]} : vector<512x64xf32> to vector<128x64xf32>
    %dot_general3A_49 = arith.constant dense<0.000000e+00> : vector<2048x64xf32>
    %dot_general3A_50 = tpu.matmul %squeeze3A_3, %slice3A_48, %dot_general3A_49 {dimension_numbers = #tpu.dot_dimension_numbers<[1], [0], [0], [1], [0, 0, 1, 1], [], []>, transpose_lhs_hint = false} : vector<2048x128xf32>, vector<128x64xf32>, vector<2048x64xf32> -> vector<2048x64xf32>
    %add3A_51 = arith.addf %add3A_38, %dot_general3A_50 : vector<2048x64xf32>
    %slice3A_52 = vector.extract_strided_slice %get3A_19 {offsets = [256, 0], sizes = [128, 16], strides = [1, 1]} : vector<512x16xf32> to vector<128x16xf32>
    %dot_general3A_53 = arith.constant dense<0.000000e+00> : vector<2048x16xf32>
    %dot_general3A_54 = tpu.matmul %squeeze3A_5, %slice3A_52, %dot_general3A_53 {dimension_numbers = #tpu.dot_dimension_numbers<[1], [0], [0], [1], [0, 0, 1, 1], [], []>, transpose_lhs_hint = false} : vector<2048x128xf32>, vector<128x16xf32>, vector<2048x16xf32> -> vector<2048x16xf32>
    %add3A_55 = arith.addf %add3A_42, %dot_general3A_54 : vector<2048x16xf32>
    %mul3A_56 = arith.mulf %squeeze3A_5, %squeeze3A_5 : vector<2048x128xf32>
    %reduce_sum3A_57 = arith.constant dense<0.000000e+00> : vector<2048xf32>
    %reduce_sum3A_58 = vector.multi_reduction <add>, %mul3A_56, %reduce_sum3A_57 [1] : vector<2048x128xf32> to vector<2048xf32>
    %broadcast_in_dim3A_59 = vector.shape_cast %reduce_sum3A_58 : vector<2048xf32> to vector<2048x1xf32>
    %add3A_60 = arith.addf %add3A_47, %broadcast_in_dim3A_59 : vector<2048x1xf32>
    %slice3A_61 = vector.extract_strided_slice %get3A_22 {offsets = [256, 0], sizes = [128, 64], strides = [1, 1]} : vector<512x64xf32> to vector<128x64xf32>
    %dot_general3A_62 = arith.constant dense<0.000000e+00> : vector<2048x64xf32>
    %dot_general3A_63 = tpu.matmul %squeeze3A_5, %slice3A_61, %dot_general3A_62 {dimension_numbers = #tpu.dot_dimension_numbers<[1], [0], [0], [1], [0, 0, 1, 1], [], []>, transpose_lhs_hint = false} : vector<2048x128xf32>, vector<128x64xf32>, vector<2048x64xf32> -> vector<2048x64xf32>
    %add3A_64 = arith.addf %add3A_51, %dot_general3A_63 : vector<2048x64xf32>
    %slice3A_65 = vector.extract_strided_slice %get3A_19 {offsets = [384, 0], sizes = [128, 16], strides = [1, 1]} : vector<512x16xf32> to vector<128x16xf32>
    %dot_general3A_66 = arith.constant dense<0.000000e+00> : vector<2048x16xf32>
    %dot_general3A_67 = tpu.matmul %select_n3A, %slice3A_65, %dot_general3A_66 {dimension_numbers = #tpu.dot_dimension_numbers<[1], [0], [0], [1], [0, 0, 1, 1], [], []>, transpose_lhs_hint = false} : vector<2048x128xf32>, vector<128x16xf32>, vector<2048x16xf32> -> vector<2048x16xf32>
    %add3A_68 = arith.addf %add3A_55, %dot_general3A_67 : vector<2048x16xf32>
    %mul3A_69 = arith.mulf %select_n3A, %select_n3A : vector<2048x128xf32>
    %reduce_sum3A_70 = arith.constant dense<0.000000e+00> : vector<2048xf32>
    %reduce_sum3A_71 = vector.multi_reduction <add>, %mul3A_69, %reduce_sum3A_70 [1] : vector<2048x128xf32> to vector<2048xf32>
    %broadcast_in_dim3A_72 = vector.shape_cast %reduce_sum3A_71 : vector<2048xf32> to vector<2048x1xf32>
    %add3A_73 = arith.addf %add3A_60, %broadcast_in_dim3A_72 : vector<2048x1xf32>
    %slice3A_74 = vector.extract_strided_slice %get3A_22 {offsets = [384, 0], sizes = [128, 64], strides = [1, 1]} : vector<512x64xf32> to vector<128x64xf32>
    %dot_general3A_75 = arith.constant dense<0.000000e+00> : vector<2048x64xf32>
    %dot_general3A_76 = tpu.matmul %select_n3A, %slice3A_74, %dot_general3A_75 {dimension_numbers = #tpu.dot_dimension_numbers<[1], [0], [0], [1], [0, 0, 1, 1], [], []>, transpose_lhs_hint = false} : vector<2048x128xf32>, vector<128x64xf32>, vector<2048x64xf32> -> vector<2048x64xf32>
    %add3A_77 = arith.addf %add3A_64, %dot_general3A_76 : vector<2048x64xf32>
    %mul3A_78 = arith.mulf %add3A_68, %add3A_68 : vector<2048x16xf32>
    %reduce_sum3A_79 = arith.constant dense<0.000000e+00> : vector<2048xf32>
    %reduce_sum3A_80 = vector.multi_reduction <add>, %mul3A_78, %reduce_sum3A_79 [1] : vector<2048x16xf32> to vector<2048xf32>
    %broadcast_in_dim3A_81 = vector.shape_cast %reduce_sum3A_80 : vector<2048xf32> to vector<2048x1xf32>
    %sub3A = arith.subf %broadcast_in_dim3A_81, %add3A_73 : vector<2048x1xf32>
    %mul3A_82 = arith.constant 5.000000e-01 : f32
    %mul3A_83 = vector.broadcast %mul3A_82 : f32 to vector<2048x1xf32>
    %mul3A_84 = arith.mulf %mul3A_83, %sub3A : vector<2048x1xf32>
    %get3A_85 = arith.constant 0 : index
    %get3A_86 = arith.constant 0 : index
    %get3A_87 = vector.load %arg6[%get3A_85, %get3A_86] : memref<1x64xf32, #tpu.memory_space<vmem>>, vector<1x64xf32>
    %add3A_88 = vector.broadcast %get3A_87 : vector<1x64xf32> to vector<2048x64xf32>
    %add3A_89 = arith.addf %add3A_77, %add3A_88 : vector<2048x64xf32>
    %max3A = arith.constant 0.000000e+00 : f32
    %max3A_90 = vector.broadcast %max3A : f32 to vector<2048x64xf32>
    %max3A_91 = arith.maximumf %add3A_89, %max3A_90 : vector<2048x64xf32>
    %get3A_92 = arith.constant 0 : index
    %get3A_93 = arith.constant 0 : index
    %get3A_94 = vector.load %arg7[%get3A_92, %get3A_93] : memref<64x32xf32, #tpu.memory_space<vmem>>, vector<64x32xf32>
    %dot_general3A_95 = arith.constant dense<0.000000e+00> : vector<2048x32xf32>
    %dot_general3A_96 = tpu.matmul %max3A_91, %get3A_94, %dot_general3A_95 {dimension_numbers = #tpu.dot_dimension_numbers<[1], [0], [0], [1], [0, 0, 1, 1], [], []>, transpose_lhs_hint = false} : vector<2048x64xf32>, vector<64x32xf32>, vector<2048x32xf32> -> vector<2048x32xf32>
    %get3A_97 = arith.constant 0 : index
    %get3A_98 = arith.constant 0 : index
    %get3A_99 = vector.load %arg8[%get3A_97, %get3A_98] : memref<1x32xf32, #tpu.memory_space<vmem>>, vector<1x32xf32>
    %add3A_100 = vector.broadcast %get3A_99 : vector<1x32xf32> to vector<2048x32xf32>
    %add3A_101 = arith.addf %dot_general3A_96, %add3A_100 : vector<2048x32xf32>
    %max3A_102 = arith.constant 0.000000e+00 : f32
    %max3A_103 = vector.broadcast %max3A_102 : f32 to vector<2048x32xf32>
    %max3A_104 = arith.maximumf %add3A_101, %max3A_103 : vector<2048x32xf32>
    %get3A_105 = arith.constant 0 : index
    %get3A_106 = arith.constant 0 : index
    %get3A_107 = vector.load %arg9[%get3A_105, %get3A_106] : memref<32x1xf32, #tpu.memory_space<vmem>>, vector<32x1xf32>
    %dot_general3A_108 = arith.constant dense<0.000000e+00> : vector<2048x1xf32>
    %dot_general3A_109 = tpu.matmul %max3A_104, %get3A_107, %dot_general3A_108 {dimension_numbers = #tpu.dot_dimension_numbers<[1], [0], [0], [1], [0, 0, 1, 1], [], []>, transpose_lhs_hint = false} : vector<2048x32xf32>, vector<32x1xf32>, vector<2048x1xf32> -> vector<2048x1xf32>
    %add3A_110 = arith.addf %dot_general3A_16, %mul3A_84 : vector<2048x1xf32>
    %add3A_111 = arith.addf %add3A_110, %dot_general3A_109 : vector<2048x1xf32>
    %get3A_112 = arith.constant 0 : index
    %get3A_113 = arith.constant 0 : index
    %get3A_114 = vector.load %arg10[%get3A_112, %get3A_113] : memref<1x1xf32, #tpu.memory_space<vmem>>, vector<1x1xf32>
    %get3A_115 = vector.extract %get3A_114[0, 0] : f32 from vector<1x1xf32>
    %add3A_116 = vector.broadcast %get3A_115 : f32 to vector<2048x1xf32>
    %add3A_117 = arith.addf %add3A_111, %add3A_116 : vector<2048x1xf32>
    %logistic3A = arith.negf %add3A_117 : vector<2048x1xf32>
    %logistic3A_118 = math.exp %logistic3A : vector<2048x1xf32>
    %logistic3A_119 = arith.constant 1.000000e+00 : f32
    %logistic3A_120 = vector.broadcast %logistic3A_119 : f32 to vector<2048x1xf32>
    %logistic3A_121 = arith.addf %logistic3A_120, %logistic3A_118 : vector<2048x1xf32>
    %logistic3A_122 = arith.divf %logistic3A_120, %logistic3A_121 : vector<2048x1xf32>
    %swap3A = arith.constant 0 : index
    %swap3A_123 = arith.constant 0 : index
    %swap3A_124 = vector.load %arg11[%swap3A, %swap3A_123] : memref<2048x1xf32, #tpu.memory_space<vmem>>, vector<2048x1xf32>
    tpu.vector_store %arg11[%swap3A, %swap3A_123], %logistic3A_122 {strides = array<i32>} : memref<2048x1xf32, #tpu.memory_space<vmem>>, vector<2048x1xf32>,
    return
  }
  func.func @transform_0(%arg0: i32) -> (i32, i32) {
    %c0_i32 = arith.constant 0 : i32
    %c0_i32_0 = arith.constant 0 : i32
    return %arg0, %c0_i32 : i32, i32
  }
  func.func @transform_1(%arg0: i32) -> (i32, i32) {
    %c0_i32 = arith.constant 0 : i32
    %c0_i32_0 = arith.constant 0 : i32
    return %arg0, %c0_i32 : i32, i32
  }
  func.func @transform_2(%arg0: i32) -> (i32, i32) {
    %c0_i32 = arith.constant 0 : i32
    %c0_i32_0 = arith.constant 0 : i32
    %c0_i32_1 = arith.constant 0 : i32
    return %c0_i32, %c0_i32_0 : i32, i32
  }
  func.func @transform_3(%arg0: i32) -> (i32, i32) {
    %c0_i32 = arith.constant 0 : i32
    %c0_i32_0 = arith.constant 0 : i32
    %c0_i32_1 = arith.constant 0 : i32
    return %c0_i32, %c0_i32_0 : i32, i32
  }
  func.func @transform_4(%arg0: i32) -> (i32, i32) {
    %c0_i32 = arith.constant 0 : i32
    %c0_i32_0 = arith.constant 0 : i32
    %c0_i32_1 = arith.constant 0 : i32
    return %c0_i32, %c0_i32_0 : i32, i32
  }
  func.func @transform_5(%arg0: i32) -> (i32, i32) {
    %c0_i32 = arith.constant 0 : i32
    %c0_i32_0 = arith.constant 0 : i32
    %c0_i32_1 = arith.constant 0 : i32
    return %c0_i32, %c0_i32_0 : i32, i32
  }
  func.func @transform_6(%arg0: i32) -> (i32, i32) {
    %c0_i32 = arith.constant 0 : i32
    %c0_i32_0 = arith.constant 0 : i32
    %c0_i32_1 = arith.constant 0 : i32
    return %c0_i32, %c0_i32_0 : i32, i32
  }
  func.func @transform_7(%arg0: i32) -> (i32, i32) {
    %c0_i32 = arith.constant 0 : i32
    %c0_i32_0 = arith.constant 0 : i32
    %c0_i32_1 = arith.constant 0 : i32
    return %c0_i32, %c0_i32_0 : i32, i32
  }
  func.func @transform_8(%arg0: i32) -> (i32, i32) {
    %c0_i32 = arith.constant 0 : i32
    %c0_i32_0 = arith.constant 0 : i32
    %c0_i32_1 = arith.constant 0 : i32
    return %c0_i32, %c0_i32_0 : i32, i32
  }
  func.func @transform_9(%arg0: i32) -> (i32, i32) {
    %c0_i32 = arith.constant 0 : i32
    %c0_i32_0 = arith.constant 0 : i32
    %c0_i32_1 = arith.constant 0 : i32
    return %c0_i32, %c0_i32_0 : i32, i32
  }
  func.func @transform_10(%arg0: i32) -> (i32, i32) {
    %c0_i32 = arith.constant 0 : i32
    %c0_i32_0 = arith.constant 0 : i32
    return %arg0, %c0_i32 : i32, i32
  }
}

</mosaic_0001>

<sc_bundles>
// kernel: kernel.5.cloned.1.call-start
scs
__scs_entry_jumppad:
0x0: {  	(pc) =	sbr.rel $0x88, $3  }
0x1: {  	(tag) =	ssettag $0x0;
	lr =	simm.s32 $0x1  }
0x2: {  	[smem:$0x3F93] =	sst lr;
	_ =	strace $0xD0000000  }
0x3: {  	_ = 	snop  }
0x4: {  	_ = 	snop  }
0x5: {  	_ = 	snop  }
0x6: {  	_ = 	snop  }
0x7: {  	_ = 	snop  }
__scs_overlays_trampoline_lowered:
0x8: {  	[smem:$0x3FA2] =	sst s0  }
0x9: {  	[smem:$0x3FA3] =	sst s1  }
0xa: {  	[smem:$0x3FA4] =	sst s2  }
0xb: {  	[smem:$0x3FA5] =	sst s3  }
0xc: {  	[smem:$0x3FA6] =	sst s4  }
0xd: {  	[smem:$0x3FA7] =	sst s5  }
0xe: {  	[smem:$0x3FA8] =	sst s6  }
0xf: {  	[smem:$0x3FA9] =	sst s7  }
0x10: {  	[smem:$0x3FAA] =	sst s8  }
0x11: {  	[smem:$0x3FAB] =	sst s9;
	s0 =	simm.s32 @!p0 $0x0  }
0x12: {  	s1 =	sld [smem:$0x3F91];
	s0 =	simm.s32 @p0 $0x1  }
0x13: {  	[smem:$0x3FAC] =	sst s0;
	s0 =	simm.s32 @!p1 $0x0  }
0x14: {  	s2 =	sld [smem:$0x3F90];
	s0 =	simm.s32 @p1 $0x1  }
0x15: {  	[smem:$0x3FAD] =	sst s0;
	s0 =	simm.s32 @!p2 $0x0  }
0x16: {  	s3 =	sld [smem:$0x3FDB];
	s0 =	simm.s32 @p2 $0x1  }
0x17: {  	s4 =	simm.s32 $0x1BF5;
	[smem:$0x3FAF] =	sst s0  }
0x18: {  	s0 =	sld [smem:$0x3F92];
	_ =	swait.ge [sflag:s4], $0x0  }
0x19: {  	s7 =	sld [smem:$0x3F93]  }
0x1a: {  	s8 =	sadd.s32 $0xFFFFE003, lr  }
0x1b: {  	s9 =	sadd.s32 $0xFFFFFEF7, lr;
	s5 =	simm.s32 $0xFFFFFFFF;
	p2 =	slt.u32 s8, $0xFFFFF086  }
0x1c: {  	p1 =	slt.u32 s9, $0xF7A;
	s5 =	simm.s32 @!p2 $0x0  }
0x1d: {  	s5 =	simm.s32 @p1 $0x1;
	p0 =	seq.s32 s7, s2  }
0x1e: {  	s7 =	smul.u32 @!p0 $0xF7A, s2;
	p2 =	seq.s32 @!p0 s5, $0x0  }
0x1f: {  	s9 =	smul.u32 $0xF7A, s1;
	s8 =	simm.s32 @!p0 $0x1BF5;
	p2 =	por !p2, p0  }
0x20: {  	[sflag:s8] =	ssyncset.s32 @!p0 $0xFFFFF086;
	s6 =	sadd.s32 @!p0 s3, s7;
	s7 =	simm.s32 @!p0 $0x108  }
0x21: {  	s3 =	sadd.s32 s3, s9;
	s6 =	sadd.s32 @!p0 $0x88, s6;
	s7 =	simm.s32 @p2 $0x1082  }
0x22: {  	[simem:s7], [sflag:s8] =	dma.local @!p0 [hbm:s6], $0xF7A  }
0x23: {  	s9 =	sor.u32 $0xD0000000, s2;
	s6 =	simm.s32 $0x108;
	_ =	swait.ge @!p0 [sflag:s8], $0x0  }
0x24: {  	s3 =	sadd.s32 $0x88, s3;
	s6 =	simm.s32 @!p1 $0x1082;
	[sflag:s4] =	ssyncset.s32 $0xFFFFF086  }
0x25: {  	[simem:s6], [sflag:s4] =	dma.local [hbm:s3], $0xF7A  }
0x26: {  	[smem:$0x3F93] =	sst s1;
	(tag) =	ssettag s2;
	_ =	strace s9  }
0x27: {  	s1 =	sld [smem:$0x3FA3]  }
0x28: {  	s2 =	sld [smem:$0x3FA4]  }
0x29: {  	s4 =	sld [smem:$0x3FA6]  }
0x2a: {  	p0 =	seq.s32 s5, $0x0;
	s5 =	sld [smem:$0x3FA7]  }
0x2b: {  	s6 =	sld [smem:$0x3FA8]  }
0x2c: {  	s7 =	sld [smem:$0x3FA9]  }
0x2d: {  	s3 =	simm.s32 $0x108;
	s8 =	sld [smem:$0x3FAA]  }
0x2e: {  	s3 =	simm.s32 @!p0 $0x1082;
	s9 =	sld [smem:$0x3FAB]  }
0x2f: {  	lr =	sadd.s32 s0, s3;
	s0 =	sld [smem:$0x3FA2]  }
0x30: {  	s3 =	sld [smem:$0x3FA5]  }
0x31: {  	[smem:$0x3FAE] =	sst s10  }
0x32: {  	s10 =	sld [smem:$0x3FAC];
	_ =	sdelay $0x3  }
0x33: {  	p0 =	seq.s32 s10, $0x1;
	s10 =	sld [smem:$0x3FAE];
	_ =	sdelay $0x3  }
0x34: {  	[smem:$0x3FAE] =	sst s10  }
0x35: {  	s10 =	sld [smem:$0x3FAD];
	_ =	sdelay $0x3  }
0x36: {  	p1 =	seq.s32 s10, $0x1;
	s10 =	sld [smem:$0x3FAE];
	_ =	sdelay $0x3  }
0x37: {  	[smem:$0x3FAE] =	sst s10  }
0x38: {  	s10 =	sld [smem:$0x3FAF]  }
0x39: {  	_ = 	snop;
	(pc) =	sbr.ind lr, $3  }
0x3a: {  	_ = 	snop  }
0x3b: {  	_ = 	snop  }
0x3c: {  	p2 =	seq.s32 s10, $0x1;
	s10 =	sld [smem:$0x3FAE]  }
0x3d: {  	_ =	shalt  }
0x3e: {  	_ =	shalt  }
0x3f: {  	_ =	shalt  }
0x40: {  	_ =	shalt  }
0x41: {  	_ =	shalt  }
0x42: {  	_ =	shalt  }
0x43: {  	_ =	shalt  }
0x44: {  	_ =	shalt  }
0x45: {  	_ =	shalt  }
0x46: {  	_ =	shalt  }
0x47: {  	_ =	shalt  }
0x48: {  	_ =	shalt  }
0x49: {  	_ =	shalt  }
0x4a: {  	_ =	shalt  }
0x4b: {  	_ =	shalt  }
0x4c: {  	_ =	shalt  }
0x4d: {  	_ =	shalt  }
0x4e: {  	_ =	shalt  }
0x4f: {  	_ =	shalt  }
0x50: {  	_ =	shalt  }
0x51: {  	_ =	shalt  }
0x52: {  	_ =	shalt  }
0x53: {  	_ =	shalt  }
0x54: {  	_ =	shalt  }
0x55: {  	_ =	shalt  }
0x56: {  	_ =	shalt  }
0x57: {  	_ =	shalt  }
0x58: {  	_ =	shalt  }
0x59: {  	_ =	shalt  }
0x5a: {  	_ =	shalt  }
0x5b: {  	_ =	shalt  }
0x5c: {  	_ =	shalt  }
0x5d: {  	_ =	shalt  }
0x5e: {  	_ =	shalt  }
0x5f: {  	_ =	shalt  }
0x60: {  	_ =	shalt  }
0x61: {  	_ =	shalt  }
0x62: {  	_ =	shalt  }
0x63: {  	_ =	shalt  }
0x64: {  	_ =	shalt  }
0x65: {  	_ =	shalt  }
0x66: {  	_ =	shalt  }
0x67: {  	_ =	shalt  }
0x68: {  	_ =	shalt  }
0x69: {  	_ =	shalt  }
0x6a: {  	_ =	shalt  }
0x6b: {  	_ =	shalt  }
0x6c: {  	_ =	shalt  }
0x6d: {  	_ =	shalt  }
0x6e: {  	_ =	shalt  }
0x6f: {  	_ =	shalt  }
0x70: {  	_ =	shalt  }
0x71: {  	_ =	shalt  }
0x72: {  	_ =	shalt  }
0x73: {  	_ =	shalt  }
0x74: {  	_ =	shalt  }
0x75: {  	_ =	shalt  }
0x76: {  	_ =	shalt  }
0x77: {  	_ =	shalt  }
0x78: {  	_ =	shalt  }
0x79: {  	_ =	shalt  }
0x7a: {  	_ =	shalt  }
0x7b: {  	_ =	shalt  }
0x7c: {  	_ =	shalt  }
0x7d: {  	_ =	shalt  }
0x7e: {  	_ =	shalt  }
0x7f: {  	_ =	shalt  }
0x80: {  	_ =	shalt  }
0x81: {  	_ =	shalt  }
0x82: {  	_ =	shalt  }
0x83: {  	_ =	shalt  }
0x84: {  	_ =	shalt  }
0x85: {  	_ =	shalt  }
0x86: {  	_ =	shalt  }
0x87: {  	_ =	shalt  }
.Lfunc_end0:
.L_simem_size_0:
called_computation_lowered:
.L_overlay_start_0:
0x88: {  	s2 =	sld [smem:$0x3FD9]  }
0x89: {  	s3 =	sld [smem:$0x3FFE];
	_ =	sdelay $0x1  }
0x8a: {  	s1 =	srdreg.scid  }
0x8b: {  	s0 =	sand.u32 $0x1, s1  }
0x8c: {  	s17 =	sshll.u32 s0, $0xA;
	s2 =	sadd.s32 s3, s2  }
0x8d: {  	s2 =	sadd.s32 s2, s17  }
0x8e: {  	[smem:$0x3FBA] =	sst s2  }
0x8f: {  	_ = 	snop  }
0x90: {  	s2 =	sld [smem:$0x3FC8];
	(tm) =	ssettm $0x1  }
0x91: {  	s18 =	sld [smem:$0x3FFB];
	_ =	sdelay $0x3  }
0x92: {  	_ =	strace s18  }
0x93: {  	s3 =	sld [smem:$0x3FFC];
	_ =	sdelay $0x3  }
0x94: {  	_ =	strace s3  }
0x95: {  	s3 =	sld [smem:$0x3FFD];
	_ =	sdelay $0x3  }
0x96: {  	_ =	strace s3  }
0x97: {  	_ =	strace $0x8FFFFFFF  }
0x98: {  	s19 =	sld [smem:$0x3FDB];
	_ =	sdelay $0x1  }
0x99: {  	s4 =	simm.s32 $_scs_section_size  }
0x9a: {  	s5 =	simm.s32 $_size__tile_overlayer_lowered;
	s6 =	simm.s32 $_tile_overlayer_lowered  }
0x9b: {  	s22 =	simm.s32 $0x1BFF;
	s21 =	sshll.u32 s6, $0x1;
	s3 =	sadd.s32 s4, s19  }
0x9c: {  	s7 =	simm.s32 $0x0;
	s20 =	sshll.u32 s5, $0x1;
	s5 =	sadd.s32 s21, s3  }
0x9d: {  	[timem:s7], [sflag:s22] =	dma.local [hbm:s5], s20  }
0x9e: {  	_ =	swait.ge [sflag:s22], s20  }
0x9f: {  	s4 =	ssub.s32 $0x0, s20;
	[sflag:s22] =	ssyncset.done $0x0  }
0xa0: {  	[sflag:s22] =	ssyncadd.s32 s4;
	_ =	sdelay $0x1  }
0xa1: {  	s23 =	simm.s32 $0x1B8B  }
0xa2: {  	_ =	swait.ge [sflag:s23], $0x1  }
0xa3: {  	[sflag:s23] =	ssyncset.done $0x0  }
0xa4: {  	s25 =	simm.s32 $0x1B8E;
	s24 =	sld [smem:$0x3FFE];
	[sflag:s23] =	ssyncadd.s32 $0xFFFFFFFF  }
0xa5: {  	s26 =	simm.s32 $execute0_lowered;
	[smem:$0x3FD2] =	sst s25  }
0xa6: {  	s5 =	sshll.u32 s26, $0x1;
	_ =	strace $0x80000046;
	[dreg:$0x1] =	wrdreg $0xFFFFFFFF  }
0xa7: {  	s28 =	simm.s32 $_size_execute0_lowered;
	s3 =	sadd.s32 s3, s5;
	[dreg:$0x0] =	wrdreg $0x0  }
0xa8: {  	s5 =	sshll.u32 s28, $0x1;
	[dreg:$0x2] =	wrdreg s3  }
0xa9: {  	[dreg:$0x3] =	wrdreg s5  }
0xaa: {  	[dreg:$0x4] =	wrdreg $0xC0  }
0xab: {  	_ =	task [dreg:s7], $0x5FFFF  }
0xac: {  	[dreg:$0x1] =	wrdreg $0xFFFFFFFF  }
0xad: {  	[dreg:$0x0] =	wrdreg $0x60  }
0xae: {  	[dreg:$0x2] =	wrdreg s2  }
0xaf: {  	[dreg:$0x3] =	wrdreg s24  }
0xb0: {  	[dreg:$0x4] =	wrdreg $0x9  }
0xb1: {  	_ =	task.clear_ibuf [dreg:s7], $0x5FFFF;
	_ =	strace $0x90000046  }
0xb2: {  	s29 =	simm.s32 $0x9;
	_ =	strace $0x80000048  }
0xb3: {  	_ =	swait.ge [sflag:s29], $0x1  }
0xb4: {  	[sflag:s29] =	ssyncadd.s32 $0xFFFFFFFF  }
0xb5: {  	_ =	strace $0x90000048  }
0xb6: {  	_ =	sfence  }
0xb7: {  	s30 =	sld [smem:$0x0];
	_ =	sdelay $0x2  }
0xb8: {  	s31 =	sshll.u32 s1, $0xD;
	s1 =	sshrl.u32 s1, $0x2  }
0xb9: {  	s3 =	sand.u32 $0x4000, s31;
	s1 =	sadd.s32 s1, s30  }
0xba: {  	s0 =	sor.u32 s3, s0;
	s1 =	sshll.u32 s1, $0x11  }
0xbb: {  	s0 =	sor.u32 s1, s0  }
0xbc: {  	s0 =	sadd.s32 $0x8F2B, s0  }
0xbd: {  	[sflag:s0] =	ssyncadd.remote.s32 $0x1  }
0xbe: {  	_ =	sfence.sel $0xFFFF  }
0xbf: {  	[dreg:$0x0] =	wrdreg $0xFFFFFFFF;
	(pc) =	sbr.abs _section_cstart, $3  }
0xc0: {  	[dreg:$0x1] =	wrdreg $0xFFFFFFFF  }
0xc1: {  	_ =	task.clear_ibuf [dreg:s7], $0x2FFFF;
	_ =	strace $0x9FFFFFFF  }
0xc2: {  	(tm) =	ssettm $0x7FFFFFFF  }
0xc3: {  	_ =	shalt  }
tec
execute0_lowered:
.L_overlay_start_1:
0x0: {  	(tag) =	ssettag $0x1  }
0x1: {  	s0 =	srdreg.scid  }
0x2: {  	s8 =	stileid.u32;
	s1 =	rddreg [dreg:$0x0]  }
0x3: {  	s5 =	rddreg [dreg:$0x1];
	s4 =	simm.s32 $0x0;
	s17 =	simm.s32 $0x1000  }
0x4: {  	v0 =	vimm.s32 $0x1380;
	vm0 =	vcmask $0x300;
	s18 =	simm.s32 $0xC3800;
	s19 =	simm.s32 $0x2000;
	s20 =	simm.s32 $0x4000  }
0x5: {  	vm14 =	vcmask $0x704;
	s21 =	simm.s32 $0x6000;
	s22 =	simm.s32 $0x1;
	s28 =	simm.s32 $0xC000;
	v0 =	vsel vm0, $0x0, v0  }
0x6: {  	vm15 =	vcmask $0xB08;
	s29 =	simm.s32 $0x4;
	s0 =	sand.u32 $0x1, s0;
	s2 =	sshll.u32 s8, $0x1;
	v0 =	vsel vm14, $0x80, v0  }
0x7: {  	vm4 =	vcmask $0xF0C;
	s30 =	simm.s32 $0xE000;
	[smem:$0x7FF] =	sst s4;
	s3 =	sor.u32 s0, s2;
	v0 =	vsel vm15, $0x100, v0  }
0x8: {  	vm5 =	vcmask $0x1310;
	p0 =	sgt.u32 s8, $0xC;
	s0 =	ssub.s32 $0x2, s0;
	s2 =	smul.u32 $0x140, s3;
	v0 =	vsel vm4, $0x180, v0  }
0x9: {  	vm6 =	vcmask $0x1714;
	_ =	strace $0x80000047;
	s6 =	smul.u32 $0x186A00, s3;
	s7 =	sshrl.u32 s0, $0x1;
	v0 =	vsel vm5, $0x200, v0  }
0xa: {  	vm7 =	vcmask $0x1B18;
	s23 =	sshll.u32 s3, $0x9;
	s12 =	sor.u32 $0x80, s3;
	s13 =	sor.u32 $0xA0, s3;
	v0 =	vsel vm6, $0x280, v0  }
0xb: {  	vm8 =	vcmask $0x1F1C;
	s14 =	sor.u32 $0xC0, s3;
	s15 =	sor.u32 $0xE0, s3;
	s0 =	ssub.s32 s0, s7;
	v0 =	vsel vm7, $0x300, v0  }
0xc: {  	vm9 =	vcmask $0x2320;
	s25 =	sadd.s32 s1, s23;
	s23 =	simm.s32 $0x8000;
	s2 =	sadd.s32 s2, s5;
	v0 =	vsel vm8, $0x380, v0  }
0xd: {  	vm10 =	vcmask $0x2724;
	s5 =	sadd.s32 $0x4600, s5;
	s26 =	sadd.s32 $0x4000, s25;
	[dreg:$0x5] =	wrdreg s25;
	v0 =	vsel vm9, $0x1000, v0  }
0xe: {  	vm11 =	vcmask $0x2B28;
	s6 =	sshrl.u32 s6, $0x3;
	s31 =	sadd.s32 $0x8000, s25;
	[dreg:$0x6] =	wrdreg s26;
	v0 =	vsel vm10, $0x1080, v0  }
.Ltmp0:
0xf: {  	vm12 =	vcmask $0x2F2C;
	s0 =	smax.u32 s0, $0x1;
	[dreg:$0x7] =	wrdreg s31;
	v0 =	vsel vm11, $0x1100, v0;
	(pc) =	sbr.rel .LBB2_1-.Ltmp0, $4  }
0x10: {  	vm13 =	vcmask $0x3330;
	s6 =	sadd.s32 s5, s6;
	s2 =	sadd.s32 $0x2400, s2;
	[dreg:$0x9] =	wrdreg s0;
	v0 =	vsel vm12, $0x1180, v0  }
0x11: {  	vm14 =	vcmask $0x3734;
	s7 =	simm.s32 $0x0;
	[dreg:$0x3] =	wrdreg s2;
	s24 =	sadd.s32 $0x30C00, s6;
	v0 =	vsel vm13, $0x1200, v0  }
0x12: {  	vm15 =	vcmask $0x3B38;
	s26 =	simm.s32 $0x3;
	s2 =	sadd.s32 $0xC000, s25;
	[dreg:$0x4] =	wrdreg s24;
	v1 =	vsel vm14, $0x1280, v0  }
0x13: {  	s25 =	simm.s32 $0xA000;
	[dreg:$0x8] =	wrdreg s2;
	s24 =	simm.s32 $0x2;
	v0 =	vlaneseq.u32;
	v1 =	vsel vm15, $0x1300, v1  }
.LBB2_15:
0x14: {  	s0 =	simm.s32 $0x5  }
0x15: {  	_ =	swait.ge [sflag:s0], $0x2000  }
0x16: {  	[sflag:s0] =	ssyncset.done $0x0  }
0x17: {  	s11 =	simm.s32 $0x6;
	[sflag:s0] =	ssyncadd.s32 $0xFFFFE000  }
0x18: {  	_ =	swait.ge [sflag:s11], $0x2000  }
0x19: {  	[sflag:s11] =	ssyncset.done $0x0  }
0x1a: {  	s16 =	simm.s32 $0x7;
	[sflag:s11] =	ssyncadd.s32 $0xFFFFE000  }
0x1b: {  	_ =	swait.ge [sflag:s16], $0x2000  }
0x1c: {  	[sflag:s16] =	ssyncset.done $0x0  }
0x1d: {  	s2 =	simm.s32 $0x8;
	[sflag:s16] =	ssyncadd.s32 $0xFFFFE000  }
0x1e: {  	_ =	swait.ge [sflag:s2], $0x2000  }
0x1f: {  	s7 =	sadd.s32 $0x1, s7;
	s31 =	rddreg [dreg:$0x9]  }
0x20: {  	p1 =	sne.s32 s7, s31  }
.Ltmp1:
0x21: {  	_ = 	snop;
	(pc) =	sbr.rel @!p1 .LBB2_16-.Ltmp1, $3  }
0x22: {  	_ =	sdelay $0x1  }
0x23: {  	[sflag:s2] =	ssyncset.done $0x0  }
0x24: {  	[sflag:s2] =	ssyncadd.s32 $0xFFFFE000  }
.LBB2_1:
0x25: {  	s8 =	simm.s32 @!p0 $0x0  }
0x26: {  	s9 =	simm.s32 @!p0 $0x10000;
	s0 =	rddreg [dreg:$0x3];
	s10 =	simm.s32 @!p0 $0x9  }
0x27: {  	[tilespmem:s9], [sflag:$0x9] =	stream.linear.gather @!p0 [hbm4b:s0+s8], $0xA00, $0x38;
	[tilespmem:$0x10A00] =	vst v63  }
0x28: {  	_ =	swait.ge @!p0 [sflag:s10], $0xA00  }
0x29: {  	[sflag:s10] =	ssyncset.done @!p0 $0x0  }
0x2a: {  	s0 =	rddreg [dreg:$0x4];
	[sflag:s10] =	ssyncadd.s32 @!p0 $0xFFFFF600  }
0x2b: {  	[hbm4b:s0+s8] =	stream.linear.scatter @!p0 [tilespmem:s9], [sflag:$0x9], $0xA00, $0x38;
	[tilespmem:$0x10A00] =	vst v63  }
0x2c: {  	_ =	swait.ge @!p0 [sflag:s10], $0xA00  }
0x2d: {  	[sflag:s10] =	ssyncset.done @!p0 $0x0  }
0x2e: {  	[sflag:s10] =	ssyncadd.s32 @!p0 $0xFFFFF600;
	s10 =	rddreg [dreg:$0x5]  }
0x2f: {  	[tilespmem:s4], [sflag:$0x1] =	stream.strided.gather [hbm4b:s10+s17], $0x2000, s18, s17, $0x38;
	[tilespmem:$0x10A00] =	vst v63  }
0x30: {  	s11 =	rddreg [dreg:$0x6]  }
0x31: {  	[tilespmem:s19], [sflag:$0x2] =	stream.strided.gather [hbm4b:s11+s17], $0x2000, s18, s17, $0x38;
	[tilespmem:$0x10A00] =	vst v63  }
.Ltmp2:
0x32: {  	_ = 	snop;
	(pc) =	sbr.rel .LBB2_2-.Ltmp2, $4  }
0x33: {  	s16 =	rddreg [dreg:$0x7]  }
0x34: {  	[tilespmem:s20], [sflag:$0x3] =	stream.strided.gather [hbm4b:s16+s17], $0x2000, s18, s17, $0x38;
	[tilespmem:$0x10A00] =	vst v63  }
0x35: {  	s9 =	simm.s32 $0x0;
	s31 =	rddreg [dreg:$0x8]  }
0x36: {  	[tilespmem:s21], [sflag:$0x4] =	stream.strided.gather [hbm4b:s31+s17], $0x2000, s18, s17, $0x38;
	[tilespmem:$0x10A00] =	vst v63  }
.LBB2_14:
0x37: {  	s9 =	sadd.s32 $0x1, s9  }
0x38: {  	p1 =	sne.s32 s9, $0x28  }
.Ltmp3:
0x39: {  	_ = 	snop;
	(pc) =	sbr.rel @!p1 .LBB2_15-.Ltmp3, $1  }
0x3a: {  	_ =	sdelay $0x3  }
.LBB2_2:
0x3b: {  	s8 =	simm.s32 $0x0  }
0x3c: {  	s11 =	simm.s32 $0x7;
	v2 =	vadd.s32 s8, v0  }
0x3d: {  	v5 =	vadd.s32 s11, v0;
	v3 =	vshll.u32 v2, $0x3  }
0x3e: {  	v4 =	vshll.u32 v2, $0x4;
	v2 =	vand.u32 $0x7F, v2;
	v6 =	vshll.u32 v5, $0x3  }
0x3f: {  	v7 =	vand.u32 $0x7F, v5;
	v3 =	vand.u32 $0xC00, v3;
	v4 =	vor.u32 v0, v4  }
0x40: {  	s10 =	simm.s32 $0x5;
	v6 =	vand.u32 $0xC00, v6;
	v3 =	vor.u32 v3, v2;
	v2 =	vand.u32 $0x1FFF, v4  }
0x41: {  	s16 =	simm.s32 $0x6;
	v7 =	vor.u32 v6, v7;
	v6 =	vadd.s32 s10, v0;
	v4 =	vor.u32 v1, v3  }
0x42: {  	v3 =	vand.u32 $0x1FF, v5;
	v5 =	vadd.s32 s16, v0;
	v7 =	vor.u32 v1, v7  }
0x43: {  	p1 =	seq.s32 s9, $0x0;
	v9 =	vshll.u32 v6, $0x3;
	v11 =	vand.u32 $0x7F, v6;
	v3 =	vshll.u32 v3, $0x4  }
0x44: {  	s31 =	simm.s32 $0x4;
	s8 =	simm.s32 @!p1 $0x5;
	v8 =	vshll.u32 v5, $0x3;
	v10 =	vand.u32 $0x7F, v5;
	v12 =	vand.u32 $0xC00, v9  }
0x45: {  	_ =	swait.ge @!p1 [sflag:s8], $0x2000;
	v9 =	vadd.s32 s31, v0;
	v3 =	vor.u32 v0, v3;
	v8 =	vand.u32 $0xC00, v8  }
0x46: {  	s11 =	simm.s32 $0x3;
	[sflag:s8] =	ssyncset.done @!p1 $0x0;
	v14 =	vand.u32 $0x7F, v9;
	v8 =	vor.u32 v8, v10;
	v10 =	vor.u32 v12, v11  }
0x47: {  	[sflag:s8] =	ssyncadd.s32 @!p1 $0xFFFFE000;
	v12 =	vshll.u32 v9, $0x3;
	v11 =	vor.u32 v1, v8;
	v8 =	vadd.s32 s11, v0  }
0x48: {  	s10 =	sshll.u32 s9, $0x7;
	_ =	swait.ge [sflag:s22], $0x2000;
	v10 =	vor.u32 v1, v10;
	v12 =	vand.u32 $0xC00, v12;
	v13 =	vshll.u32 v8, $0x3  }
0x49: {  	s8 =	simm.s32 $0x1;
	s16 =	simm.s32 $0x2;
	[sflag:s22] =	ssyncset.done $0x0;
	v15 =	vand.u32 $0x7F, v8;
	v16 =	vor.u32 v12, v14;
	v13 =	vand.u32 $0xC00, v13  }
0x4a: {  	[sflag:s22] =	ssyncadd.s32 $0xFFFFE000;
	s11 =	sor.u32 s3, s10;
	v12 =	vadd.s32 s16, v0;
	s16 =	simm.s32 $0x8;
	v14 =	vor.u32 v13, v15;
	v13 =	vor.u32 v1, v16  }
.LBB2_3:
0x4b: {  	p2 =	slt.u32 s16, $0x1F8;
	v15 =	vadd.s32 s8, v0;
	v16 =	vshll.u32 v12, $0x3;
	v14 =	vor.u32 v1, v14  }
0x4c: {  	v18 =	vand.u32 $0x7F, v12;
	v17 =	vshll.u32 v15, $0x3;
	v16 =	vand.u32 $0xC00, v16  }
0x4d: {  	v19 =	vand.u32 $0x7F, v15;
	v4 =	vld.idx.msk [tilespmem:v4+s4+$0x0], $0xffff;
	v17 =	vand.u32 $0xC00, v17;
	v16 =	vor.u32 v16, v18  }
0x4e: {  	v5 =	vand.u32 $0x1FF, v5;
	v17 =	vor.u32 v17, v19;
	v16 =	vor.u32 v1, v16;
	v7 =	vld.idx.msk [tilespmem:v7+s4+$0x0], $0xffff  }
0x4f: {  	v6 =	vand.u32 $0x1FF, v6;
	v5 =	vshll.u32 v5, $0x4;
	v17 =	vor.u32 v1, v17;
	v11 =	vld.idx.msk [tilespmem:v11+s4+$0x0], $0xffff  }
0x50: {  	v9 =	vand.u32 $0x1FF, v9;
	v6 =	vshll.u32 v6, $0x4;
	v5 =	vor.u32 v0, v5;
	v10 =	vld.idx.msk [tilespmem:v10+s4+$0x0], $0xffff  }
0x51: {  	v8 =	vand.u32 $0x1FF, v8;
	v9 =	vshll.u32 v9, $0x4;
	v6 =	vor.u32 v0, v6;
	v13 =	vld.idx.msk [tilespmem:v13+s4+$0x0], $0xffff  }
0x52: {  	v12 =	vand.u32 $0x1FF, v12;
	v8 =	vshll.u32 v8, $0x4;
	v9 =	vor.u32 v0, v9;
	v14 =	vld.idx.msk [tilespmem:v14+s4+$0x0], $0xffff  }
0x53: {  	v8 =	vor.u32 v0, v8;
	[tilespmem:v2+s23+$0x0] =	vst.idx.msk $0xffff, v4;
	v2 =	vand.u32 $0x1FF, v15;
	v15 =	vld.idx.msk [tilespmem:v16+s4+$0x0], $0xffff;
	v4 =	vshll.u32 v12, $0x4  }
0x54: {  	v12 =	vadd.s32 s16, v0;
	v16 =	vld.idx.msk [tilespmem:v17+s4+$0x0], $0xffff;
	v2 =	vshll.u32 v2, $0x4;
	v17 =	vor.u32 v0, v4;
	[tilespmem:v3+s23+$0x0] =	vst.idx.msk $0xffff, v7  }
0x55: {  	v3 =	vshll.u32 v12, $0x3;
	v4 =	vshll.u32 v12, $0x4;
	v7 =	vor.u32 v0, v2;
	[tilespmem:v5+s23+$0x0] =	vst.idx.msk $0xffff, v11  }
0x56: {  	s8 =	sadd.s32 $0x7, s16;
	v2 =	vand.u32 $0x7F, v12;
	v3 =	vand.u32 $0xC00, v3;
	v4 =	vor.u32 v0, v4;
	[tilespmem:v6+s23+$0x0] =	vst.idx.msk $0xffff, v10  }
0x57: {  	v5 =	vadd.s32 s8, v0;
	v3 =	vor.u32 v3, v2;
	v2 =	vand.u32 $0x1FFF, v4;
	[tilespmem:v9+s23+$0x0] =	vst.idx.msk $0xffff, v13  }
0x58: {  	v6 =	vshll.u32 v5, $0x3;
	v4 =	vor.u32 v1, v3;
	v3 =	vand.u32 $0x1FF, v5;
	[tilespmem:v8+s23+$0x0] =	vst.idx.msk $0xffff, v14  }
0x59: {  	s8 =	sadd.s32 $0x6, s16;
	v6 =	vand.u32 $0xC00, v6;
	v8 =	vand.u32 $0x7F, v5;
	v3 =	vshll.u32 v3, $0x4;
	[tilespmem:v17+s23+$0x0] =	vst.idx.msk $0xffff, v15  }
0x5a: {  	s31 =	sadd.s32 $0x5, s16;
	v5 =	vadd.s32 s8, v0;
	v8 =	vor.u32 v6, v8;
	v3 =	vor.u32 v0, v3;
	[tilespmem:v7+s23+$0x0] =	vst.idx.msk $0xffff, v16  }
0x5b: {  	v6 =	vadd.s32 s31, v0;
	v9 =	vshll.u32 v5, $0x3;
	v7 =	vor.u32 v1, v8  }
0x5c: {  	v10 =	vand.u32 $0x7F, v5;
	v8 =	vshll.u32 v6, $0x3;
	v9 =	vand.u32 $0xC00, v9  }
0x5d: {  	s8 =	sadd.s32 $0x4, s16;
	v11 =	vand.u32 $0x7F, v6;
	v8 =	vand.u32 $0xC00, v8;
	v10 =	vor.u32 v9, v10  }
.Ltmp4:
0x5e: {  	s31 =	sadd.s32 $0x3, s16;
	v9 =	vadd.s32 s8, v0;
	v12 =	vor.u32 v8, v11;
	v11 =	vor.u32 v1, v10;
	(pc) =	sbr.rel @p2 .LBB2_3-.Ltmp4, $4  }
0x5f: {  	v8 =	vadd.s32 s31, v0;
	v13 =	vshll.u32 v9, $0x3;
	v10 =	vor.u32 v1, v12  }
0x60: {  	v14 =	vand.u32 $0x7F, v9;
	v12 =	vshll.u32 v8, $0x3;
	v13 =	vand.u32 $0xC00, v13  }
0x61: {  	s31 =	sadd.s32 $0x2, s16;
	v15 =	vand.u32 $0x7F, v8;
	v16 =	vand.u32 $0xC00, v12;
	v13 =	vor.u32 v13, v14  }
0x62: {  	s8 =	sadd.s32 $0x1, s16;
	s16 =	sadd.s32 $0x8, s16;
	v12 =	vadd.s32 s31, v0;
	v14 =	vor.u32 v16, v15;
	v13 =	vor.u32 v1, v13  }
0x63: {  	_ = 	snop  }
0x64: {  	v15 =	vadd.s32 s8, v0;
	v16 =	vshll.u32 v12, $0x3;
	v14 =	vor.u32 v1, v14  }
0x65: {  	v18 =	vand.u32 $0x7F, v12;
	v5 =	vand.u32 $0x1FF, v5;
	v6 =	vand.u32 $0x1FF, v6  }
0x66: {  	v9 =	vand.u32 $0x1FF, v9;
	v17 =	vshll.u32 v15, $0x3;
	v16 =	vand.u32 $0xC00, v16  }
0x67: {  	s8 =	sadd.s32 s12, s10;
	v4 =	vld.idx.msk [tilespmem:v4+s4+$0x0], $0xffff;
	v19 =	vand.u32 $0x7F, v15;
	v17 =	vand.u32 $0xC00, v17;
	v16 =	vor.u32 v16, v18  }
0x68: {  	v7 =	vld.idx.msk [tilespmem:v7+s4+$0x0], $0xffff;
	p2 =	sgt.u32 s8, $0x13CD;
	v5 =	vshll.u32 v5, $0x4;
	v17 =	vor.u32 v17, v19;
	v16 =	vor.u32 v1, v16  }
0x69: {  	v11 =	vld.idx.msk [tilespmem:v11+s4+$0x0], $0xffff;
	v6 =	vshll.u32 v6, $0x4;
	s16 =	smul.u32 @!p2 $0xA80B, s8;
	v5 =	vor.u32 v0, v5;
	v17 =	vor.u32 v1, v17  }
0x6a: {  	s31 =	sand.u32 $0xFFFF, s11;
	v10 =	vld.idx.msk [tilespmem:v10+s4+$0x0], $0xffff;
	v8 =	vand.u32 $0x1FF, v8;
	v9 =	vshll.u32 v9, $0x4;
	v6 =	vor.u32 v0, v6  }
0x6b: {  	v13 =	vld.idx.msk [tilespmem:v13+s4+$0x0], $0xffff;
	v12 =	vand.u32 $0x1FF, v12;
	s31 =	smul.u32 $0xA80B, s31;
	v8 =	vshll.u32 v8, $0x4;
	v9 =	vor.u32 v0, v9;
	s16 =	sshrl.u32 @!p2 s16, $0x17  }
0x6c: {  	v8 =	vor.u32 v0, v8;
	s2 =	smul.u32 @!p2 $0xC3, s16;
	v14 =	vld.idx.msk [tilespmem:v14+s4+$0x0], $0xffff;
	[tilespmem:v2+s23+$0x0] =	vst.idx.msk $0xffff, v4;
	v2 =	vand.u32 $0x1FF, v15;
	v4 =	vshll.u32 v12, $0x4  }
0x6d: {  	s31 =	sshrl.u32 s31, $0x17;
	[tilespmem:v3+s23+$0x0] =	vst.idx.msk $0xffff, v7;
	v2 =	vshll.u32 v2, $0x4;
	v4 =	vor.u32 v0, v4;
	v12 =	vld.idx.msk [tilespmem:v16+s4+$0x0], $0xffff  }
0x6e: {  	s0 =	smul.u32 $0xC3, s31;
	s2 =	ssub.s32 @!p2 s8, s2;
	v2 =	vor.u32 v0, v2;
	[tilespmem:v5+s23+$0x0] =	vst.idx.msk $0xffff, v11;
	v3 =	vld.idx.msk [tilespmem:v17+s4+$0x0], $0xffff  }
0x6f: {  	s6 =	simm.s32 $0x0;
	s8 =	smul.u32 @!p2 $0x187000, s16;
	[tilespmem:v6+s23+$0x0] =	vst.idx.msk $0xffff, v10;
	s2 =	sand.u32 @!p2 $0xFFFF, s2  }
0x70: {  	s0 =	ssub.s32 s11, s0;
	[tilespmem:v9+s23+$0x0] =	vst.idx.msk $0xffff, v13;
	v5 =	vadd.s32 s6, v0;
	s2 =	sshll.u32 @!p2 s2, $0xC  }
0x71: {  	s31 =	smul.u32 $0x30D40, s31;
	s0 =	sand.u32 $0xFFFF, s0;
	v6 =	vshll.u32 v5, $0x3;
	v7 =	vshll.u32 v5, $0x4;
	s2 =	sadd.s32 @!p2 s2, s8;
	[tilespmem:v8+s23+$0x0] =	vst.idx.msk $0xffff, v14  }
0x72: {  	s16 =	simm.s32 $0x7;
	s6 =	simm.s32 @!p2 $0xC3800;
	s2 =	sshrl.u32 @!p2 s2, $0x3;
	[tilespmem:v4+s23+$0x0] =	vst.idx.msk $0xffff, v12;
	v4 =	vand.u32 $0x7F, v5;
	v5 =	vand.u32 $0xC00, v6;
	v6 =	vor.u32 v0, v7  }
0x73: {  	s8 =	simm.s32 @!p2 $0x1000;
	s2 =	sadd.s32 @!p2 s1, s2;
	[tilespmem:v2+s23+$0x0] =	vst.idx.msk $0xffff, v3;
	v3 =	vadd.s32 s16, v0;
	s16 =	simm.s32 @!p2 $0x0;
	v4 =	vor.u32 v5, v4;
	v2 =	vand.u32 $0x1FFF, v6  }
0x74: {  	[tilespmem:s16], [sflag:$0x1] =	stream.strided.gather @!p2 [hbm4b:s2+s8], $0x2000, s6, s8, $0x38;
	v4 =	vor.u32 v1, v4;
	v5 =	vand.u32 $0x1FF, v3;
	v6 =	vshll.u32 v3, $0x3;
	[tilespmem:$0x10A00] =	vst v63  }
0x75: {  	s0 =	sshll.u32 s0, $0xA;
	s8 =	sadd.s32 s5, s31;
	s16 =	simm.s32 $0x6;
	v3 =	vand.u32 $0x7F, v3;
	v6 =	vand.u32 $0xC00, v6;
	v7 =	vshll.u32 v5, $0x4  }
0x76: {  	s31 =	simm.s32 $0x5;
	s0 =	sadd.s32 s0, s8;
	v5 =	vadd.s32 s16, v0;
	v8 =	vor.u32 v6, v3;
	v3 =	vor.u32 v0, v7  }
0x77: {  	[hbm4b:s0+s4] =	stream.linear.scatter [tilespmem:s23], [sflag:$0x5], $0x2000, $0x38;
	v6 =	vadd.s32 s31, v0;
	v9 =	vshll.u32 v5, $0x3;
	v10 =	vand.u32 $0x7F, v5;
	[tilespmem:$0x10A00] =	vst v63  }
0x78: {  	s0 =	simm.s32 @!p1 $0x6;
	v7 =	vor.u32 v1, v8;
	v8 =	vshll.u32 v6, $0x3;
	v9 =	vand.u32 $0xC00, v9  }
0x79: {  	s8 =	simm.s32 $0x4;
	_ =	swait.ge @!p1 [sflag:s0], $0x2000;
	v11 =	vand.u32 $0x7F, v6;
	v8 =	vand.u32 $0xC00, v8;
	v10 =	vor.u32 v9, v10  }
0x7a: {  	s16 =	simm.s32 $0x3;
	[sflag:s0] =	ssyncset.done @!p1 $0x0;
	v9 =	vadd.s32 s8, v0;
	v11 =	vor.u32 v8, v11;
	v10 =	vor.u32 v1, v10  }
0x7b: {  	[sflag:s0] =	ssyncadd.s32 @!p1 $0xFFFFE000;
	v8 =	vadd.s32 s16, v0;
	v12 =	vshll.u32 v9, $0x3;
	v14 =	vand.u32 $0x7F, v9  }
0x7c: {  	v11 =	vor.u32 v1, v11;
	_ =	swait.ge [sflag:s24], $0x2000;
	v13 =	vshll.u32 v8, $0x3;
	v12 =	vand.u32 $0xC00, v12  }
0x7d: {  	s31 =	simm.s32 $0x2;
	v15 =	vand.u32 $0x7F, v8;
	[sflag:s24] =	ssyncset.done $0x0;
	v13 =	vand.u32 $0xC00, v13;
	v63 =	vor.u32 v12, v14  }
0x7e: {  	s8 =	simm.s32 $0x1;
	s16 =	simm.s32 $0x8;
	v12 =	vadd.s32 s31, v0;
	[sflag:s24] =	ssyncadd.s32 $0xFFFFE000;
	v14 =	vor.u32 v13, v15;
	v13 =	vor.u32 v1, v63  }
.LBB2_5:
0x7f: {  	p2 =	slt.u32 s16, $0x1F8;
	v15 =	vadd.s32 s8, v0;
	v16 =	vshll.u32 v12, $0x3;
	v14 =	vor.u32 v1, v14  }
0x80: {  	v18 =	vand.u32 $0x7F, v12;
	v17 =	vshll.u32 v15, $0x3;
	v16 =	vand.u32 $0xC00, v16  }
0x81: {  	v19 =	vand.u32 $0x7F, v15;
	v4 =	vld.idx.msk [tilespmem:v4+s19+$0x0], $0xffff;
	v17 =	vand.u32 $0xC00, v17;
	v16 =	vor.u32 v16, v18  }
0x82: {  	v5 =	vand.u32 $0x1FF, v5;
	v17 =	vor.u32 v17, v19;
	v16 =	vor.u32 v1, v16;
	v7 =	vld.idx.msk [tilespmem:v7+s19+$0x0], $0xffff  }
0x83: {  	v6 =	vand.u32 $0x1FF, v6;
	v5 =	vshll.u32 v5, $0x4;
	v17 =	vor.u32 v1, v17;
	v10 =	vld.idx.msk [tilespmem:v10+s19+$0x0], $0xffff  }
0x84: {  	v9 =	vand.u32 $0x1FF, v9;
	v6 =	vshll.u32 v6, $0x4;
	v5 =	vor.u32 v0, v5;
	v11 =	vld.idx.msk [tilespmem:v11+s19+$0x0], $0xffff  }
0x85: {  	v8 =	vand.u32 $0x1FF, v8;
	v9 =	vshll.u32 v9, $0x4;
	v6 =	vor.u32 v0, v6;
	v13 =	vld.idx.msk [tilespmem:v13+s19+$0x0], $0xffff  }
0x86: {  	v12 =	vand.u32 $0x1FF, v12;
	v8 =	vshll.u32 v8, $0x4;
	v9 =	vor.u32 v0, v9;
	v14 =	vld.idx.msk [tilespmem:v14+s19+$0x0], $0xffff  }
0x87: {  	v8 =	vor.u32 v0, v8;
	[tilespmem:v2+s25+$0x0] =	vst.idx.msk $0xffff, v4;
	v2 =	vand.u32 $0x1FF, v15;
	v15 =	vld.idx.msk [tilespmem:v16+s19+$0x0], $0xffff;
	v4 =	vshll.u32 v12, $0x4  }
0x88: {  	v12 =	vadd.s32 s16, v0;
	v16 =	vld.idx.msk [tilespmem:v17+s19+$0x0], $0xffff;
	v2 =	vshll.u32 v2, $0x4;
	v17 =	vor.u32 v0, v4;
	[tilespmem:v3+s25+$0x0] =	vst.idx.msk $0xffff, v7  }
0x89: {  	v3 =	vshll.u32 v12, $0x3;
	v4 =	vshll.u32 v12, $0x4;
	v7 =	vor.u32 v0, v2;
	[tilespmem:v5+s25+$0x0] =	vst.idx.msk $0xffff, v10  }
0x8a: {  	s0 =	sadd.s32 $0x7, s16;
	v2 =	vand.u32 $0x7F, v12;
	v3 =	vand.u32 $0xC00, v3;
	v4 =	vor.u32 v0, v4;
	[tilespmem:v6+s25+$0x0] =	vst.idx.msk $0xffff, v11  }
0x8b: {  	v5 =	vadd.s32 s0, v0;
	v3 =	vor.u32 v3, v2;
	v2 =	vand.u32 $0x1FFF, v4;
	[tilespmem:v9+s25+$0x0] =	vst.idx.msk $0xffff, v13  }
0x8c: {  	v6 =	vshll.u32 v5, $0x3;
	v4 =	vor.u32 v1, v3;
	v3 =	vand.u32 $0x1FF, v5;
	[tilespmem:v8+s25+$0x0] =	vst.idx.msk $0xffff, v14  }
0x8d: {  	s0 =	sadd.s32 $0x6, s16;
	v6 =	vand.u32 $0xC00, v6;
	v8 =	vand.u32 $0x7F, v5;
	v3 =	vshll.u32 v3, $0x4;
	[tilespmem:v17+s25+$0x0] =	vst.idx.msk $0xffff, v15  }
0x8e: {  	s2 =	sadd.s32 $0x5, s16;
	v5 =	vadd.s32 s0, v0;
	v8 =	vor.u32 v6, v8;
	v3 =	vor.u32 v0, v3;
	[tilespmem:v7+s25+$0x0] =	vst.idx.msk $0xffff, v16  }
0x8f: {  	v6 =	vadd.s32 s2, v0;
	v9 =	vshll.u32 v5, $0x3;
	v7 =	vor.u32 v1, v8  }
0x90: {  	v10 =	vand.u32 $0x7F, v5;
	v8 =	vshll.u32 v6, $0x3;
	v9 =	vand.u32 $0xC00, v9  }
0x91: {  	s0 =	sadd.s32 $0x4, s16;
	v11 =	vand.u32 $0x7F, v6;
	v8 =	vand.u32 $0xC00, v8;
	v10 =	vor.u32 v9, v10  }
.Ltmp5:
0x92: {  	s2 =	sadd.s32 $0x3, s16;
	v9 =	vadd.s32 s0, v0;
	v11 =	vor.u32 v8, v11;
	v10 =	vor.u32 v1, v10;
	(pc) =	sbr.rel @p2 .LBB2_5-.Ltmp5, $4  }
0x93: {  	v8 =	vadd.s32 s2, v0;
	v12 =	vshll.u32 v9, $0x3;
	v11 =	vor.u32 v1, v11  }
0x94: {  	v14 =	vand.u32 $0x7F, v9;
	v13 =	vshll.u32 v8, $0x3;
	v12 =	vand.u32 $0xC00, v12  }
0x95: {  	s0 =	sadd.s32 $0x2, s16;
	v15 =	vand.u32 $0x7F, v8;
	v13 =	vand.u32 $0xC00, v13;
	v16 =	vor.u32 v12, v14  }
0x96: {  	s8 =	sadd.s32 $0x1, s16;
	s16 =	sadd.s32 $0x8, s16;
	v12 =	vadd.s32 s0, v0;
	v14 =	vor.u32 v13, v15;
	v13 =	vor.u32 v1, v16  }
0x97: {  	_ = 	snop  }
0x98: {  	v15 =	vadd.s32 s8, v0;
	v16 =	vshll.u32 v12, $0x3;
	v14 =	vor.u32 v1, v14  }
0x99: {  	v18 =	vand.u32 $0x7F, v12;
	v5 =	vand.u32 $0x1FF, v5;
	v6 =	vand.u32 $0x1FF, v6  }
0x9a: {  	v9 =	vand.u32 $0x1FF, v9;
	v17 =	vshll.u32 v15, $0x3;
	v16 =	vand.u32 $0xC00, v16  }
0x9b: {  	s0 =	sadd.s32 s13, s10;
	v4 =	vld.idx.msk [tilespmem:v4+s19+$0x0], $0xffff;
	v19 =	vand.u32 $0x7F, v15;
	v17 =	vand.u32 $0xC00, v17;
	v16 =	vor.u32 v16, v18  }
0x9c: {  	v7 =	vld.idx.msk [tilespmem:v7+s19+$0x0], $0xffff;
	p2 =	sgt.u32 s0, $0x13CD;
	v5 =	vshll.u32 v5, $0x4;
	v17 =	vor.u32 v17, v19;
	v16 =	vor.u32 v1, v16  }
0x9d: {  	v10 =	vld.idx.msk [tilespmem:v10+s19+$0x0], $0xffff;
	s6 =	sor.u32 $0x20, s11;
	v6 =	vshll.u32 v6, $0x4;
	s2 =	smul.u32 @!p2 $0xA80B, s0;
	v5 =	vor.u32 v0, v5;
	v17 =	vor.u32 v1, v17  }
0x9e: {  	v11 =	vld.idx.msk [tilespmem:v11+s19+$0x0], $0xffff;
	v8 =	vand.u32 $0x1FF, v8;
	v9 =	vshll.u32 v9, $0x4;
	s31 =	sand.u32 $0xFFFF, s6;
	v6 =	vor.u32 v0, v6  }
0x9f: {  	v13 =	vld.idx.msk [tilespmem:v13+s19+$0x0], $0xffff;
	v61 =	vand.u32 $0x1FF, v12;
	v8 =	vshll.u32 v8, $0x4;
	v9 =	vor.u32 v0, v9;
	s8 =	smul.u32 $0xA80B, s31;
	s2 =	sshrl.u32 @!p2 s2, $0x17  }
0xa0: {  	v62 =	vshll.u32 v61, $0x4;
	v8 =	vor.u32 v0, v8;
	s16 =	smul.u32 @!p2 $0xC3, s2;
	v14 =	vld.idx.msk [tilespmem:v14+s19+$0x0], $0xffff;
	[tilespmem:v2+s25+$0x0] =	vst.idx.msk $0xffff, v4;
	v2 =	vand.u32 $0x1FF, v15  }
0xa1: {  	v4 =	vor.u32 v0, v62;
	[tilespmem:v3+s25+$0x0] =	vst.idx.msk $0xffff, v7;
	v2 =	vshll.u32 v2, $0x4;
	v63 =	vld.idx.msk [tilespmem:v16+s19+$0x0], $0xffff  }
0xa2: {  	s8 =	sshrl.u32 s8, $0x17;
	s2 =	smul.u32 @!p2 $0x187000, s2;
	s0 =	ssub.s32 @!p2 s0, s16;
	v2 =	vor.u32 v0, v2;
	[tilespmem:v5+s25+$0x0] =	vst.idx.msk $0xffff, v10;
	v3 =	vld.idx.msk [tilespmem:v17+s19+$0x0], $0xffff  }
0xa3: {  	s31 =	smul.u32 $0xC3, s8;
	[tilespmem:v6+s25+$0x0] =	vst.idx.msk $0xffff, v11;
	s0 =	sand.u32 @!p2 $0xFFFF, s0  }
0xa4: {  	[tilespmem:v9+s25+$0x0] =	vst.idx.msk $0xffff, v13;
	s0 =	sshll.u32 @!p2 s0, $0xC  }
0xa5: {  	s8 =	smul.u32 $0x30D40, s8;
	s6 =	ssub.s32 s6, s31;
	s0 =	sadd.s32 @!p2 s0, s2;
	[tilespmem:v8+s25+$0x0] =	vst.idx.msk $0xffff, v14  }
0xa6: {  	s16 =	simm.s32 @!p2 $0xC3800;
	s31 =	simm.s32 @!p2 $0x2000;
	s0 =	sshrl.u32 @!p2 s0, $0x3;
	[tilespmem:v4+s25+$0x0] =	vst.idx.msk $0xffff, v63  }
0xa7: {  	s2 =	sand.u32 $0xFFFF, s6;
	s6 =	simm.s32 @!p2 $0x1000;
	s0 =	sadd.s32 @!p2 s1, s0;
	[tilespmem:v2+s25+$0x0] =	vst.idx.msk $0xffff, v3  }
0xa8: {  	[tilespmem:s31], [sflag:$0x2] =	stream.strided.gather @!p2 [hbm4b:s0+s6], $0x2000, s16, s6, $0x38;
	[tilespmem:$0x10A00] =	vst v63  }
0xa9: {  	s16 =	sshll.u32 s2, $0xA;
	s31 =	sadd.s32 s5, s8  }
0xaa: {  	s0 =	sadd.s32 s16, s31;
	s16 =	sor.u32 $0x40, s11  }
0xab: {  	p2 =	sgt.u32 s16, $0x13CD  }
.Ltmp6:
0xac: {  	_ = 	snop;
	(pc) =	sbr.rel @p2 .LBB2_10-.Ltmp6, $2  }
0xad: {  	_ =	sdelay $0x2  }
0xae: {  	[hbm4b:s0+s4] =	stream.linear.scatter [tilespmem:s25], [sflag:$0x6], $0x2000, $0x38;
	[tilespmem:$0x10A00] =	vst v63  }
0xaf: {  	s0 =	simm.s32 $0x0  }
0xb0: {  	s2 =	simm.s32 $0x7;
	v2 =	vadd.s32 s0, v0  }
0xb1: {  	v5 =	vadd.s32 s2, v0;
	v3 =	vshll.u32 v2, $0x3  }
0xb2: {  	v4 =	vshll.u32 v2, $0x4;
	v2 =	vand.u32 $0x7F, v2;
	v6 =	vshll.u32 v5, $0x3  }
0xb3: {  	v7 =	vand.u32 $0x7F, v5;
	v3 =	vand.u32 $0xC00, v3;
	v4 =	vor.u32 v0, v4  }
0xb4: {  	s2 =	simm.s32 $0x5;
	v6 =	vand.u32 $0xC00, v6;
	v3 =	vor.u32 v3, v2;
	v2 =	vand.u32 $0x1FFF, v4  }
0xb5: {  	s6 =	simm.s32 $0x6;
	v7 =	vor.u32 v6, v7;
	v6 =	vadd.s32 s2, v0;
	v4 =	vor.u32 v1, v3  }
0xb6: {  	v3 =	vand.u32 $0x1FF, v5;
	v5 =	vadd.s32 s6, v0;
	v7 =	vor.u32 v1, v7  }
0xb7: {  	v9 =	vshll.u32 v6, $0x3;
	v11 =	vand.u32 $0x7F, v6;
	v3 =	vshll.u32 v3, $0x4  }
0xb8: {  	s0 =	simm.s32 @!p1 $0x7;
	v8 =	vshll.u32 v5, $0x3;
	v10 =	vand.u32 $0x7F, v5;
	v9 =	vand.u32 $0xC00, v9  }
0xb9: {  	s8 =	simm.s32 $0x4;
	_ =	swait.ge @!p1 [sflag:s0], $0x2000;
	s6 =	simm.s32 $0x3;
	v3 =	vor.u32 v0, v3;
	v8 =	vand.u32 $0xC00, v8;
	v11 =	vor.u32 v9, v11  }
0xba: {  	[sflag:s0] =	ssyncset.done @!p1 $0x0;
	v9 =	vadd.s32 s6, v0;
	v10 =	vor.u32 v8, v10;
	v8 =	vadd.s32 s8, v0  }
0xbb: {  	[sflag:s0] =	ssyncadd.s32 @!p1 $0xFFFFE000;
	v11 =	vor.u32 v1, v11;
	v13 =	vshll.u32 v9, $0x3;
	v12 =	vshll.u32 v8, $0x3  }
0xbc: {  	_ =	swait.ge [sflag:s26], $0x2000;
	v15 =	vand.u32 $0x7F, v9;
	v14 =	vand.u32 $0x7F, v8;
	v12 =	vand.u32 $0xC00, v12  }
0xbd: {  	[sflag:s26] =	ssyncset.done $0x0;
	s8 =	simm.s32 $0x2;
	v10 =	vor.u32 v1, v10;
	v13 =	vand.u32 $0xC00, v13;
	v16 =	vor.u32 v12, v14  }
0xbe: {  	s31 =	simm.s32 $0x1;
	[sflag:s26] =	ssyncadd.s32 $0xFFFFE000;
	v12 =	vadd.s32 s8, v0;
	v14 =	vor.u32 v13, v15;
	s8 =	simm.s32 $0x8;
	v13 =	vor.u32 v1, v16  }
.LBB2_8:
0xbf: {  	p2 =	slt.u32 s8, $0x1F8;
	v15 =	vadd.s32 s31, v0;
	v16 =	vshll.u32 v12, $0x3;
	v14 =	vor.u32 v1, v14  }
0xc0: {  	v18 =	vand.u32 $0x7F, v12;
	v17 =	vshll.u32 v15, $0x3;
	v16 =	vand.u32 $0xC00, v16  }
0xc1: {  	v19 =	vand.u32 $0x7F, v15;
	v4 =	vld.idx.msk [tilespmem:v4+s20+$0x0], $0xffff;
	v17 =	vand.u32 $0xC00, v17;
	v16 =	vor.u32 v16, v18  }
0xc2: {  	v5 =	vand.u32 $0x1FF, v5;
	v17 =	vor.u32 v17, v19;
	v16 =	vor.u32 v1, v16;
	v7 =	vld.idx.msk [tilespmem:v7+s20+$0x0], $0xffff  }
0xc3: {  	v6 =	vand.u32 $0x1FF, v6;
	v5 =	vshll.u32 v5, $0x4;
	v17 =	vor.u32 v1, v17;
	v10 =	vld.idx.msk [tilespmem:v10+s20+$0x0], $0xffff  }
0xc4: {  	v8 =	vand.u32 $0x1FF, v8;
	v6 =	vshll.u32 v6, $0x4;
	v5 =	vor.u32 v0, v5;
	v11 =	vld.idx.msk [tilespmem:v11+s20+$0x0], $0xffff  }
0xc5: {  	v9 =	vand.u32 $0x1FF, v9;
	v8 =	vshll.u32 v8, $0x4;
	v6 =	vor.u32 v0, v6;
	v13 =	vld.idx.msk [tilespmem:v13+s20+$0x0], $0xffff  }
0xc6: {  	v12 =	vand.u32 $0x1FF, v12;
	v9 =	vshll.u32 v9, $0x4;
	v8 =	vor.u32 v0, v8;
	v14 =	vld.idx.msk [tilespmem:v14+s20+$0x0], $0xffff  }
0xc7: {  	v9 =	vor.u32 v0, v9;
	[tilespmem:v2+s28+$0x0] =	vst.idx.msk $0xffff, v4;
	v2 =	vand.u32 $0x1FF, v15;
	v15 =	vld.idx.msk [tilespmem:v16+s20+$0x0], $0xffff;
	v4 =	vshll.u32 v12, $0x4  }
0xc8: {  	v12 =	vadd.s32 s8, v0;
	v16 =	vld.idx.msk [tilespmem:v17+s20+$0x0], $0xffff;
	v2 =	vshll.u32 v2, $0x4;
	v17 =	vor.u32 v0, v4;
	[tilespmem:v3+s28+$0x0] =	vst.idx.msk $0xffff, v7  }
0xc9: {  	v3 =	vshll.u32 v12, $0x3;
	v4 =	vshll.u32 v12, $0x4;
	v7 =	vor.u32 v0, v2;
	[tilespmem:v5+s28+$0x0] =	vst.idx.msk $0xffff, v10  }
0xca: {  	s0 =	sadd.s32 $0x7, s8;
	v2 =	vand.u32 $0x7F, v12;
	v3 =	vand.u32 $0xC00, v3;
	v4 =	vor.u32 v0, v4;
	[tilespmem:v6+s28+$0x0] =	vst.idx.msk $0xffff, v11  }
0xcb: {  	v5 =	vadd.s32 s0, v0;
	v3 =	vor.u32 v3, v2;
	v2 =	vand.u32 $0x1FFF, v4;
	[tilespmem:v8+s28+$0x0] =	vst.idx.msk $0xffff, v13  }
0xcc: {  	v6 =	vshll.u32 v5, $0x3;
	v4 =	vor.u32 v1, v3;
	v3 =	vand.u32 $0x1FF, v5;
	[tilespmem:v9+s28+$0x0] =	vst.idx.msk $0xffff, v14  }
0xcd: {  	s0 =	sadd.s32 $0x6, s8;
	v8 =	vand.u32 $0x7F, v5;
	v6 =	vand.u32 $0xC00, v6;
	v3 =	vshll.u32 v3, $0x4;
	[tilespmem:v17+s28+$0x0] =	vst.idx.msk $0xffff, v15  }
0xce: {  	s2 =	sadd.s32 $0x5, s8;
	v5 =	vadd.s32 s0, v0;
	v8 =	vor.u32 v6, v8;
	v3 =	vor.u32 v0, v3;
	[tilespmem:v7+s28+$0x0] =	vst.idx.msk $0xffff, v16  }
0xcf: {  	v6 =	vadd.s32 s2, v0;
	v9 =	vshll.u32 v5, $0x3;
	v7 =	vor.u32 v1, v8  }
0xd0: {  	v10 =	vand.u32 $0x7F, v5;
	v9 =	vand.u32 $0xC00, v9;
	v8 =	vshll.u32 v6, $0x3  }
0xd1: {  	s0 =	sadd.s32 $0x4, s8;
	v11 =	vand.u32 $0x7F, v6;
	v9 =	vor.u32 v9, v10;
	v12 =	vand.u32 $0xC00, v8  }
.Ltmp7:
0xd2: {  	s2 =	sadd.s32 $0x3, s8;
	v8 =	vadd.s32 s0, v0;
	v10 =	vor.u32 v1, v9;
	v11 =	vor.u32 v12, v11;
	(pc) =	sbr.rel @p2 .LBB2_8-.Ltmp7, $4  }
0xd3: {  	v9 =	vadd.s32 s2, v0;
	v12 =	vshll.u32 v8, $0x3;
	v11 =	vor.u32 v1, v11  }
0xd4: {  	v13 =	vshll.u32 v9, $0x3;
	v14 =	vand.u32 $0x7F, v8;
	v12 =	vand.u32 $0xC00, v12  }
0xd5: {  	s0 =	sadd.s32 $0x2, s8;
	v15 =	vand.u32 $0x7F, v9;
	v13 =	vand.u32 $0xC00, v13;
	v16 =	vor.u32 v12, v14  }
0xd6: {  	s31 =	sadd.s32 $0x1, s8;
	s8 =	sadd.s32 $0x8, s8;
	v12 =	vadd.s32 s0, v0;
	v14 =	vor.u32 v13, v15;
	v13 =	vor.u32 v1, v16  }
0xd7: {  	_ = 	snop  }
0xd8: {  	v15 =	vadd.s32 s31, v0;
	v16 =	vshll.u32 v12, $0x3;
	v14 =	vor.u32 v1, v14  }
0xd9: {  	v18 =	vand.u32 $0x7F, v12;
	v5 =	vand.u32 $0x1FF, v5;
	v6 =	vand.u32 $0x1FF, v6  }
0xda: {  	v8 =	vand.u32 $0x1FF, v8;
	v17 =	vshll.u32 v15, $0x3;
	v16 =	vand.u32 $0xC00, v16  }
0xdb: {  	s0 =	sadd.s32 s14, s10;
	v4 =	vld.idx.msk [tilespmem:v4+s20+$0x0], $0xffff;
	v19 =	vand.u32 $0x7F, v15;
	v17 =	vand.u32 $0xC00, v17;
	v16 =	vor.u32 v16, v18  }
0xdc: {  	v7 =	vld.idx.msk [tilespmem:v7+s20+$0x0], $0xffff;
	p2 =	sgt.u32 s0, $0x13CD;
	v5 =	vshll.u32 v5, $0x4;
	v17 =	vor.u32 v17, v19;
	v16 =	vor.u32 v1, v16  }
0xdd: {  	v10 =	vld.idx.msk [tilespmem:v10+s20+$0x0], $0xffff;
	v6 =	vshll.u32 v6, $0x4;
	s2 =	smul.u32 @!p2 $0xA80B, s0;
	v5 =	vor.u32 v0, v5;
	v17 =	vor.u32 v1, v17  }
0xde: {  	v11 =	vld.idx.msk [tilespmem:v11+s20+$0x0], $0xffff;
	v9 =	vand.u32 $0x1FF, v9;
	v8 =	vshll.u32 v8, $0x4;
	v6 =	vor.u32 v0, v6  }
0xdf: {  	v13 =	vld.idx.msk [tilespmem:v13+s20+$0x0], $0xffff;
	v61 =	vand.u32 $0x1FF, v12;
	v9 =	vshll.u32 v9, $0x4;
	v8 =	vor.u32 v0, v8;
	s2 =	sshrl.u32 @!p2 s2, $0x17  }
0xe0: {  	v62 =	vshll.u32 v61, $0x4;
	v9 =	vor.u32 v0, v9;
	s6 =	smul.u32 @!p2 $0xC3, s2;
	v14 =	vld.idx.msk [tilespmem:v14+s20+$0x0], $0xffff;
	[tilespmem:v2+s28+$0x0] =	vst.idx.msk $0xffff, v4;
	v2 =	vand.u32 $0x1FF, v15  }
0xe1: {  	s8 =	smul.u32 $0xA80B, s16;
	v4 =	vor.u32 v0, v62;
	[tilespmem:v3+s28+$0x0] =	vst.idx.msk $0xffff, v7;
	v2 =	vshll.u32 v2, $0x4;
	v63 =	vld.idx.msk [tilespmem:v16+s20+$0x0], $0xffff  }
0xe2: {  	s0 =	ssub.s32 @!p2 s0, s6;
	v2 =	vor.u32 v0, v2;
	[tilespmem:v5+s28+$0x0] =	vst.idx.msk $0xffff, v10;
	v3 =	vld.idx.msk [tilespmem:v17+s20+$0x0], $0xffff  }
0xe3: {  	s2 =	smul.u32 @!p2 $0x187000, s2;
	s6 =	sshrl.u32 s8, $0x17;
	[tilespmem:v6+s28+$0x0] =	vst.idx.msk $0xffff, v11;
	s0 =	sand.u32 @!p2 $0xFFFF, s0  }
0xe4: {  	[tilespmem:v8+s28+$0x0] =	vst.idx.msk $0xffff, v13;
	s8 =	smul.u32 $0xC3, s6;
	s0 =	sshll.u32 @!p2 s0, $0xC  }
0xe5: {  	s31 =	simm.s32 @!p2 $0x4000;
	s6 =	smul.u32 $0x30D40, s6;
	s0 =	sadd.s32 @!p2 s0, s2;
	[tilespmem:v9+s28+$0x0] =	vst.idx.msk $0xffff, v14  }
0xe6: {  	s8 =	ssub.s32 s16, s8;
	s16 =	simm.s32 @!p2 $0xC3800;
	s0 =	sshrl.u32 @!p2 s0, $0x3;
	[tilespmem:v4+s28+$0x0] =	vst.idx.msk $0xffff, v63  }
0xe7: {  	s2 =	sand.u32 $0xFFFF, s8;
	s8 =	simm.s32 @!p2 $0x1000;
	s0 =	sadd.s32 @!p2 s1, s0;
	[tilespmem:v2+s28+$0x0] =	vst.idx.msk $0xffff, v3  }
0xe8: {  	[tilespmem:s31], [sflag:$0x3] =	stream.strided.gather @!p2 [hbm4b:s0+s8], $0x2000, s16, s8, $0x38;
	[tilespmem:$0x10A00] =	vst v63  }
0xe9: {  	s16 =	sshll.u32 s2, $0xA;
	s31 =	sadd.s32 s5, s6  }
0xea: {  	s0 =	sadd.s32 s16, s31  }
0xeb: {  	[hbm4b:s0+s4] =	stream.linear.scatter [tilespmem:s28], [sflag:$0x7], $0x2000, $0x38;
	[tilespmem:$0x10A00] =	vst v63  }
.LBB2_10:
0xec: {  	s11 =	sor.u32 $0x60, s11  }
0xed: {  	p2 =	sgt.u32 s11, $0x13CD  }
.Ltmp8:
0xee: {  	_ = 	snop;
	(pc) =	sbr.rel @p2 .LBB2_14-.Ltmp8, $1  }
0xef: {  	_ =	sdelay $0x3  }
0xf0: {  	s0 =	simm.s32 $0x0  }
0xf1: {  	s2 =	simm.s32 $0x7;
	v2 =	vadd.s32 s0, v0  }
0xf2: {  	v5 =	vadd.s32 s2, v0;
	v3 =	vshll.u32 v2, $0x3  }
0xf3: {  	v4 =	vshll.u32 v2, $0x4;
	v2 =	vand.u32 $0x7F, v2;
	v6 =	vshll.u32 v5, $0x3  }
0xf4: {  	v7 =	vand.u32 $0x7F, v5;
	v3 =	vand.u32 $0xC00, v3;
	v4 =	vor.u32 v0, v4  }
0xf5: {  	s2 =	simm.s32 $0x5;
	v6 =	vand.u32 $0xC00, v6;
	v3 =	vor.u32 v3, v2;
	v2 =	vand.u32 $0x1FFF, v4  }
0xf6: {  	s6 =	simm.s32 $0x6;
	v7 =	vor.u32 v6, v7;
	v6 =	vadd.s32 s2, v0;
	v4 =	vor.u32 v1, v3  }
0xf7: {  	v3 =	vand.u32 $0x1FF, v5;
	v5 =	vadd.s32 s6, v0;
	v7 =	vor.u32 v1, v7  }
0xf8: {  	v9 =	vshll.u32 v6, $0x3;
	v11 =	vand.u32 $0x7F, v6;
	v3 =	vshll.u32 v3, $0x4  }
0xf9: {  	s0 =	simm.s32 @!p1 $0x8;
	v8 =	vshll.u32 v5, $0x3;
	v10 =	vand.u32 $0x7F, v5;
	v9 =	vand.u32 $0xC00, v9  }
0xfa: {  	s8 =	simm.s32 $0x4;
	s16 =	simm.s32 $0x3;
	_ =	swait.ge @!p1 [sflag:s0], $0x2000;
	v3 =	vor.u32 v0, v3;
	v8 =	vand.u32 $0xC00, v8;
	v11 =	vor.u32 v9, v11  }
0xfb: {  	[sflag:s0] =	ssyncset.done @!p1 $0x0;
	v9 =	vadd.s32 s16, v0;
	v10 =	vor.u32 v8, v10;
	v8 =	vadd.s32 s8, v0  }
0xfc: {  	[sflag:s0] =	ssyncadd.s32 @!p1 $0xFFFFE000;
	v11 =	vor.u32 v1, v11;
	v13 =	vshll.u32 v9, $0x3;
	v12 =	vshll.u32 v8, $0x3  }
0xfd: {  	_ =	swait.ge [sflag:s29], $0x2000;
	v15 =	vand.u32 $0x7F, v9;
	v14 =	vand.u32 $0x7F, v8;
	v12 =	vand.u32 $0xC00, v12  }
0xfe: {  	s31 =	simm.s32 $0x2;
	[sflag:s29] =	ssyncset.done $0x0;
	v10 =	vor.u32 v1, v10;
	v13 =	vand.u32 $0xC00, v13;
	v16 =	vor.u32 v12, v14  }
0xff: {  	[sflag:s29] =	ssyncadd.s32 $0xFFFFE000;
	s16 =	simm.s32 $0x1;
	s8 =	simm.s32 $0x8;
	v12 =	vadd.s32 s31, v0;
	v14 =	vor.u32 v13, v15;
	v13 =	vor.u32 v1, v16  }
.LBB2_12:
0x100: {  	p1 =	slt.u32 s8, $0x1F8;
	v15 =	vadd.s32 s16, v0;
	v16 =	vshll.u32 v12, $0x3;
	v14 =	vor.u32 v1, v14  }
0x101: {  	v18 =	vand.u32 $0x7F, v12;
	v17 =	vshll.u32 v15, $0x3;
	v16 =	vand.u32 $0xC00, v16  }
0x102: {  	v19 =	vand.u32 $0x7F, v15;
	v4 =	vld.idx.msk [tilespmem:v4+s21+$0x0], $0xffff;
	v17 =	vand.u32 $0xC00, v17;
	v16 =	vor.u32 v16, v18  }
0x103: {  	v5 =	vand.u32 $0x1FF, v5;
	v17 =	vor.u32 v17, v19;
	v16 =	vor.u32 v1, v16;
	v7 =	vld.idx.msk [tilespmem:v7+s21+$0x0], $0xffff  }
0x104: {  	v6 =	vand.u32 $0x1FF, v6;
	v5 =	vshll.u32 v5, $0x4;
	v17 =	vor.u32 v1, v17;
	v10 =	vld.idx.msk [tilespmem:v10+s21+$0x0], $0xffff  }
0x105: {  	v8 =	vand.u32 $0x1FF, v8;
	v6 =	vshll.u32 v6, $0x4;
	v5 =	vor.u32 v0, v5;
	v11 =	vld.idx.msk [tilespmem:v11+s21+$0x0], $0xffff  }
0x106: {  	v9 =	vand.u32 $0x1FF, v9;
	v8 =	vshll.u32 v8, $0x4;
	v6 =	vor.u32 v0, v6;
	v13 =	vld.idx.msk [tilespmem:v13+s21+$0x0], $0xffff  }
0x107: {  	v12 =	vand.u32 $0x1FF, v12;
	v9 =	vshll.u32 v9, $0x4;
	v8 =	vor.u32 v0, v8;
	v14 =	vld.idx.msk [tilespmem:v14+s21+$0x0], $0xffff  }
0x108: {  	v9 =	vor.u32 v0, v9;
	[tilespmem:v2+s30+$0x0] =	vst.idx.msk $0xffff, v4;
	v2 =	vand.u32 $0x1FF, v15;
	v15 =	vld.idx.msk [tilespmem:v16+s21+$0x0], $0xffff;
	v4 =	vshll.u32 v12, $0x4  }
0x109: {  	v12 =	vadd.s32 s8, v0;
	v16 =	vld.idx.msk [tilespmem:v17+s21+$0x0], $0xffff;
	v2 =	vshll.u32 v2, $0x4;
	v17 =	vor.u32 v0, v4;
	[tilespmem:v3+s30+$0x0] =	vst.idx.msk $0xffff, v7  }
0x10a: {  	v3 =	vshll.u32 v12, $0x3;
	v4 =	vshll.u32 v12, $0x4;
	v7 =	vor.u32 v0, v2;
	[tilespmem:v5+s30+$0x0] =	vst.idx.msk $0xffff, v10  }
0x10b: {  	s0 =	sadd.s32 $0x7, s8;
	v2 =	vand.u32 $0x7F, v12;
	v3 =	vand.u32 $0xC00, v3;
	v4 =	vor.u32 v0, v4;
	[tilespmem:v6+s30+$0x0] =	vst.idx.msk $0xffff, v11  }
0x10c: {  	v5 =	vadd.s32 s0, v0;
	v3 =	vor.u32 v3, v2;
	v2 =	vand.u32 $0x1FFF, v4;
	[tilespmem:v8+s30+$0x0] =	vst.idx.msk $0xffff, v13  }
0x10d: {  	v6 =	vshll.u32 v5, $0x3;
	v4 =	vor.u32 v1, v3;
	v3 =	vand.u32 $0x1FF, v5;
	[tilespmem:v9+s30+$0x0] =	vst.idx.msk $0xffff, v14  }
0x10e: {  	s0 =	sadd.s32 $0x6, s8;
	v8 =	vand.u32 $0x7F, v5;
	v6 =	vand.u32 $0xC00, v6;
	v3 =	vshll.u32 v3, $0x4;
	[tilespmem:v17+s30+$0x0] =	vst.idx.msk $0xffff, v15  }
0x10f: {  	s2 =	sadd.s32 $0x5, s8;
	v5 =	vadd.s32 s0, v0;
	v8 =	vor.u32 v6, v8;
	v3 =	vor.u32 v0, v3;
	[tilespmem:v7+s30+$0x0] =	vst.idx.msk $0xffff, v16  }
0x110: {  	v6 =	vadd.s32 s2, v0;
	v9 =	vshll.u32 v5, $0x3;
	v7 =	vor.u32 v1, v8  }
0x111: {  	v10 =	vand.u32 $0x7F, v5;
	v9 =	vand.u32 $0xC00, v9;
	v8 =	vshll.u32 v6, $0x3  }
0x112: {  	s0 =	sadd.s32 $0x4, s8;
	v11 =	vand.u32 $0x7F, v6;
	v9 =	vor.u32 v9, v10;
	v12 =	vand.u32 $0xC00, v8  }
.Ltmp9:
0x113: {  	s2 =	sadd.s32 $0x3, s8;
	v8 =	vadd.s32 s0, v0;
	v10 =	vor.u32 v1, v9;
	v11 =	vor.u32 v12, v11;
	(pc) =	sbr.rel @p1 .LBB2_12-.Ltmp9, $4  }
0x114: {  	v9 =	vadd.s32 s2, v0;
	v12 =	vshll.u32 v8, $0x3;
	v11 =	vor.u32 v1, v11  }
0x115: {  	v13 =	vshll.u32 v9, $0x3;
	v14 =	vand.u32 $0x7F, v8;
	v12 =	vand.u32 $0xC00, v12  }
0x116: {  	s0 =	sadd.s32 $0x2, s8;
	v15 =	vand.u32 $0x7F, v9;
	v13 =	vand.u32 $0xC00, v13;
	v16 =	vor.u32 v12, v14  }
0x117: {  	s16 =	sadd.s32 $0x1, s8;
	s8 =	sadd.s32 $0x8, s8;
	v12 =	vadd.s32 s0, v0;
	v14 =	vor.u32 v13, v15;
	v13 =	vor.u32 v1, v16  }
0x118: {  	_ = 	snop  }
0x119: {  	v15 =	vadd.s32 s16, v0;
	v16 =	vshll.u32 v12, $0x3;
	v14 =	vor.u32 v1, v14  }
0x11a: {  	v18 =	vand.u32 $0x7F, v12;
	v5 =	vand.u32 $0x1FF, v5;
	v6 =	vand.u32 $0x1FF, v6  }
0x11b: {  	v8 =	vand.u32 $0x1FF, v8;
	v17 =	vshll.u32 v15, $0x3;
	v16 =	vand.u32 $0xC00, v16  }
0x11c: {  	s0 =	sadd.s32 s15, s10;
	v4 =	vld.idx.msk [tilespmem:v4+s21+$0x0], $0xffff;
	v19 =	vand.u32 $0x7F, v15;
	v17 =	vand.u32 $0xC00, v17;
	v16 =	vor.u32 v16, v18  }
0x11d: {  	v7 =	vld.idx.msk [tilespmem:v7+s21+$0x0], $0xffff;
	p1 =	sgt.u32 s0, $0x13CD;
	v5 =	vshll.u32 v5, $0x4;
	v17 =	vor.u32 v17, v19;
	v16 =	vor.u32 v1, v16  }
0x11e: {  	v10 =	vld.idx.msk [tilespmem:v10+s21+$0x0], $0xffff;
	v6 =	vshll.u32 v6, $0x4;
	s2 =	smul.u32 @!p1 $0xA80B, s0;
	v5 =	vor.u32 v0, v5;
	v17 =	vor.u32 v1, v17  }
0x11f: {  	v11 =	vld.idx.msk [tilespmem:v11+s21+$0x0], $0xffff;
	v9 =	vand.u32 $0x1FF, v9;
	s8 =	smul.u32 $0xA80B, s11;
	v8 =	vshll.u32 v8, $0x4;
	v6 =	vor.u32 v0, v6  }
0x120: {  	v13 =	vld.idx.msk [tilespmem:v13+s21+$0x0], $0xffff;
	v61 =	vand.u32 $0x1FF, v12;
	v9 =	vshll.u32 v9, $0x4;
	v8 =	vor.u32 v0, v8;
	s2 =	sshrl.u32 @!p1 s2, $0x17  }
0x121: {  	v62 =	vshll.u32 v61, $0x4;
	v9 =	vor.u32 v0, v9;
	s31 =	sshrl.u32 s8, $0x17;
	s6 =	smul.u32 @!p1 $0xC3, s2;
	v14 =	vld.idx.msk [tilespmem:v14+s21+$0x0], $0xffff;
	[tilespmem:v2+s30+$0x0] =	vst.idx.msk $0xffff, v4;
	v2 =	vand.u32 $0x1FF, v15  }
0x122: {  	s8 =	smul.u32 $0xC3, s31;
	v4 =	vor.u32 v0, v62;
	[tilespmem:v3+s30+$0x0] =	vst.idx.msk $0xffff, v7;
	v2 =	vshll.u32 v2, $0x4;
	v63 =	vld.idx.msk [tilespmem:v16+s21+$0x0], $0xffff  }
0x123: {  	s2 =	smul.u32 @!p1 $0x187000, s2;
	s0 =	ssub.s32 @!p1 s0, s6;
	v2 =	vor.u32 v0, v2;
	[tilespmem:v5+s30+$0x0] =	vst.idx.msk $0xffff, v10;
	v3 =	vld.idx.msk [tilespmem:v17+s21+$0x0], $0xffff  }
0x124: {  	[tilespmem:v6+s30+$0x0] =	vst.idx.msk $0xffff, v11;
	s6 =	smul.u32 $0x30D40, s31;
	s0 =	sand.u32 @!p1 $0xFFFF, s0  }
0x125: {  	s10 =	simm.s32 @!p1 $0xC3800;
	s11 =	ssub.s32 s11, s8;
	[tilespmem:v8+s30+$0x0] =	vst.idx.msk $0xffff, v13;
	s0 =	sshll.u32 @!p1 s0, $0xC  }
0x126: {  	s8 =	simm.s32 @!p1 $0x1000;
	s31 =	sadd.s32 s5, s6;
	s0 =	sadd.s32 @!p1 s0, s2;
	[tilespmem:v9+s30+$0x0] =	vst.idx.msk $0xffff, v14  }
.Ltmp10:
0x127: {  	s2 =	sand.u32 $0xFFFF, s11;
	s0 =	sshrl.u32 @!p1 s0, $0x3;
	[tilespmem:v4+s30+$0x0] =	vst.idx.msk $0xffff, v63;
	(pc) =	sbr.rel .LBB2_14-.Ltmp10, $4  }
0x128: {  	s11 =	simm.s32 @!p1 $0x6000;
	s16 =	sshll.u32 s2, $0xA;
	s0 =	sadd.s32 @!p1 s1, s0;
	[tilespmem:v2+s30+$0x0] =	vst.idx.msk $0xffff, v3  }
0x129: {  	[tilespmem:s11], [sflag:$0x4] =	stream.strided.gather @!p1 [hbm4b:s0+s8], $0x2000, s10, s8, $0x38;
	[tilespmem:$0x10A00] =	vst v63  }
0x12a: {  	s0 =	sadd.s32 s16, s31  }
0x12b: {  	[hbm4b:s0+s4] =	stream.linear.scatter [tilespmem:s30], [sflag:$0x8], $0x2000, $0x38;
	[tilespmem:$0x10A00] =	vst v63  }
.LBB2_16:
0x12c: {  	_ =	sfence.sel $0x180000  }
0x12d: {  	[bflag:$0x0] =	sbarrier.arrive $0xFFFF  }
0x12e: {  	_ =	strace $0x90000047  }
0x12f: {  	s0 =	stileid.u32;
	[bflag:$0x2] =	sbarrier.arrive $0xFFFF  }
0x130: {  	p0 =	sne.s32 s0, $0x0;
	s0 =	rddreg [dreg:$0x2]  }
0x131: {  	s0 =	sadd.s32 @!p0 $0x100000, s0  }
0x132: {  	[sflag:s0] =	ssyncadd.tile.s32 @!p0 $0x1;
	_ =	shalt  }
.Lfunc_end2:
_tile_overlayer_lowered:
.L_overlay_start_2:
0x133: {  	(tag) =	ssettag $0x2  }
0x134: {  	s0 =	rddreg [dreg:$0x0];
	s2 =	stileid.u32  }
0x135: {  	s1 =	rddreg [dreg:$0x1];
	p0 =	sne.s32 s2, $0x0  }
0x136: {  	s3 =	rddreg [dreg:$0x2];
	[bflag:$0x3] =	sbarrier.arrive $0xFFFF;
	s2 =	simm.s32 @!p0 $0x1C09  }
0x137: {  	[timem:s3], [sflag:s2] =	dma.local @!p0 [hbm:s0], s1  }
0x138: {  	s0 =	simm.s32 @!p0 $0x9  }
0x139: {  	_ =	swait.ge @!p0 [sflag:s0], s1  }
0x13a: {  	s1 =	ssub.s32 @!p0 $0x0, s1;
	[sflag:s0] =	ssyncset.done @!p0 $0x0  }
0x13b: {  	[sflag:s0] =	ssyncadd.s32 @!p0 s1  }
0x13c: {  	[bflag:$0x3] =	sbarrier.arrive $0xFFFF  }
0x13d: {  	_ =	shalt  }

// kernel: kernel.8.cloned.1.call-start
scs
__scs_entry_jumppad:
0x0: {  	(pc) =	sbr.rel $0x88, $3  }
0x1: {  	(tag) =	ssettag $0x0;
	lr =	simm.s32 $0x1  }
0x2: {  	[smem:$0x3F93] =	sst lr;
	_ =	strace $0xD0000000  }
0x3: {  	_ = 	snop  }
0x4: {  	_ = 	snop  }
0x5: {  	_ = 	snop  }
0x6: {  	_ = 	snop  }
0x7: {  	_ = 	snop  }
__scs_overlays_trampoline_lowered:
0x8: {  	[smem:$0x3FA2] =	sst s0  }
0x9: {  	[smem:$0x3FA3] =	sst s1  }
0xa: {  	[smem:$0x3FA4] =	sst s2  }
0xb: {  	[smem:$0x3FA5] =	sst s3  }
0xc: {  	[smem:$0x3FA6] =	sst s4  }
0xd: {  	[smem:$0x3FA7] =	sst s5  }
0xe: {  	[smem:$0x3FA8] =	sst s6  }
0xf: {  	[smem:$0x3FA9] =	sst s7  }
0x10: {  	[smem:$0x3FAA] =	sst s8  }
0x11: {  	[smem:$0x3FAB] =	sst s9;
	s0 =	simm.s32 @!p0 $0x0  }
0x12: {  	s1 =	sld [smem:$0x3F91];
	s0 =	simm.s32 @p0 $0x1  }
0x13: {  	[smem:$0x3FAC] =	sst s0;
	s0 =	simm.s32 @!p1 $0x0  }
0x14: {  	s2 =	sld [smem:$0x3F90];
	s0 =	simm.s32 @p1 $0x1  }
0x15: {  	[smem:$0x3FAD] =	sst s0;
	s0 =	simm.s32 @!p2 $0x0  }
0x16: {  	s3 =	sld [smem:$0x3FDB];
	s0 =	simm.s32 @p2 $0x1  }
0x17: {  	s4 =	simm.s32 $0x1BF5;
	[smem:$0x3FAF] =	sst s0  }
0x18: {  	s0 =	sld [smem:$0x3F92];
	_ =	swait.ge [sflag:s4], $0x0  }
0x19: {  	s7 =	sld [smem:$0x3F93]  }
0x1a: {  	s8 =	sadd.s32 $0xFFFFE003, lr  }
0x1b: {  	s9 =	sadd.s32 $0xFFFFFEF7, lr;
	s5 =	simm.s32 $0xFFFFFFFF;
	p2 =	slt.u32 s8, $0xFFFFF086  }
0x1c: {  	p1 =	slt.u32 s9, $0xF7A;
	s5 =	simm.s32 @!p2 $0x0  }
0x1d: {  	s5 =	simm.s32 @p1 $0x1;
	p0 =	seq.s32 s7, s2  }
0x1e: {  	s7 =	smul.u32 @!p0 $0xF7A, s2;
	p2 =	seq.s32 @!p0 s5, $0x0  }
0x1f: {  	s9 =	smul.u32 $0xF7A, s1;
	s8 =	simm.s32 @!p0 $0x1BF5;
	p2 =	por !p2, p0  }
0x20: {  	[sflag:s8] =	ssyncset.s32 @!p0 $0xFFFFF086;
	s6 =	sadd.s32 @!p0 s3, s7;
	s7 =	simm.s32 @!p0 $0x108  }
0x21: {  	s3 =	sadd.s32 s3, s9;
	s6 =	sadd.s32 @!p0 $0x88, s6;
	s7 =	simm.s32 @p2 $0x1082  }
0x22: {  	[simem:s7], [sflag:s8] =	dma.local @!p0 [hbm:s6], $0xF7A  }
0x23: {  	s9 =	sor.u32 $0xD0000000, s2;
	s6 =	simm.s32 $0x108;
	_ =	swait.ge @!p0 [sflag:s8], $0x0  }
0x24: {  	s3 =	sadd.s32 $0x88, s3;
	s6 =	simm.s32 @!p1 $0x1082;
	[sflag:s4] =	ssyncset.s32 $0xFFFFF086  }
0x25: {  	[simem:s6], [sflag:s4] =	dma.local [hbm:s3], $0xF7A  }
0x26: {  	[smem:$0x3F93] =	sst s1;
	(tag) =	ssettag s2;
	_ =	strace s9  }
0x27: {  	s1 =	sld [smem:$0x3FA3]  }
0x28: {  	s2 =	sld [smem:$0x3FA4]  }
0x29: {  	s4 =	sld [smem:$0x3FA6]  }
0x2a: {  	p0 =	seq.s32 s5, $0x0;
	s5 =	sld [smem:$0x3FA7]  }
0x2b: {  	s6 =	sld [smem:$0x3FA8]  }
0x2c: {  	s7 =	sld [smem:$0x3FA9]  }
0x2d: {  	s3 =	simm.s32 $0x108;
	s8 =	sld [smem:$0x3FAA]  }
0x2e: {  	s3 =	simm.s32 @!p0 $0x1082;
	s9 =	sld [smem:$0x3FAB]  }
0x2f: {  	lr =	sadd.s32 s0, s3;
	s0 =	sld [smem:$0x3FA2]  }
0x30: {  	s3 =	sld [smem:$0x3FA5]  }
0x31: {  	[smem:$0x3FAE] =	sst s10  }
0x32: {  	s10 =	sld [smem:$0x3FAC];
	_ =	sdelay $0x3  }
0x33: {  	p0 =	seq.s32 s10, $0x1;
	s10 =	sld [smem:$0x3FAE];
	_ =	sdelay $0x3  }
0x34: {  	[smem:$0x3FAE] =	sst s10  }
0x35: {  	s10 =	sld [smem:$0x3FAD];
	_ =	sdelay $0x3  }
0x36: {  	p1 =	seq.s32 s10, $0x1;
	s10 =	sld [smem:$0x3FAE];
	_ =	sdelay $0x3  }
0x37: {  	[smem:$0x3FAE] =	sst s10  }
0x38: {  	s10 =	sld [smem:$0x3FAF]  }
0x39: {  	_ = 	snop;
	(pc) =	sbr.ind lr, $3  }
0x3a: {  	_ = 	snop  }
0x3b: {  	_ = 	snop  }
0x3c: {  	p2 =	seq.s32 s10, $0x1;
	s10 =	sld [smem:$0x3FAE]  }
0x3d: {  	_ =	shalt  }
0x3e: {  	_ =	shalt  }
0x3f: {  	_ =	shalt  }
0x40: {  	_ =	shalt  }
0x41: {  	_ =	shalt  }
0x42: {  	_ =	shalt  }
0x43: {  	_ =	shalt  }
0x44: {  	_ =	shalt  }
0x45: {  	_ =	shalt  }
0x46: {  	_ =	shalt  }
0x47: {  	_ =	shalt  }
0x48: {  	_ =	shalt  }
0x49: {  	_ =	shalt  }
0x4a: {  	_ =	shalt  }
0x4b: {  	_ =	shalt  }
0x4c: {  	_ =	shalt  }
0x4d: {  	_ =	shalt  }
0x4e: {  	_ =	shalt  }
0x4f: {  	_ =	shalt  }
0x50: {  	_ =	shalt  }
0x51: {  	_ =	shalt  }
0x52: {  	_ =	shalt  }
0x53: {  	_ =	shalt  }
0x54: {  	_ =	shalt  }
0x55: {  	_ =	shalt  }
0x56: {  	_ =	shalt  }
0x57: {  	_ =	shalt  }
0x58: {  	_ =	shalt  }
0x59: {  	_ =	shalt  }
0x5a: {  	_ =	shalt  }
0x5b: {  	_ =	shalt  }
0x5c: {  	_ =	shalt  }
0x5d: {  	_ =	shalt  }
0x5e: {  	_ =	shalt  }
0x5f: {  	_ =	shalt  }
0x60: {  	_ =	shalt  }
0x61: {  	_ =	shalt  }
0x62: {  	_ =	shalt  }
0x63: {  	_ =	shalt  }
0x64: {  	_ =	shalt  }
0x65: {  	_ =	shalt  }
0x66: {  	_ =	shalt  }
0x67: {  	_ =	shalt  }
0x68: {  	_ =	shalt  }
0x69: {  	_ =	shalt  }
0x6a: {  	_ =	shalt  }
0x6b: {  	_ =	shalt  }
0x6c: {  	_ =	shalt  }
0x6d: {  	_ =	shalt  }
0x6e: {  	_ =	shalt  }
0x6f: {  	_ =	shalt  }
0x70: {  	_ =	shalt  }
0x71: {  	_ =	shalt  }
0x72: {  	_ =	shalt  }
0x73: {  	_ =	shalt  }
0x74: {  	_ =	shalt  }
0x75: {  	_ =	shalt  }
0x76: {  	_ =	shalt  }
0x77: {  	_ =	shalt  }
0x78: {  	_ =	shalt  }
0x79: {  	_ =	shalt  }
0x7a: {  	_ =	shalt  }
0x7b: {  	_ =	shalt  }
0x7c: {  	_ =	shalt  }
0x7d: {  	_ =	shalt  }
0x7e: {  	_ =	shalt  }
0x7f: {  	_ =	shalt  }
0x80: {  	_ =	shalt  }
0x81: {  	_ =	shalt  }
0x82: {  	_ =	shalt  }
0x83: {  	_ =	shalt  }
0x84: {  	_ =	shalt  }
0x85: {  	_ =	shalt  }
0x86: {  	_ =	shalt  }
0x87: {  	_ =	shalt  }
.Lfunc_end0:
.L_simem_size_0:
called_computation.1_lowered:
.L_overlay_start_0:
0x88: {  	s2 =	sld [smem:$0x3FD9]  }
0x89: {  	s3 =	sld [smem:$0x3FFE];
	_ =	sdelay $0x1  }
0x8a: {  	s1 =	srdreg.scid  }
0x8b: {  	s0 =	sand.u32 $0x1, s1  }
0x8c: {  	s16 =	sshll.u32 s0, $0xA;
	s2 =	sadd.s32 s3, s2  }
0x8d: {  	s2 =	sadd.s32 s2, s16  }
0x8e: {  	[smem:$0x3FBA] =	sst s2  }
0x8f: {  	_ = 	snop  }
0x90: {  	(tm) =	ssettm $0x1  }
0x91: {  	s17 =	sld [smem:$0x3FFB];
	_ =	sdelay $0x3  }
0x92: {  	_ =	strace s17  }
0x93: {  	s2 =	sld [smem:$0x3FFC];
	_ =	sdelay $0x3  }
0x94: {  	_ =	strace s2  }
0x95: {  	s2 =	sld [smem:$0x3FFD];
	_ =	sdelay $0x3  }
0x96: {  	_ =	strace s2  }
0x97: {  	_ =	strace $0x8FFFFFFF  }
0x98: {  	s18 =	sld [smem:$0x3FDB];
	_ =	sdelay $0x1  }
0x99: {  	s19 =	simm.s32 $_scs_section_size  }
0x9a: {  	s4 =	simm.s32 $_size__tile_overlayer_lowered;
	s5 =	simm.s32 $_tile_overlayer_lowered  }
0x9b: {  	s22 =	simm.s32 $0x1BFF;
	s21 =	sshll.u32 s5, $0x1;
	s2 =	sadd.s32 s19, s18  }
0x9c: {  	s6 =	simm.s32 $0x0;
	s20 =	sshll.u32 s4, $0x1;
	s4 =	sadd.s32 s21, s2  }
0x9d: {  	[timem:s6], [sflag:s22] =	dma.local [hbm:s4], s20  }
0x9e: {  	_ =	swait.ge [sflag:s22], s20  }
0x9f: {  	s3 =	ssub.s32 $0x0, s20;
	[sflag:s22] =	ssyncset.done $0x0  }
0xa0: {  	[sflag:s22] =	ssyncadd.s32 s3;
	_ =	sdelay $0x1  }
0xa1: {  	s23 =	simm.s32 $0x1B8B  }
0xa2: {  	_ =	swait.ge [sflag:s23], $0x1  }
0xa3: {  	[sflag:s23] =	ssyncset.done $0x0  }
0xa4: {  	s25 =	simm.s32 $0x1B8E;
	s24 =	sld [smem:$0x3FFE];
	[sflag:s23] =	ssyncadd.s32 $0xFFFFFFFF  }
0xa5: {  	s26 =	simm.s32 $execute0_lowered;
	[smem:$0x3FD2] =	sst s25  }
0xa6: {  	s4 =	sshll.u32 s26, $0x1;
	_ =	strace $0x80000049;
	[dreg:$0x1] =	wrdreg $0xFFFFFFFF  }
0xa7: {  	s28 =	simm.s32 $_size_execute0_lowered;
	s2 =	sadd.s32 s2, s4;
	[dreg:$0x0] =	wrdreg $0x0  }
0xa8: {  	s4 =	sshll.u32 s28, $0x1;
	[dreg:$0x2] =	wrdreg s2  }
0xa9: {  	[dreg:$0x3] =	wrdreg s4  }
0xaa: {  	[dreg:$0x4] =	wrdreg $0xC0  }
0xab: {  	_ =	task [dreg:s6], $0x5FFFF  }
0xac: {  	[dreg:$0x1] =	wrdreg $0xFFFFFFFF  }
0xad: {  	[dreg:$0x0] =	wrdreg $0x60  }
0xae: {  	[dreg:$0x2] =	wrdreg s24  }
0xaf: {  	[dreg:$0x3] =	wrdreg $0x9  }
0xb0: {  	_ =	task.clear_ibuf [dreg:s6], $0x4FFFF;
	_ =	strace $0x90000049  }
0xb1: {  	s29 =	simm.s32 $0x9;
	_ =	strace $0x8000004B  }
0xb2: {  	_ =	swait.ge [sflag:s29], $0x1  }
0xb3: {  	[sflag:s29] =	ssyncadd.s32 $0xFFFFFFFF  }
0xb4: {  	_ =	strace $0x9000004B  }
0xb5: {  	_ =	sfence  }
0xb6: {  	s30 =	sld [smem:$0x0];
	_ =	sdelay $0x2  }
0xb7: {  	s31 =	sshll.u32 s1, $0xD;
	s1 =	sshrl.u32 s1, $0x2  }
0xb8: {  	s3 =	sand.u32 $0x4000, s31;
	s1 =	sadd.s32 s1, s30  }
0xb9: {  	s0 =	sor.u32 s3, s0;
	s1 =	sshll.u32 s1, $0x11  }
0xba: {  	s0 =	sor.u32 s1, s0  }
0xbb: {  	s0 =	sadd.s32 $0x8F2B, s0  }
0xbc: {  	[sflag:s0] =	ssyncadd.remote.s32 $0x1  }
0xbd: {  	_ =	sfence.sel $0xFFFF  }
0xbe: {  	[dreg:$0x0] =	wrdreg $0xFFFFFFFF;
	(pc) =	sbr.abs _section_cstart, $3  }
0xbf: {  	[dreg:$0x1] =	wrdreg $0xFFFFFFFF  }
0xc0: {  	_ =	task.clear_ibuf [dreg:s6], $0x2FFFF;
	_ =	strace $0x9FFFFFFF  }
0xc1: {  	(tm) =	ssettm $0x7FFFFFFF  }
tec
execute0_lowered:
.L_overlay_start_1:
0x0: {  	(tag) =	ssettag $0x1  }
0x1: {  	s4 =	rddreg [dreg:$0x0]  }
0x2: {  	s0 =	rddreg [dreg:$0x1]  }
0x3: {  	s3 =	srdreg.scid;
	s2 =	simm.s32 $0x0;
	s1 =	stileid.u32  }
0x4: {  	s9 =	simm.s32 $0x4800;
	s26 =	simm.s32 $0x5000;
	s28 =	simm.s32 $0x5800  }
0x5: {  	s29 =	simm.s32 $0x6000;
	s30 =	simm.s32 $0x6800;
	s31 =	simm.s32 $0x7000  }
0x6: {  	s10 =	simm.s32 $0x7800;
	s11 =	simm.s32 $0x8800;
	s12 =	simm.s32 $0x9000  }
0x7: {  	s13 =	simm.s32 $0x9800;
	s14 =	simm.s32 $0xA000;
	[smem:$0x7FF] =	sst s2  }
0x8: {  	s15 =	simm.s32 $0xA800;
	_ =	strace $0x8000004A;
	[dreg:$0x2] =	wrdreg s9  }
0x9: {  	s16 =	simm.s32 $0xB000;
	s17 =	simm.s32 $0xB800;
	[dreg:$0x3] =	wrdreg s26  }
0xa: {  	s18 =	simm.s32 $0x1;
	s19 =	simm.s32 $0x0;
	[dreg:$0x4] =	wrdreg s28  }
0xb: {  	s6 =	sand.u32 $0x1, s3;
	s24 =	sshll.u32 s1, $0xC;
	[dreg:$0x5] =	wrdreg s29  }
0xc: {  	s7 =	sshll.u32 s1, $0x10;
	s5 =	sshll.u32 s6, $0xB;
	[dreg:$0x6] =	wrdreg s30  }
0xd: {  	s8 =	ssub.s32 $0x2, s6;
	s7 =	sadd.s32 s7, s4;
	[dreg:$0x7] =	wrdreg s31  }
0xe: {  	s6 =	sshll.u32 s6, $0xF;
	s9 =	simm.s32 $0x4000;
	[dreg:$0x8] =	wrdreg s10  }
0xf: {  	s10 =	simm.s32 $0x8000;
	s3 =	sor.u32 s5, s24;
	s25 =	sshrl.u32 s8, $0x1  }
0x10: {  	s6 =	sadd.s32 s6, s7;
	s7 =	simm.s32 $0x2;
	s5 =	sadd.s32 s3, s4  }
0x11: {  	s3 =	sadd.s32 $0x4600, s4;
	s8 =	ssub.s32 s8, s25;
	s6 =	sadd.s32 $0x50A000, s6  }
0x12: {  	s4 =	sadd.s32 $0x4FA000, s5;
	s5 =	smax.u32 s8, $0x1;
	s8 =	simm.s32 $0x80  }
.LBB2_1:
0x13: {  	[tilespmem:s2], [sflag:$0x2] =	stream.linear.gather [hbm4b:s4+s2], $0x4000, $0x38;
	[tilespmem:$0xC000] =	vst v63  }
0x14: {  	_ =	swait.ge [sflag:s7], $0x4000  }
0x15: {  	[sflag:s7] =	ssyncset.done $0x0  }
0x16: {  	s20 =	simm.s32 $0x0;
	[sflag:s7] =	ssyncadd.s32 $0xFFFFC000  }
0x17: {  	[tilespmem:s9], [sflag:$0x1] =	stream.indirect.gather [hbm4b:s3+s8], $0x10, s20, s8, $0xb8;
	[tilespmem:$0xC000] =	vst v63  }
0x18: {  	s29 =	simm.s32 $0x80;
	s21 =	rddreg [dreg:$0x2]  }
0x19: {  	[tilespmem:s21], [sflag:$0x1] =	stream.indirect.gather [hbm4b:s3+s8], $0x10, s29, s8, $0xb8;
	[tilespmem:$0xC000] =	vst v63  }
0x1a: {  	s31 =	simm.s32 $0x100;
	s22 =	rddreg [dreg:$0x3]  }
0x1b: {  	[tilespmem:s22], [sflag:$0x1] =	stream.indirect.gather [hbm4b:s3+s8], $0x10, s31, s8, $0xb8;
	[tilespmem:$0xC000] =	vst v63  }
0x1c: {  	s23 =	simm.s32 $0x180;
	s30 =	rddreg [dreg:$0x4]  }
0x1d: {  	[tilespmem:s30], [sflag:$0x1] =	stream.indirect.gather [hbm4b:s3+s8], $0x10, s23, s8, $0xb8;
	[tilespmem:$0xC000] =	vst v63  }
0x1e: {  	s26 =	simm.s32 $0x200;
	s24 =	rddreg [dreg:$0x5]  }
0x1f: {  	[tilespmem:s24], [sflag:$0x1] =	stream.indirect.gather [hbm4b:s3+s8], $0x10, s26, s8, $0xb8;
	[tilespmem:$0xC000] =	vst v63  }
0x20: {  	s28 =	simm.s32 $0x280;
	s25 =	rddreg [dreg:$0x6]  }
0x21: {  	[tilespmem:s25], [sflag:$0x1] =	stream.indirect.gather [hbm4b:s3+s8], $0x10, s28, s8, $0xb8;
	[tilespmem:$0xC000] =	vst v63  }
0x22: {  	s29 =	rddreg [dreg:$0x7];
	s30 =	simm.s32 $0x300  }
0x23: {  	[tilespmem:s29], [sflag:$0x1] =	stream.indirect.gather [hbm4b:s3+s8], $0x10, s30, s8, $0xb8;
	[tilespmem:$0xC000] =	vst v63  }
0x24: {  	s31 =	rddreg [dreg:$0x8];
	s22 =	simm.s32 $0x380  }
0x25: {  	[tilespmem:s31], [sflag:$0x1] =	stream.indirect.gather [hbm4b:s3+s8], $0x10, s22, s8, $0xb8;
	[tilespmem:$0xC000] =	vst v63  }
0x26: {  	s23 =	simm.s32 $0x400  }
0x27: {  	[tilespmem:s10], [sflag:$0x1] =	stream.indirect.gather [hbm4b:s3+s8], $0x10, s23, s8, $0xb8;
	[tilespmem:$0xC000] =	vst v63  }
0x28: {  	s24 =	simm.s32 $0x480  }
0x29: {  	[tilespmem:s11], [sflag:$0x1] =	stream.indirect.gather [hbm4b:s3+s8], $0x10, s24, s8, $0xb8;
	[tilespmem:$0xC000] =	vst v63  }
0x2a: {  	s25 =	simm.s32 $0x500  }
0x2b: {  	[tilespmem:s12], [sflag:$0x1] =	stream.indirect.gather [hbm4b:s3+s8], $0x10, s25, s8, $0xb8;
	[tilespmem:$0xC000] =	vst v63  }
0x2c: {  	s26 =	simm.s32 $0x580  }
0x2d: {  	[tilespmem:s13], [sflag:$0x1] =	stream.indirect.gather [hbm4b:s3+s8], $0x10, s26, s8, $0xb8;
	[tilespmem:$0xC000] =	vst v63  }
0x2e: {  	s28 =	simm.s32 $0x600  }
0x2f: {  	[tilespmem:s14], [sflag:$0x1] =	stream.indirect.gather [hbm4b:s3+s8], $0x10, s28, s8, $0xb8;
	[tilespmem:$0xC000] =	vst v63  }
0x30: {  	s29 =	simm.s32 $0x680  }
0x31: {  	[tilespmem:s15], [sflag:$0x1] =	stream.indirect.gather [hbm4b:s3+s8], $0x10, s29, s8, $0xb8;
	[tilespmem:$0xC000] =	vst v63  }
0x32: {  	s30 =	simm.s32 $0x700  }
0x33: {  	[tilespmem:s16], [sflag:$0x1] =	stream.indirect.gather [hbm4b:s3+s8], $0x10, s30, s8, $0xb8;
	[tilespmem:$0xC000] =	vst v63  }
0x34: {  	s31 =	simm.s32 $0x780  }
0x35: {  	[tilespmem:s17], [sflag:$0x1] =	stream.indirect.gather [hbm4b:s3+s8], $0x10, s31, s8, $0xb8;
	[tilespmem:$0xC000] =	vst v63  }
0x36: {  	_ =	swait.ge [sflag:s18], $0x800  }
0x37: {  	[sflag:s18] =	ssyncset.done $0x0  }
0x38: {  	[sflag:s18] =	ssyncadd.s32 $0xFFFFF800  }
0x39: {  	_ =	swait.ge [sflag:s18], $0x800  }
0x3a: {  	[sflag:s18] =	ssyncset.done $0x0  }
0x3b: {  	[sflag:s18] =	ssyncadd.s32 $0xFFFFF800  }
0x3c: {  	_ =	swait.ge [sflag:s18], $0x800  }
0x3d: {  	[sflag:s18] =	ssyncset.done $0x0  }
0x3e: {  	[sflag:s18] =	ssyncadd.s32 $0xFFFFF800  }
0x3f: {  	_ =	swait.ge [sflag:s18], $0x800  }
0x40: {  	[sflag:s18] =	ssyncset.done $0x0  }
0x41: {  	[sflag:s18] =	ssyncadd.s32 $0xFFFFF800  }
0x42: {  	_ =	swait.ge [sflag:s18], $0x800  }
0x43: {  	[sflag:s18] =	ssyncset.done $0x0  }
0x44: {  	[sflag:s18] =	ssyncadd.s32 $0xFFFFF800  }
0x45: {  	_ =	swait.ge [sflag:s18], $0x800  }
0x46: {  	[sflag:s18] =	ssyncset.done $0x0  }
0x47: {  	[sflag:s18] =	ssyncadd.s32 $0xFFFFF800  }
0x48: {  	_ =	swait.ge [sflag:s18], $0x800  }
0x49: {  	[sflag:s18] =	ssyncset.done $0x0  }
0x4a: {  	[sflag:s18] =	ssyncadd.s32 $0xFFFFF800  }
0x4b: {  	_ =	swait.ge [sflag:s18], $0x800  }
0x4c: {  	[sflag:s18] =	ssyncset.done $0x0  }
0x4d: {  	[sflag:s18] =	ssyncadd.s32 $0xFFFFF800  }
0x4e: {  	_ =	swait.ge [sflag:s18], $0x800  }
0x4f: {  	[sflag:s18] =	ssyncset.done $0x0  }
0x50: {  	[sflag:s18] =	ssyncadd.s32 $0xFFFFF800  }
0x51: {  	_ =	swait.ge [sflag:s18], $0x800  }
0x52: {  	[sflag:s18] =	ssyncset.done $0x0  }
0x53: {  	[sflag:s18] =	ssyncadd.s32 $0xFFFFF800  }
0x54: {  	_ =	swait.ge [sflag:s18], $0x800  }
0x55: {  	[sflag:s18] =	ssyncset.done $0x0  }
0x56: {  	[sflag:s18] =	ssyncadd.s32 $0xFFFFF800  }
0x57: {  	_ =	swait.ge [sflag:s18], $0x800  }
0x58: {  	[sflag:s18] =	ssyncset.done $0x0  }
0x59: {  	[sflag:s18] =	ssyncadd.s32 $0xFFFFF800  }
0x5a: {  	_ =	swait.ge [sflag:s18], $0x800  }
0x5b: {  	[sflag:s18] =	ssyncset.done $0x0  }
0x5c: {  	[sflag:s18] =	ssyncadd.s32 $0xFFFFF800  }
0x5d: {  	_ =	swait.ge [sflag:s18], $0x800  }
0x5e: {  	[sflag:s18] =	ssyncset.done $0x0  }
0x5f: {  	[sflag:s18] =	ssyncadd.s32 $0xFFFFF800  }
0x60: {  	_ =	swait.ge [sflag:s18], $0x800  }
0x61: {  	[sflag:s18] =	ssyncset.done $0x0  }
0x62: {  	[sflag:s18] =	ssyncadd.s32 $0xFFFFF800  }
0x63: {  	_ =	swait.ge [sflag:s18], $0x800  }
0x64: {  	[sflag:s18] =	ssyncset.done $0x0  }
0x65: {  	s20 =	sadd.s32 $0x1000, s6;
	[sflag:s18] =	ssyncadd.s32 $0xFFFFF800  }
0x66: {  	[hbm4b:s6+s2] =	stream.linear.scatter [tilespmem:s9], [sflag:$0x2], $0x8000, $0x38;
	[tilespmem:$0xC000] =	vst v63  }
0x67: {  	s21 =	simm.s32 $0x2000;
	s22 =	simm.s32 $0x4000;
	_ =	swait.ge [sflag:s7], $0x8000  }
.LBB2_2:
0x68: {  	[sflag:s7] =	ssyncset.done $0x0  }
0x69: {  	s23 =	sshra.s32 s21, $0x2;
	[sflag:s7] =	ssyncadd.s32 $0xFFFF8000  }
0x6a: {  	[tilespmem:s9], [sflag:$0x1] =	stream.indirect.gather [hbm4b:s3+s8], $0x10, s23, s8, $0xb8;
	[tilespmem:$0xC000] =	vst v63  }
0x6b: {  	s24 =	rddreg [dreg:$0x2];
	s25 =	sadd.s32 $0x80, s23  }
0x6c: {  	[tilespmem:s24], [sflag:$0x1] =	stream.indirect.gather [hbm4b:s3+s8], $0x10, s25, s8, $0xb8;
	[tilespmem:$0xC000] =	vst v63  }
0x6d: {  	s28 =	rddreg [dreg:$0x3];
	s30 =	sadd.s32 $0x100, s23  }
0x6e: {  	[tilespmem:s28], [sflag:$0x1] =	stream.indirect.gather [hbm4b:s3+s8], $0x10, s30, s8, $0xb8;
	[tilespmem:$0xC000] =	vst v63  }
0x6f: {  	s26 =	rddreg [dreg:$0x4];
	s31 =	sadd.s32 $0x180, s23  }
0x70: {  	[tilespmem:s26], [sflag:$0x1] =	stream.indirect.gather [hbm4b:s3+s8], $0x10, s31, s8, $0xb8;
	[tilespmem:$0xC000] =	vst v63  }
0x71: {  	s24 =	sadd.s32 $0x200, s23;
	s30 =	rddreg [dreg:$0x5]  }
0x72: {  	[tilespmem:s30], [sflag:$0x1] =	stream.indirect.gather [hbm4b:s3+s8], $0x10, s24, s8, $0xb8;
	[tilespmem:$0xC000] =	vst v63  }
0x73: {  	s29 =	rddreg [dreg:$0x6];
	s31 =	sadd.s32 $0x280, s23  }
0x74: {  	[tilespmem:s29], [sflag:$0x1] =	stream.indirect.gather [hbm4b:s3+s8], $0x10, s31, s8, $0xb8;
	[tilespmem:$0xC000] =	vst v63  }
0x75: {  	s26 =	rddreg [dreg:$0x7];
	s30 =	sadd.s32 $0x300, s23  }
0x76: {  	[tilespmem:s26], [sflag:$0x1] =	stream.indirect.gather [hbm4b:s3+s8], $0x10, s30, s8, $0xb8;
	[tilespmem:$0xC000] =	vst v63  }
0x77: {  	s31 =	sadd.s32 $0x380, s23;
	s29 =	rddreg [dreg:$0x8]  }
0x78: {  	[tilespmem:s29], [sflag:$0x1] =	stream.indirect.gather [hbm4b:s3+s8], $0x10, s31, s8, $0xb8;
	[tilespmem:$0xC000] =	vst v63  }
0x79: {  	s30 =	sadd.s32 $0x400, s23  }
0x7a: {  	[tilespmem:s10], [sflag:$0x1] =	stream.indirect.gather [hbm4b:s3+s8], $0x10, s30, s8, $0xb8;
	[tilespmem:$0xC000] =	vst v63  }
0x7b: {  	s31 =	sadd.s32 $0x480, s23  }
0x7c: {  	[tilespmem:s11], [sflag:$0x1] =	stream.indirect.gather [hbm4b:s3+s8], $0x10, s31, s8, $0xb8;
	[tilespmem:$0xC000] =	vst v63  }
0x7d: {  	s26 =	sadd.s32 $0x500, s23  }
0x7e: {  	[tilespmem:s12], [sflag:$0x1] =	stream.indirect.gather [hbm4b:s3+s8], $0x10, s26, s8, $0xb8;
	[tilespmem:$0xC000] =	vst v63  }
0x7f: {  	s28 =	sadd.s32 $0x580, s23  }
0x80: {  	[tilespmem:s13], [sflag:$0x1] =	stream.indirect.gather [hbm4b:s3+s8], $0x10, s28, s8, $0xb8;
	[tilespmem:$0xC000] =	vst v63  }
0x81: {  	s29 =	sadd.s32 $0x600, s23  }
0x82: {  	[tilespmem:s14], [sflag:$0x1] =	stream.indirect.gather [hbm4b:s3+s8], $0x10, s29, s8, $0xb8;
	[tilespmem:$0xC000] =	vst v63  }
0x83: {  	s30 =	sadd.s32 $0x680, s23  }
0x84: {  	[tilespmem:s15], [sflag:$0x1] =	stream.indirect.gather [hbm4b:s3+s8], $0x10, s30, s8, $0xb8;
	[tilespmem:$0xC000] =	vst v63  }
0x85: {  	s31 =	sadd.s32 $0x700, s23  }
0x86: {  	[tilespmem:s16], [sflag:$0x1] =	stream.indirect.gather [hbm4b:s3+s8], $0x10, s31, s8, $0xb8;
	[tilespmem:$0xC000] =	vst v63  }
0x87: {  	s23 =	sadd.s32 $0x780, s23  }
0x88: {  	[tilespmem:s17], [sflag:$0x1] =	stream.indirect.gather [hbm4b:s3+s8], $0x10, s23, s8, $0xb8;
	[tilespmem:$0xC000] =	vst v63  }
0x89: {  	_ =	swait.ge [sflag:s18], $0x800  }
0x8a: {  	[sflag:s18] =	ssyncset.done $0x0  }
0x8b: {  	[sflag:s18] =	ssyncadd.s32 $0xFFFFF800  }
0x8c: {  	_ =	swait.ge [sflag:s18], $0x800  }
0x8d: {  	[sflag:s18] =	ssyncset.done $0x0  }
0x8e: {  	[sflag:s18] =	ssyncadd.s32 $0xFFFFF800  }
0x8f: {  	_ =	swait.ge [sflag:s18], $0x800  }
0x90: {  	[sflag:s18] =	ssyncset.done $0x0  }
0x91: {  	[sflag:s18] =	ssyncadd.s32 $0xFFFFF800  }
0x92: {  	_ =	swait.ge [sflag:s18], $0x800  }
0x93: {  	[sflag:s18] =	ssyncset.done $0x0  }
0x94: {  	[sflag:s18] =	ssyncadd.s32 $0xFFFFF800  }
0x95: {  	_ =	swait.ge [sflag:s18], $0x800  }
0x96: {  	[sflag:s18] =	ssyncset.done $0x0  }
0x97: {  	[sflag:s18] =	ssyncadd.s32 $0xFFFFF800  }
0x98: {  	_ =	swait.ge [sflag:s18], $0x800  }
0x99: {  	[sflag:s18] =	ssyncset.done $0x0  }
0x9a: {  	[sflag:s18] =	ssyncadd.s32 $0xFFFFF800  }
0x9b: {  	_ =	swait.ge [sflag:s18], $0x800  }
0x9c: {  	[sflag:s18] =	ssyncset.done $0x0  }
0x9d: {  	[sflag:s18] =	ssyncadd.s32 $0xFFFFF800  }
0x9e: {  	_ =	swait.ge [sflag:s18], $0x800  }
0x9f: {  	[sflag:s18] =	ssyncset.done $0x0  }
0xa0: {  	[sflag:s18] =	ssyncadd.s32 $0xFFFFF800  }
0xa1: {  	_ =	swait.ge [sflag:s18], $0x800  }
0xa2: {  	[sflag:s18] =	ssyncset.done $0x0  }
0xa3: {  	[sflag:s18] =	ssyncadd.s32 $0xFFFFF800  }
0xa4: {  	_ =	swait.ge [sflag:s18], $0x800  }
0xa5: {  	[sflag:s18] =	ssyncset.done $0x0  }
0xa6: {  	[sflag:s18] =	ssyncadd.s32 $0xFFFFF800  }
0xa7: {  	_ =	swait.ge [sflag:s18], $0x800  }
0xa8: {  	[sflag:s18] =	ssyncset.done $0x0  }
0xa9: {  	[sflag:s18] =	ssyncadd.s32 $0xFFFFF800  }
0xaa: {  	_ =	swait.ge [sflag:s18], $0x800  }
0xab: {  	[sflag:s18] =	ssyncset.done $0x0  }
0xac: {  	[sflag:s18] =	ssyncadd.s32 $0xFFFFF800  }
0xad: {  	_ =	swait.ge [sflag:s18], $0x800  }
0xae: {  	[sflag:s18] =	ssyncset.done $0x0  }
0xaf: {  	[sflag:s18] =	ssyncadd.s32 $0xFFFFF800  }
0xb0: {  	_ =	swait.ge [sflag:s18], $0x800  }
0xb1: {  	[sflag:s18] =	ssyncset.done $0x0  }
0xb2: {  	[sflag:s18] =	ssyncadd.s32 $0xFFFFF800  }
0xb3: {  	_ =	swait.ge [sflag:s18], $0x800  }
0xb4: {  	[sflag:s18] =	ssyncset.done $0x0  }
0xb5: {  	p0 =	sne.s32 s22, $0xE000;
	[sflag:s18] =	ssyncadd.s32 $0xFFFFF800  }
.Ltmp0:
0xb6: {  	_ =	swait.ge [sflag:s18], $0x800;
	(pc) =	sbr.rel @p0 .LBB2_2-.Ltmp0, $4  }
0xb7: {  	[sflag:s18] =	ssyncset.done $0x0  }
0xb8: {  	s21 =	smov.u32 s22;
	[sflag:s18] =	ssyncadd.s32 $0xFFFFF800  }
0xb9: {  	[hbm4b:s20+s2] =	stream.linear.scatter [tilespmem:s9], [sflag:$0x2], $0x8000, $0x38;
	[tilespmem:$0xC000] =	vst v63  }
0xba: {  	s22 =	sadd.s32 $0x2000, s22;
	s20 =	sadd.s32 $0x1000, s20;
	_ =	swait.ge [sflag:s7], $0x8000  }
0xbb: {  	[sflag:s7] =	ssyncset.done $0x0  }
0xbc: {  	s21 =	sshra.s32 s21, $0x2;
	[sflag:s7] =	ssyncadd.s32 $0xFFFF8000  }
0xbd: {  	[tilespmem:s9], [sflag:$0x1] =	stream.indirect.gather [hbm4b:s3+s8], $0x10, s21, s8, $0xb8;
	[tilespmem:$0xC000] =	vst v63  }
0xbe: {  	s22 =	rddreg [dreg:$0x2];
	s23 =	sadd.s32 $0x80, s21  }
0xbf: {  	[tilespmem:s22], [sflag:$0x1] =	stream.indirect.gather [hbm4b:s3+s8], $0x10, s23, s8, $0xb8;
	[tilespmem:$0xC000] =	vst v63  }
0xc0: {  	s24 =	rddreg [dreg:$0x3];
	s28 =	sadd.s32 $0x100, s21  }
0xc1: {  	[tilespmem:s24], [sflag:$0x1] =	stream.indirect.gather [hbm4b:s3+s8], $0x10, s28, s8, $0xb8;
	[tilespmem:$0xC000] =	vst v63  }
0xc2: {  	s26 =	rddreg [dreg:$0x4];
	s29 =	sadd.s32 $0x180, s21  }
0xc3: {  	[tilespmem:s26], [sflag:$0x1] =	stream.indirect.gather [hbm4b:s3+s8], $0x10, s29, s8, $0xb8;
	[tilespmem:$0xC000] =	vst v63  }
0xc4: {  	s30 =	rddreg [dreg:$0x5];
	s25 =	sadd.s32 $0x200, s21  }
0xc5: {  	[tilespmem:s30], [sflag:$0x1] =	stream.indirect.gather [hbm4b:s3+s8], $0x10, s25, s8, $0xb8;
	[tilespmem:$0xC000] =	vst v63  }
0xc6: {  	s31 =	rddreg [dreg:$0x6];
	s26 =	sadd.s32 $0x280, s21  }
0xc7: {  	[tilespmem:s31], [sflag:$0x1] =	stream.indirect.gather [hbm4b:s3+s8], $0x10, s26, s8, $0xb8;
	[tilespmem:$0xC000] =	vst v63  }
0xc8: {  	s28 =	rddreg [dreg:$0x7];
	s29 =	sadd.s32 $0x300, s21  }
0xc9: {  	[tilespmem:s28], [sflag:$0x1] =	stream.indirect.gather [hbm4b:s3+s8], $0x10, s29, s8, $0xb8;
	[tilespmem:$0xC000] =	vst v63  }
0xca: {  	s30 =	rddreg [dreg:$0x8];
	s31 =	sadd.s32 $0x380, s21  }
0xcb: {  	[tilespmem:s30], [sflag:$0x1] =	stream.indirect.gather [hbm4b:s3+s8], $0x10, s31, s8, $0xb8;
	[tilespmem:$0xC000] =	vst v63  }
0xcc: {  	s24 =	sadd.s32 $0x400, s21  }
0xcd: {  	[tilespmem:s10], [sflag:$0x1] =	stream.indirect.gather [hbm4b:s3+s8], $0x10, s24, s8, $0xb8;
	[tilespmem:$0xC000] =	vst v63  }
0xce: {  	s25 =	sadd.s32 $0x480, s21  }
0xcf: {  	[tilespmem:s11], [sflag:$0x1] =	stream.indirect.gather [hbm4b:s3+s8], $0x10, s25, s8, $0xb8;
	[tilespmem:$0xC000] =	vst v63  }
0xd0: {  	s26 =	sadd.s32 $0x500, s21  }
0xd1: {  	[tilespmem:s12], [sflag:$0x1] =	stream.indirect.gather [hbm4b:s3+s8], $0x10, s26, s8, $0xb8;
	[tilespmem:$0xC000] =	vst v63  }
0xd2: {  	s28 =	sadd.s32 $0x580, s21  }
0xd3: {  	[tilespmem:s13], [sflag:$0x1] =	stream.indirect.gather [hbm4b:s3+s8], $0x10, s28, s8, $0xb8;
	[tilespmem:$0xC000] =	vst v63  }
0xd4: {  	s29 =	sadd.s32 $0x600, s21  }
0xd5: {  	[tilespmem:s14], [sflag:$0x1] =	stream.indirect.gather [hbm4b:s3+s8], $0x10, s29, s8, $0xb8;
	[tilespmem:$0xC000] =	vst v63  }
0xd6: {  	s30 =	sadd.s32 $0x680, s21  }
0xd7: {  	[tilespmem:s15], [sflag:$0x1] =	stream.indirect.gather [hbm4b:s3+s8], $0x10, s30, s8, $0xb8;
	[tilespmem:$0xC000] =	vst v63  }
0xd8: {  	s31 =	sadd.s32 $0x700, s21  }
0xd9: {  	[tilespmem:s16], [sflag:$0x1] =	stream.indirect.gather [hbm4b:s3+s8], $0x10, s31, s8, $0xb8;
	[tilespmem:$0xC000] =	vst v63  }
0xda: {  	s21 =	sadd.s32 $0x780, s21  }
0xdb: {  	[tilespmem:s17], [sflag:$0x1] =	stream.indirect.gather [hbm4b:s3+s8], $0x10, s21, s8, $0xb8;
	[tilespmem:$0xC000] =	vst v63  }
0xdc: {  	_ =	swait.ge [sflag:s18], $0x800  }
0xdd: {  	[sflag:s18] =	ssyncset.done $0x0  }
0xde: {  	[sflag:s18] =	ssyncadd.s32 $0xFFFFF800  }
0xdf: {  	_ =	swait.ge [sflag:s18], $0x800  }
0xe0: {  	[sflag:s18] =	ssyncset.done $0x0  }
0xe1: {  	[sflag:s18] =	ssyncadd.s32 $0xFFFFF800  }
0xe2: {  	_ =	swait.ge [sflag:s18], $0x800  }
0xe3: {  	[sflag:s18] =	ssyncset.done $0x0  }
0xe4: {  	[sflag:s18] =	ssyncadd.s32 $0xFFFFF800  }
0xe5: {  	_ =	swait.ge [sflag:s18], $0x800  }
0xe6: {  	[sflag:s18] =	ssyncset.done $0x0  }
0xe7: {  	[sflag:s18] =	ssyncadd.s32 $0xFFFFF800  }
0xe8: {  	_ =	swait.ge [sflag:s18], $0x800  }
0xe9: {  	[sflag:s18] =	ssyncset.done $0x0  }
0xea: {  	[sflag:s18] =	ssyncadd.s32 $0xFFFFF800  }
0xeb: {  	_ =	swait.ge [sflag:s18], $0x800  }
0xec: {  	[sflag:s18] =	ssyncset.done $0x0  }
0xed: {  	[sflag:s18] =	ssyncadd.s32 $0xFFFFF800  }
0xee: {  	_ =	swait.ge [sflag:s18], $0x800  }
0xef: {  	[sflag:s18] =	ssyncset.done $0x0  }
0xf0: {  	[sflag:s18] =	ssyncadd.s32 $0xFFFFF800  }
0xf1: {  	_ =	swait.ge [sflag:s18], $0x800  }
0xf2: {  	[sflag:s18] =	ssyncset.done $0x0  }
0xf3: {  	[sflag:s18] =	ssyncadd.s32 $0xFFFFF800  }
0xf4: {  	_ =	swait.ge [sflag:s18], $0x800  }
0xf5: {  	[sflag:s18] =	ssyncset.done $0x0  }
0xf6: {  	[sflag:s18] =	ssyncadd.s32 $0xFFFFF800  }
0xf7: {  	_ =	swait.ge [sflag:s18], $0x800  }
0xf8: {  	[sflag:s18] =	ssyncset.done $0x0  }
0xf9: {  	[sflag:s18] =	ssyncadd.s32 $0xFFFFF800  }
0xfa: {  	_ =	swait.ge [sflag:s18], $0x800  }
0xfb: {  	[sflag:s18] =	ssyncset.done $0x0  }
0xfc: {  	[sflag:s18] =	ssyncadd.s32 $0xFFFFF800  }
0xfd: {  	_ =	swait.ge [sflag:s18], $0x800  }
0xfe: {  	[sflag:s18] =	ssyncset.done $0x0  }
0xff: {  	[sflag:s18] =	ssyncadd.s32 $0xFFFFF800  }
0x100: {  	_ =	swait.ge [sflag:s18], $0x800  }
0x101: {  	[sflag:s18] =	ssyncset.done $0x0  }
0x102: {  	[sflag:s18] =	ssyncadd.s32 $0xFFFFF800  }
0x103: {  	_ =	swait.ge [sflag:s18], $0x800  }
0x104: {  	[sflag:s18] =	ssyncset.done $0x0  }
0x105: {  	[sflag:s18] =	ssyncadd.s32 $0xFFFFF800  }
0x106: {  	_ =	swait.ge [sflag:s18], $0x800  }
0x107: {  	[sflag:s18] =	ssyncset.done $0x0  }
0x108: {  	[sflag:s18] =	ssyncadd.s32 $0xFFFFF800  }
0x109: {  	s19 =	sadd.s32 $0x1, s19;
	_ =	swait.ge [sflag:s18], $0x800  }
0x10a: {  	p0 =	sne.s32 s19, s5;
	[sflag:s18] =	ssyncset.done $0x0  }
.Ltmp1:
0x10b: {  	[sflag:s18] =	ssyncadd.s32 $0xFFFFF800;
	(pc) =	sbr.rel @p0 .LBB2_1-.Ltmp1, $4  }
0x10c: {  	[hbm4b:s20+s2] =	stream.linear.scatter [tilespmem:s9], [sflag:$0x2], $0x8000, $0x38;
	[tilespmem:$0xC000] =	vst v63  }
0x10d: {  	_ =	swait.ge [sflag:s7], $0x8000  }
0x10e: {  	[sflag:s7] =	ssyncset.done $0x0  }
0x10f: {  	[sflag:s7] =	ssyncadd.s32 $0xFFFF8000  }
0x110: {  	_ =	sfence.sel $0x180000  }
0x111: {  	[bflag:$0x0] =	sbarrier.arrive $0xFFFF  }
0x112: {  	p0 =	sne.s32 s1, $0x0;
	_ =	strace $0x9000004A  }
0x113: {  	s0 =	sadd.s32 @!p0 $0x100000, s0;
	[bflag:$0x2] =	sbarrier.arrive $0xFFFF  }
0x114: {  	[sflag:s0] =	ssyncadd.tile.s32 @!p0 $0x1;
	_ =	shalt  }
.Lfunc_end2:
_tile_overlayer_lowered:
.L_overlay_start_2:
0x115: {  	(tag) =	ssettag $0x2  }
0x116: {  	s0 =	rddreg [dreg:$0x0];
	s2 =	stileid.u32  }
0x117: {  	s1 =	rddreg [dreg:$0x1];
	p0 =	sne.s32 s2, $0x0  }
0x118: {  	s3 =	rddreg [dreg:$0x2];
	[bflag:$0x3] =	sbarrier.arrive $0xFFFF;
	s2 =	simm.s32 @!p0 $0x1C02  }
0x119: {  	[timem:s3], [sflag:s2] =	dma.local @!p0 [hbm:s0], s1  }
0x11a: {  	s0 =	simm.s32 @!p0 $0x2  }
0x11b: {  	_ =	swait.ge @!p0 [sflag:s0], s1  }
0x11c: {  	s1 =	ssub.s32 @!p0 $0x0, s1;
	[sflag:s0] =	ssyncset.done @!p0 $0x0  }
0x11d: {  	[sflag:s0] =	ssyncadd.s32 @!p0 s1  }
0x11e: {  	[bflag:$0x3] =	sbarrier.arrive $0xFFFF  }
0x11f: {  	_ =	shalt  }

</sc_bundles>
